<compile_context>
chip_gen: v7x
topology: tpu7x:2x2x1
jax: 0.10.2.dev20260603
libtpu: 0.0.44.dev20260713+nightly
codegen_flags: <defaults>
</compile_context>

<pallas_src>
import functools

import jax
import jax.numpy as jnp
from jax import lax
from jax.experimental import pallas as pl
from jax.experimental.pallas import tpu as pltpu
from jax.experimental.pallas import tpu_sc as plsc

VOCAB = 100000
D = 64
N_HYP = 4
BATCH = 1024
SEQ = 200

C = N_HYP * D
NW = 32
CHUNK = 128
NBBLK = BATCH // CHUNK
NSLICE = 5
SSEQ = SEQ // NSLICE
UPW = SSEQ * NBBLK // NW
PAIRS = UPW // 2
CPK = C // 2


def _make_sc_kernel(s0):
    mesh = plsc.VectorSubcoreMesh(core_axis_name="c", subcore_axis_name="s")

    @functools.partial(
        pl.kernel,
        mesh=mesh,
        out_type=jax.ShapeDtypeStruct((SSEQ * BATCH, CPK), jnp.int32),
        scratch_types=[
            pltpu.VMEM((UPW * CHUNK,), jnp.int32),
            pltpu.VMEM((CHUNK, CPK), jnp.int32),
            pltpu.VMEM((CHUNK, CPK), jnp.int32),
            pltpu.SemaphoreType.DMA,
            pltpu.SemaphoreType.DMA,
            pltpu.SemaphoreType.DMA,
            pltpu.SemaphoreType.DMA,
        ],
    )
    def k(tbl_hbm, xtf_hbm, out_hbm, idx_all, rows0, rows1,
          sg0, sg1, so0, so1):
        nc = 2
        wid = lax.axis_index("s") * nc + lax.axis_index("c")
        tok0 = wid * (UPW * CHUNK)

        pltpu.sync_copy(
            xtf_hbm.at[pl.ds(s0 * BATCH + tok0, UPW * CHUNK)], idx_all)

        def idxs(u):
            return idx_all.at[pl.ds(u * CHUNK, CHUNK)]

        def dst(u):
            return out_hbm.at[pl.ds(tok0 + u * CHUNK, CHUNK)]

        pltpu.async_copy(tbl_hbm.at[idxs(0)], rows0, sg0)

        def body(i, carry):
            ua = 2 * i
            ub = ua + 1

            @pl.when(i > 0)
            def _():
                pltpu.make_async_copy(rows1, dst(ub - 2), so1).wait()

            pltpu.async_copy(tbl_hbm.at[idxs(ub)], rows1, sg1)
            pltpu.make_async_copy(tbl_hbm.at[idxs(ua)], rows0, sg0).wait()
            pltpu.async_copy(rows0, dst(ua), so0)

            @pl.when(i < PAIRS - 1)
            def _():
                pltpu.make_async_copy(rows0, dst(ua), so0).wait()
                pltpu.async_copy(tbl_hbm.at[idxs(ua + 2)], rows0, sg0)

            pltpu.make_async_copy(tbl_hbm.at[idxs(ub)], rows1, sg1).wait()
            pltpu.async_copy(rows1, dst(ub), so1)
            return carry

        lax.fori_loop(0, PAIRS, body, 0)
        pltpu.make_async_copy(rows0, dst(UPW - 2), so0).wait()
        pltpu.make_async_copy(rows1, dst(UPW - 1), so1).wait()

    return k


_sc_call = [_make_sc_kernel(i * SSEQ) for i in range(NSLICE)]


def _unpack_transpose_scale(gi, coef, out_ref):
    lo = lax.bitcast_convert_type(gi << 16, jnp.float32)
    hi = lax.bitcast_convert_type(gi & jnp.int32(-65536), jnp.float32)
    out_ref[0, 0:CPK] = lo.T * coef[0:CPK][:, None]
    out_ref[0, CPK:C] = hi.T * coef[CPK:C][:, None]


def _tc_transpose_body_first(g_ref, coef_ref, out_ref):
    _unpack_transpose_scale(g_ref[0], coef_ref[0], out_ref)


def _tc_transpose_body(carry_ref, g_ref, coef_ref, out_ref):
    del carry_ref
    _unpack_transpose_scale(g_ref[0], coef_ref[0], out_ref)


def _make_tc_transpose(s0, first):
    g_spec = pl.BlockSpec((1, BATCH, CPK), lambda j: (j, 0, 0))
    coef_spec = pl.BlockSpec((1, C), lambda j: (0, 0))
    out_spec = pl.BlockSpec((1, C, BATCH), lambda j: (s0 + j, 0, 0))
    out_shape = jax.ShapeDtypeStruct((SEQ, C, BATCH), jnp.float32)
    if first:
        return pl.pallas_call(
            _tc_transpose_body_first,
            grid=(SSEQ,),
            in_specs=[g_spec, coef_spec],
            out_specs=out_spec,
            out_shape=out_shape,
        )
    return pl.pallas_call(
        _tc_transpose_body,
        grid=(SSEQ,),
        in_specs=[pl.BlockSpec(memory_space=pl.ANY), g_spec, coef_spec],
        out_specs=out_spec,
        out_shape=out_shape,
        input_output_aliases={0: 0},
    )


_tc_transpose = [_make_tc_transpose(i * SSEQ, i == 0) for i in range(NSLICE)]

_VB = 2048


def _tbl_prep_body(t_ref, out_ref):
    u = lax.bitcast_convert_type(t_ref[...], jnp.uint32)
    r = (u + 0x7FFF + ((u >> 16) & 1)) >> 16
    w = lax.bitcast_convert_type(r[0:2] | (r[2:4] << 16), jnp.int32)
    out_ref[:, 0:D] = w[0].T
    out_ref[:, D:CPK] = w[1].T


_tbl_prep = pl.pallas_call(
    _tbl_prep_body,
    grid=((VOCAB + _VB - 1) // _VB,),
    in_specs=[pl.BlockSpec((N_HYP, D, _VB), lambda j: (0, 0, j))],
    out_specs=pl.BlockSpec((_VB, CPK), lambda j: (j, 0)),
    out_shape=jax.ShapeDtypeStruct((VOCAB, CPK), jnp.int32),
)


def kernel(x, tables, phases, amplitudes):
    xtf = x.T.astype(jnp.int32).reshape(SEQ * BATCH)
    tbl = _tbl_prep(tables.transpose(0, 2, 1))
    coef = (jnp.cos(phases) * amplitudes[:, None]).astype(jnp.float32)
    coef = coef.reshape(1, C)

    g = [_sc_call[i](tbl, xtf) for i in range(NSLICE)]
    out = _tc_transpose[0](g[0].reshape(SSEQ, BATCH, CPK), coef)
    for i in range(1, NSLICE):
        out = _tc_transpose[i](out, g[i].reshape(SSEQ, BATCH, CPK), coef)
    out = out.reshape(SEQ, N_HYP, D, BATCH)
    return out.transpose(3, 0, 1, 2)

# --- scband reference (transcript-rebuilt; emitter-appended) ---
"""Pipeline reference for scband-superposition-embedding-33732673143388 (READ-ONLY COPY).

The authoritative reference and input builder live on the scoring server;
editing this copy changes nothing except your own understanding.
"""

import jax, jax.numpy as jnp
import numpy as np

VOCAB = 100000
D_MODEL = 64
N_HYP = 4
BATCH = 1024
SEQ = 200

def setup_inputs(seed: int = 0) -> dict:
    key = jax.random.key(seed)
    k1, k2, k3 = jax.random.split(key, 3)
    x = jax.random.randint(k1, (BATCH, SEQ), 0, VOCAB, dtype=jnp.int64 if jax.config.jax_enable_x64 else jnp.int32)
    # Stacked embedding tables for the n_hypotheses nn.Embedding modules
    tables = jax.random.normal(k2, (N_HYP, VOCAB, D_MODEL), dtype=jnp.float32)
    phases = jax.random.normal(k3, (N_HYP, D_MODEL), dtype=jnp.float32) * 2.0 * np.pi
    amplitudes = jnp.ones((N_HYP,), dtype=jnp.float32) / np.sqrt(N_HYP)
    return {"x": x, "tables": tables, "phases": phases, "amplitudes": amplitudes}

def reference(x, tables, phases, amplitudes):
    # For each hypothesis i: emb_i = tables[i][x]  (gather)
    # h_complex = emb * exp(1j*phase) * amp ; superposition stacks real parts.
    # Since emb and amp are real, real(emb * exp(1j*phase) * amp) == emb * cos(phase) * amp (exact).
    embs = jnp.take(tables, x, axis=1)                 # (N_HYP, B, S, D)
    scaled = embs * jnp.cos(phases)[:, None, None, :]  # apply phase (real part)
    scaled = scaled * amplitudes[:, None, None, None]  # apply amplitude
    superposition = jnp.transpose(scaled, (1, 2, 0, 3))  # (B, S, N_HYP, D)
    return superposition

if __name__ == "__main__":
    import jax
    _d = setup_inputs()
    print(jax.jit(kernel)(*tuple(_d.values())))

</pallas_src>

<mosaic_0001>
#map = affine_map<(d0, d1) -> (0, 0)>
#map1 = affine_map<(d0, d1) -> (0)>
module attributes {stable_mosaic.version = 14 : i64} {
  func.func @k(%arg0: i32, %arg1: i32, %arg2: memref<100000x128xi32, #tpu.memory_space<hbm>>, %arg3: memref<204800xi32, #tpu.memory_space<hbm>>, %arg4: memref<40960x128xi32, #tpu.memory_space<hbm>>, %arg5: memref<1280xi32, #tpu.memory_space<vmem>>, %arg6: memref<128x128xi32, #tpu.memory_space<vmem>>, %arg7: memref<128x128xi32, #tpu.memory_space<vmem>>, %arg8: memref<!tpu.dma_semaphore, #tpu.memory_space<semaphore_mem>>, %arg9: memref<!tpu.dma_semaphore, #tpu.memory_space<semaphore_mem>>, %arg10: memref<!tpu.dma_semaphore, #tpu.memory_space<semaphore_mem>>, %arg11: memref<!tpu.dma_semaphore, #tpu.memory_space<semaphore_mem>>) attributes {dimension_semantics = [#tpu.dimension_semantics<core_parallel>, #tpu.dimension_semantics<subcore_parallel>], iteration_bounds = array<i64: 2, 16>, scalar_prefetch = 0 : i64, scratch_operands = 7 : i64, tpu.core_type = #tpu.core_type<sc_vector_subcore>, window_params = [{transform_indices = #map}, {transform_indices = #map1}, {transform_indices = #map}]} {
    %mul3A = arith.constant 2 : i32
    %mul3A_0 = arith.muli %arg1, %mul3A : i32
    %add3A = arith.addi %mul3A_0, %arg0 : i32
    %mul3A_1 = arith.constant 1280 : i32
    %mul3A_2 = arith.muli %add3A, %mul3A_1 : i32
    %add3A_3 = arith.constant 122880 : i32
    %add3A_4 = arith.addi %add3A_3, %mul3A_2 : i32
    "tpu.region"() ({
      %run_scoped3A = tpu.sem_alloc : memref<!tpu.dma_semaphore, #tpu.memory_space<semaphore_mem>>
      %dma_start3A_25 = tpu.memref_slice %arg3[%add3A_4] : memref<204800xi32, #tpu.memory_space<hbm>> -> memref<1280xi32, #tpu.memory_space<hbm>>
      %dma_start3A_26 = tpu.memref_slice %arg3[%add3A_4] : memref<204800xi32, #tpu.memory_space<hbm>> -> memref<1280xi32, #tpu.memory_space<hbm>>
      tpu.enqueue_dma source(%dma_start3A_26 : memref<1280xi32, #tpu.memory_space<hbm>>) target(%arg5 : memref<1280xi32, #tpu.memory_space<vmem>>) target_semaphore(%run_scoped3A : memref<!tpu.dma_semaphore, #tpu.memory_space<semaphore_mem>>)
      %dma_wait3A_27 = tpu.memref_slice %arg3[%add3A_4] : memref<204800xi32, #tpu.memory_space<hbm>> -> memref<1280xi32, #tpu.memory_space<hbm>>
      %dma_wait3A_28 = tpu.memref_slice %arg3[%add3A_4] : memref<204800xi32, #tpu.memory_space<hbm>> -> memref<1280xi32, #tpu.memory_space<hbm>>
      tpu.wait_dma2 semaphore(%run_scoped3A : memref<!tpu.dma_semaphore, #tpu.memory_space<semaphore_mem>>) src(%dma_wait3A_28 : memref<1280xi32, #tpu.memory_space<hbm>>) dst(%arg5 : memref<1280xi32, #tpu.memory_space<vmem>>)
      tpu.yield
    }) : () -> ()
    %dma_start3A = arith.constant 0 : i32
    %dma_start3A_5 = tpu.memref_slice %arg5[%dma_start3A] : memref<1280xi32, #tpu.memory_space<vmem>> -> memref<128xi32, #tpu.memory_space<vmem>>
    %dma_start3A_6 = arith.constant 0 : i32
    %dma_start3A_7 = arith.constant 0 : i32
    %dma_start3A_8 = tpu.memref_slice %arg2[%dma_start3A_6, %dma_start3A_7] : memref<100000x128xi32, #tpu.memory_space<hbm>> -> memref<100000x128xi32, #tpu.memory_space<hbm>>
    tpu.enqueue_indirect_dma source(%dma_start3A_8 : memref<100000x128xi32, #tpu.memory_space<hbm>>) target(%arg6 : memref<128x128xi32, #tpu.memory_space<vmem>>) offsets(%dma_start3A_5 : memref<128xi32, #tpu.memory_space<vmem>>) semaphore(%arg8 : memref<!tpu.dma_semaphore, #tpu.memory_space<semaphore_mem>>)
    %scan3A = arith.constant 0 : i32
    %scan3A_9 = arith.constant 0 : i32
    %scan3A_10 = arith.constant 5 : i32
    %scan3A_11 = arith.addi %scan3A_9, %scan3A_10 : i32
    %scan3A_12 = arith.constant 1 : i32
    scf.for %scan3A_25 = %scan3A_9 to %scan3A_11 step %scan3A_12  : i32 {
      %mul3A_26 = arith.constant 2 : i32
      %mul3A_27 = arith.muli %mul3A_26, %scan3A_25 : i32
      %add3A_28 = arith.constant 1 : i32
      %add3A_29 = arith.addi %mul3A_27, %add3A_28 : i32
      %gt3A = arith.constant 0 : i32
      %gt3A_30 = arith.cmpi sgt, %scan3A_25, %gt3A : i32
      %convert_element_type3A = arith.extui %gt3A_30 : i1 to i32
      %cond3A = arith.constant 0 : i32
      %cond3A_31 = arith.cmpi ne, %convert_element_type3A, %cond3A : i32
      scf.if %cond3A_31 {
        %sub3A = arith.constant 2 : i32
        %sub3A_68 = arith.subi %add3A_29, %sub3A : i32
        %mul3A_69 = arith.constant 128 : i32
        %mul3A_70 = arith.muli %sub3A_68, %mul3A_69 : i32
        %add3A_71 = arith.addi %mul3A_2, %mul3A_70 : i32
        %dma_wait3A_72 = arith.constant 0 : i32
        %dma_wait3A_73 = tpu.memref_slice %arg4[%add3A_71, %dma_wait3A_72] : memref<40960x128xi32, #tpu.memory_space<hbm>> -> memref<128x128xi32, #tpu.memory_space<hbm>>
        %dma_wait3A_74 = arith.constant 0 : i32
        %dma_wait3A_75 = tpu.memref_slice %arg4[%add3A_71, %dma_wait3A_74] : memref<40960x128xi32, #tpu.memory_space<hbm>> -> memref<128x128xi32, #tpu.memory_space<hbm>>
        tpu.wait_dma2 semaphore(%arg11 : memref<!tpu.dma_semaphore, #tpu.memory_space<semaphore_mem>>) src(%arg7 : memref<128x128xi32, #tpu.memory_space<vmem>>) dst(%dma_wait3A_75 : memref<128x128xi32, #tpu.memory_space<hbm>>)
      } else {
      }
      %mul3A_32 = arith.constant 128 : i32
      %mul3A_33 = arith.muli %add3A_29, %mul3A_32 : i32
      %dma_start3A_34 = tpu.memref_slice %arg5[%mul3A_33] : memref<1280xi32, #tpu.memory_space<vmem>> -> memref<128xi32, #tpu.memory_space<vmem>>
      %dma_start3A_35 = arith.constant 0 : i32
      %dma_start3A_36 = arith.constant 0 : i32
      %dma_start3A_37 = tpu.memref_slice %arg2[%dma_start3A_35, %dma_start3A_36] : memref<100000x128xi32, #tpu.memory_space<hbm>> -> memref<100000x128xi32, #tpu.memory_space<hbm>>
      tpu.enqueue_indirect_dma source(%dma_start3A_37 : memref<100000x128xi32, #tpu.memory_space<hbm>>) target(%arg7 : memref<128x128xi32, #tpu.memory_space<vmem>>) offsets(%dma_start3A_34 : memref<128xi32, #tpu.memory_space<vmem>>) semaphore(%arg9 : memref<!tpu.dma_semaphore, #tpu.memory_space<semaphore_mem>>)
      %mul3A_38 = arith.constant 128 : i32
      %mul3A_39 = arith.muli %mul3A_27, %mul3A_38 : i32
      %dma_wait3A_40 = tpu.memref_slice %arg5[%mul3A_39] : memref<1280xi32, #tpu.memory_space<vmem>> -> memref<128xi32, #tpu.memory_space<vmem>>
      %dma_wait3A_41 = arith.constant 0 : i32
      %dma_wait3A_42 = arith.constant 0 : i32
      %dma_wait3A_43 = tpu.memref_slice %arg2[%dma_wait3A_41, %dma_wait3A_42] : memref<100000x128xi32, #tpu.memory_space<hbm>> -> memref<100000x128xi32, #tpu.memory_space<hbm>>
      tpu.wait_indirect_dma semaphore(%arg8 : memref<!tpu.dma_semaphore, #tpu.memory_space<semaphore_mem>>) src(%dma_wait3A_43 : memref<100000x128xi32, #tpu.memory_space<hbm>>) dst(%arg6 : memref<128x128xi32, #tpu.memory_space<vmem>>)
      %mul3A_44 = arith.constant 128 : i32
      %mul3A_45 = arith.muli %mul3A_27, %mul3A_44 : i32
      %add3A_46 = arith.addi %mul3A_2, %mul3A_45 : i32
      %dma_start3A_47 = arith.constant 0 : i32
      %dma_start3A_48 = tpu.memref_slice %arg4[%add3A_46, %dma_start3A_47] : memref<40960x128xi32, #tpu.memory_space<hbm>> -> memref<128x128xi32, #tpu.memory_space<hbm>>
      %dma_start3A_49 = arith.constant 0 : i32
      %dma_start3A_50 = tpu.memref_slice %arg4[%add3A_46, %dma_start3A_49] : memref<40960x128xi32, #tpu.memory_space<hbm>> -> memref<128x128xi32, #tpu.memory_space<hbm>>
      tpu.enqueue_dma source(%arg6 : memref<128x128xi32, #tpu.memory_space<vmem>>) target(%dma_start3A_50 : memref<128x128xi32, #tpu.memory_space<hbm>>) target_semaphore(%arg10 : memref<!tpu.dma_semaphore, #tpu.memory_space<semaphore_mem>>)
      %lt3A = arith.constant 4 : i32
      %lt3A_51 = arith.cmpi slt, %scan3A_25, %lt3A : i32
      %convert_element_type3A_52 = arith.extui %lt3A_51 : i1 to i32
      %cond3A_53 = arith.constant 0 : i32
      %cond3A_54 = arith.cmpi ne, %convert_element_type3A_52, %cond3A_53 : i32
      scf.if %cond3A_54 {
        %mul3A_68 = arith.constant 128 : i32
        %mul3A_69 = arith.muli %mul3A_27, %mul3A_68 : i32
        %add3A_70 = arith.addi %mul3A_2, %mul3A_69 : i32
        %dma_wait3A_71 = arith.constant 0 : i32
        %dma_wait3A_72 = tpu.memref_slice %arg4[%add3A_70, %dma_wait3A_71] : memref<40960x128xi32, #tpu.memory_space<hbm>> -> memref<128x128xi32, #tpu.memory_space<hbm>>
        %dma_wait3A_73 = arith.constant 0 : i32
        %dma_wait3A_74 = tpu.memref_slice %arg4[%add3A_70, %dma_wait3A_73] : memref<40960x128xi32, #tpu.memory_space<hbm>> -> memref<128x128xi32, #tpu.memory_space<hbm>>
        tpu.wait_dma2 semaphore(%arg10 : memref<!tpu.dma_semaphore, #tpu.memory_space<semaphore_mem>>) src(%arg6 : memref<128x128xi32, #tpu.memory_space<vmem>>) dst(%dma_wait3A_74 : memref<128x128xi32, #tpu.memory_space<hbm>>)
        %add3A_75 = arith.constant 2 : i32
        %add3A_76 = arith.addi %mul3A_27, %add3A_75 : i32
        %mul3A_77 = arith.constant 128 : i32
        %mul3A_78 = arith.muli %add3A_76, %mul3A_77 : i32
        %dma_start3A_79 = tpu.memref_slice %arg5[%mul3A_78] : memref<1280xi32, #tpu.memory_space<vmem>> -> memref<128xi32, #tpu.memory_space<vmem>>
        %dma_start3A_80 = arith.constant 0 : i32
        %dma_start3A_81 = arith.constant 0 : i32
        %dma_start3A_82 = tpu.memref_slice %arg2[%dma_start3A_80, %dma_start3A_81] : memref<100000x128xi32, #tpu.memory_space<hbm>> -> memref<100000x128xi32, #tpu.memory_space<hbm>>
        tpu.enqueue_indirect_dma source(%dma_start3A_82 : memref<100000x128xi32, #tpu.memory_space<hbm>>) target(%arg6 : memref<128x128xi32, #tpu.memory_space<vmem>>) offsets(%dma_start3A_79 : memref<128xi32, #tpu.memory_space<vmem>>) semaphore(%arg8 : memref<!tpu.dma_semaphore, #tpu.memory_space<semaphore_mem>>)
      } else {
      }
      %mul3A_55 = arith.constant 128 : i32
      %mul3A_56 = arith.muli %add3A_29, %mul3A_55 : i32
      %dma_wait3A_57 = tpu.memref_slice %arg5[%mul3A_56] : memref<1280xi32, #tpu.memory_space<vmem>> -> memref<128xi32, #tpu.memory_space<vmem>>
      %dma_wait3A_58 = arith.constant 0 : i32
      %dma_wait3A_59 = arith.constant 0 : i32
      %dma_wait3A_60 = tpu.memref_slice %arg2[%dma_wait3A_58, %dma_wait3A_59] : memref<100000x128xi32, #tpu.memory_space<hbm>> -> memref<100000x128xi32, #tpu.memory_space<hbm>>
      tpu.wait_indirect_dma semaphore(%arg9 : memref<!tpu.dma_semaphore, #tpu.memory_space<semaphore_mem>>) src(%dma_wait3A_60 : memref<100000x128xi32, #tpu.memory_space<hbm>>) dst(%arg7 : memref<128x128xi32, #tpu.memory_space<vmem>>)
      %mul3A_61 = arith.constant 128 : i32
      %mul3A_62 = arith.muli %add3A_29, %mul3A_61 : i32
      %add3A_63 = arith.addi %mul3A_2, %mul3A_62 : i32
      %dma_start3A_64 = arith.constant 0 : i32
      %dma_start3A_65 = tpu.memref_slice %arg4[%add3A_63, %dma_start3A_64] : memref<40960x128xi32, #tpu.memory_space<hbm>> -> memref<128x128xi32, #tpu.memory_space<hbm>>
      %dma_start3A_66 = arith.constant 0 : i32
      %dma_start3A_67 = tpu.memref_slice %arg4[%add3A_63, %dma_start3A_66] : memref<40960x128xi32, #tpu.memory_space<hbm>> -> memref<128x128xi32, #tpu.memory_space<hbm>>
      tpu.enqueue_dma source(%arg7 : memref<128x128xi32, #tpu.memory_space<vmem>>) target(%dma_start3A_67 : memref<128x128xi32, #tpu.memory_space<hbm>>) target_semaphore(%arg11 : memref<!tpu.dma_semaphore, #tpu.memory_space<semaphore_mem>>)
    }
    %scan3A_13 = arith.constant 5 : i32
    %add3A_14 = arith.constant 1024 : i32
    %add3A_15 = arith.addi %mul3A_2, %add3A_14 : i32
    %dma_wait3A = arith.constant 0 : i32
    %dma_wait3A_16 = tpu.memref_slice %arg4[%add3A_15, %dma_wait3A] : memref<40960x128xi32, #tpu.memory_space<hbm>> -> memref<128x128xi32, #tpu.memory_space<hbm>>
    %dma_wait3A_17 = arith.constant 0 : i32
    %dma_wait3A_18 = tpu.memref_slice %arg4[%add3A_15, %dma_wait3A_17] : memref<40960x128xi32, #tpu.memory_space<hbm>> -> memref<128x128xi32, #tpu.memory_space<hbm>>
    tpu.wait_dma2 semaphore(%arg10 : memref<!tpu.dma_semaphore, #tpu.memory_space<semaphore_mem>>) src(%arg6 : memref<128x128xi32, #tpu.memory_space<vmem>>) dst(%dma_wait3A_18 : memref<128x128xi32, #tpu.memory_space<hbm>>)
    %add3A_19 = arith.constant 1152 : i32
    %add3A_20 = arith.addi %mul3A_2, %add3A_19 : i32
    %dma_wait3A_21 = arith.constant 0 : i32
    %dma_wait3A_22 = tpu.memref_slice %arg4[%add3A_20, %dma_wait3A_21] : memref<40960x128xi32, #tpu.memory_space<hbm>> -> memref<128x128xi32, #tpu.memory_space<hbm>>
    %dma_wait3A_23 = arith.constant 0 : i32
    %dma_wait3A_24 = tpu.memref_slice %arg4[%add3A_20, %dma_wait3A_23] : memref<40960x128xi32, #tpu.memory_space<hbm>> -> memref<128x128xi32, #tpu.memory_space<hbm>>
    tpu.wait_dma2 semaphore(%arg11 : memref<!tpu.dma_semaphore, #tpu.memory_space<semaphore_mem>>) src(%arg7 : memref<128x128xi32, #tpu.memory_space<vmem>>) dst(%dma_wait3A_24 : memref<128x128xi32, #tpu.memory_space<hbm>>)
    return
  }
}

#map = affine_map<(d0, d1) -> (0, 0)>
#map1 = affine_map<(d0, d1) -> (0)>
module attributes {stable_mosaic.version = 14 : i64} {
  func.func @k(%arg0: i32, %arg1: i32, %arg2: memref<100000x128xi32, #tpu.memory_space<hbm>>, %arg3: memref<204800xi32, #tpu.memory_space<hbm>>, %arg4: memref<40960x128xi32, #tpu.memory_space<hbm>>, %arg5: memref<1280xi32, #tpu.memory_space<vmem>>, %arg6: memref<128x128xi32, #tpu.memory_space<vmem>>, %arg7: memref<128x128xi32, #tpu.memory_space<vmem>>, %arg8: memref<!tpu.dma_semaphore, #tpu.memory_space<semaphore_mem>>, %arg9: memref<!tpu.dma_semaphore, #tpu.memory_space<semaphore_mem>>, %arg10: memref<!tpu.dma_semaphore, #tpu.memory_space<semaphore_mem>>, %arg11: memref<!tpu.dma_semaphore, #tpu.memory_space<semaphore_mem>>) attributes {dimension_semantics = [#tpu.dimension_semantics<core_parallel>, #tpu.dimension_semantics<subcore_parallel>], iteration_bounds = array<i64: 2, 16>, scalar_prefetch = 0 : i64, scratch_operands = 7 : i64, tpu.core_type = #tpu.core_type<sc_vector_subcore>, window_params = [{transform_indices = #map}, {transform_indices = #map1}, {transform_indices = #map}]} {
    %mul3A = arith.constant 2 : i32
    %mul3A_0 = arith.muli %arg1, %mul3A : i32
    %add3A = arith.addi %mul3A_0, %arg0 : i32
    %mul3A_1 = arith.constant 1280 : i32
    %mul3A_2 = arith.muli %add3A, %mul3A_1 : i32
    %add3A_3 = arith.constant 81920 : i32
    %add3A_4 = arith.addi %add3A_3, %mul3A_2 : i32
    "tpu.region"() ({
      %run_scoped3A = tpu.sem_alloc : memref<!tpu.dma_semaphore, #tpu.memory_space<semaphore_mem>>
      %dma_start3A_25 = tpu.memref_slice %arg3[%add3A_4] : memref<204800xi32, #tpu.memory_space<hbm>> -> memref<1280xi32, #tpu.memory_space<hbm>>
      %dma_start3A_26 = tpu.memref_slice %arg3[%add3A_4] : memref<204800xi32, #tpu.memory_space<hbm>> -> memref<1280xi32, #tpu.memory_space<hbm>>
      tpu.enqueue_dma source(%dma_start3A_26 : memref<1280xi32, #tpu.memory_space<hbm>>) target(%arg5 : memref<1280xi32, #tpu.memory_space<vmem>>) target_semaphore(%run_scoped3A : memref<!tpu.dma_semaphore, #tpu.memory_space<semaphore_mem>>)
      %dma_wait3A_27 = tpu.memref_slice %arg3[%add3A_4] : memref<204800xi32, #tpu.memory_space<hbm>> -> memref<1280xi32, #tpu.memory_space<hbm>>
      %dma_wait3A_28 = tpu.memref_slice %arg3[%add3A_4] : memref<204800xi32, #tpu.memory_space<hbm>> -> memref<1280xi32, #tpu.memory_space<hbm>>
      tpu.wait_dma2 semaphore(%run_scoped3A : memref<!tpu.dma_semaphore, #tpu.memory_space<semaphore_mem>>) src(%dma_wait3A_28 : memref<1280xi32, #tpu.memory_space<hbm>>) dst(%arg5 : memref<1280xi32, #tpu.memory_space<vmem>>)
      tpu.yield
    }) : () -> ()
    %dma_start3A = arith.constant 0 : i32
    %dma_start3A_5 = tpu.memref_slice %arg5[%dma_start3A] : memref<1280xi32, #tpu.memory_space<vmem>> -> memref<128xi32, #tpu.memory_space<vmem>>
    %dma_start3A_6 = arith.constant 0 : i32
    %dma_start3A_7 = arith.constant 0 : i32
    %dma_start3A_8 = tpu.memref_slice %arg2[%dma_start3A_6, %dma_start3A_7] : memref<100000x128xi32, #tpu.memory_space<hbm>> -> memref<100000x128xi32, #tpu.memory_space<hbm>>
    tpu.enqueue_indirect_dma source(%dma_start3A_8 : memref<100000x128xi32, #tpu.memory_space<hbm>>) target(%arg6 : memref<128x128xi32, #tpu.memory_space<vmem>>) offsets(%dma_start3A_5 : memref<128xi32, #tpu.memory_space<vmem>>) semaphore(%arg8 : memref<!tpu.dma_semaphore, #tpu.memory_space<semaphore_mem>>)
    %scan3A = arith.constant 0 : i32
    %scan3A_9 = arith.constant 0 : i32
    %scan3A_10 = arith.constant 5 : i32
    %scan3A_11 = arith.addi %scan3A_9, %scan3A_10 : i32
    %scan3A_12 = arith.constant 1 : i32
    scf.for %scan3A_25 = %scan3A_9 to %scan3A_11 step %scan3A_12  : i32 {
      %mul3A_26 = arith.constant 2 : i32
      %mul3A_27 = arith.muli %mul3A_26, %scan3A_25 : i32
      %add3A_28 = arith.constant 1 : i32
      %add3A_29 = arith.addi %mul3A_27, %add3A_28 : i32
      %gt3A = arith.constant 0 : i32
      %gt3A_30 = arith.cmpi sgt, %scan3A_25, %gt3A : i32
      %convert_element_type3A = arith.extui %gt3A_30 : i1 to i32
      %cond3A = arith.constant 0 : i32
      %cond3A_31 = arith.cmpi ne, %convert_element_type3A, %cond3A : i32
      scf.if %cond3A_31 {
        %sub3A = arith.constant 2 : i32
        %sub3A_68 = arith.subi %add3A_29, %sub3A : i32
        %mul3A_69 = arith.constant 128 : i32
        %mul3A_70 = arith.muli %sub3A_68, %mul3A_69 : i32
        %add3A_71 = arith.addi %mul3A_2, %mul3A_70 : i32
        %dma_wait3A_72 = arith.constant 0 : i32
        %dma_wait3A_73 = tpu.memref_slice %arg4[%add3A_71, %dma_wait3A_72] : memref<40960x128xi32, #tpu.memory_space<hbm>> -> memref<128x128xi32, #tpu.memory_space<hbm>>
        %dma_wait3A_74 = arith.constant 0 : i32
        %dma_wait3A_75 = tpu.memref_slice %arg4[%add3A_71, %dma_wait3A_74] : memref<40960x128xi32, #tpu.memory_space<hbm>> -> memref<128x128xi32, #tpu.memory_space<hbm>>
        tpu.wait_dma2 semaphore(%arg11 : memref<!tpu.dma_semaphore, #tpu.memory_space<semaphore_mem>>) src(%arg7 : memref<128x128xi32, #tpu.memory_space<vmem>>) dst(%dma_wait3A_75 : memref<128x128xi32, #tpu.memory_space<hbm>>)
      } else {
      }
      %mul3A_32 = arith.constant 128 : i32
      %mul3A_33 = arith.muli %add3A_29, %mul3A_32 : i32
      %dma_start3A_34 = tpu.memref_slice %arg5[%mul3A_33] : memref<1280xi32, #tpu.memory_space<vmem>> -> memref<128xi32, #tpu.memory_space<vmem>>
      %dma_start3A_35 = arith.constant 0 : i32
      %dma_start3A_36 = arith.constant 0 : i32
      %dma_start3A_37 = tpu.memref_slice %arg2[%dma_start3A_35, %dma_start3A_36] : memref<100000x128xi32, #tpu.memory_space<hbm>> -> memref<100000x128xi32, #tpu.memory_space<hbm>>
      tpu.enqueue_indirect_dma source(%dma_start3A_37 : memref<100000x128xi32, #tpu.memory_space<hbm>>) target(%arg7 : memref<128x128xi32, #tpu.memory_space<vmem>>) offsets(%dma_start3A_34 : memref<128xi32, #tpu.memory_space<vmem>>) semaphore(%arg9 : memref<!tpu.dma_semaphore, #tpu.memory_space<semaphore_mem>>)
      %mul3A_38 = arith.constant 128 : i32
      %mul3A_39 = arith.muli %mul3A_27, %mul3A_38 : i32
      %dma_wait3A_40 = tpu.memref_slice %arg5[%mul3A_39] : memref<1280xi32, #tpu.memory_space<vmem>> -> memref<128xi32, #tpu.memory_space<vmem>>
      %dma_wait3A_41 = arith.constant 0 : i32
      %dma_wait3A_42 = arith.constant 0 : i32
      %dma_wait3A_43 = tpu.memref_slice %arg2[%dma_wait3A_41, %dma_wait3A_42] : memref<100000x128xi32, #tpu.memory_space<hbm>> -> memref<100000x128xi32, #tpu.memory_space<hbm>>
      tpu.wait_indirect_dma semaphore(%arg8 : memref<!tpu.dma_semaphore, #tpu.memory_space<semaphore_mem>>) src(%dma_wait3A_43 : memref<100000x128xi32, #tpu.memory_space<hbm>>) dst(%arg6 : memref<128x128xi32, #tpu.memory_space<vmem>>)
      %mul3A_44 = arith.constant 128 : i32
      %mul3A_45 = arith.muli %mul3A_27, %mul3A_44 : i32
      %add3A_46 = arith.addi %mul3A_2, %mul3A_45 : i32
      %dma_start3A_47 = arith.constant 0 : i32
      %dma_start3A_48 = tpu.memref_slice %arg4[%add3A_46, %dma_start3A_47] : memref<40960x128xi32, #tpu.memory_space<hbm>> -> memref<128x128xi32, #tpu.memory_space<hbm>>
      %dma_start3A_49 = arith.constant 0 : i32
      %dma_start3A_50 = tpu.memref_slice %arg4[%add3A_46, %dma_start3A_49] : memref<40960x128xi32, #tpu.memory_space<hbm>> -> memref<128x128xi32, #tpu.memory_space<hbm>>
      tpu.enqueue_dma source(%arg6 : memref<128x128xi32, #tpu.memory_space<vmem>>) target(%dma_start3A_50 : memref<128x128xi32, #tpu.memory_space<hbm>>) target_semaphore(%arg10 : memref<!tpu.dma_semaphore, #tpu.memory_space<semaphore_mem>>)
      %lt3A = arith.constant 4 : i32
      %lt3A_51 = arith.cmpi slt, %scan3A_25, %lt3A : i32
      %convert_element_type3A_52 = arith.extui %lt3A_51 : i1 to i32
      %cond3A_53 = arith.constant 0 : i32
      %cond3A_54 = arith.cmpi ne, %convert_element_type3A_52, %cond3A_53 : i32
      scf.if %cond3A_54 {
        %mul3A_68 = arith.constant 128 : i32
        %mul3A_69 = arith.muli %mul3A_27, %mul3A_68 : i32
        %add3A_70 = arith.addi %mul3A_2, %mul3A_69 : i32
        %dma_wait3A_71 = arith.constant 0 : i32
        %dma_wait3A_72 = tpu.memref_slice %arg4[%add3A_70, %dma_wait3A_71] : memref<40960x128xi32, #tpu.memory_space<hbm>> -> memref<128x128xi32, #tpu.memory_space<hbm>>
        %dma_wait3A_73 = arith.constant 0 : i32
        %dma_wait3A_74 = tpu.memref_slice %arg4[%add3A_70, %dma_wait3A_73] : memref<40960x128xi32, #tpu.memory_space<hbm>> -> memref<128x128xi32, #tpu.memory_space<hbm>>
        tpu.wait_dma2 semaphore(%arg10 : memref<!tpu.dma_semaphore, #tpu.memory_space<semaphore_mem>>) src(%arg6 : memref<128x128xi32, #tpu.memory_space<vmem>>) dst(%dma_wait3A_74 : memref<128x128xi32, #tpu.memory_space<hbm>>)
        %add3A_75 = arith.constant 2 : i32
        %add3A_76 = arith.addi %mul3A_27, %add3A_75 : i32
        %mul3A_77 = arith.constant 128 : i32
        %mul3A_78 = arith.muli %add3A_76, %mul3A_77 : i32
        %dma_start3A_79 = tpu.memref_slice %arg5[%mul3A_78] : memref<1280xi32, #tpu.memory_space<vmem>> -> memref<128xi32, #tpu.memory_space<vmem>>
        %dma_start3A_80 = arith.constant 0 : i32
        %dma_start3A_81 = arith.constant 0 : i32
        %dma_start3A_82 = tpu.memref_slice %arg2[%dma_start3A_80, %dma_start3A_81] : memref<100000x128xi32, #tpu.memory_space<hbm>> -> memref<100000x128xi32, #tpu.memory_space<hbm>>
        tpu.enqueue_indirect_dma source(%dma_start3A_82 : memref<100000x128xi32, #tpu.memory_space<hbm>>) target(%arg6 : memref<128x128xi32, #tpu.memory_space<vmem>>) offsets(%dma_start3A_79 : memref<128xi32, #tpu.memory_space<vmem>>) semaphore(%arg8 : memref<!tpu.dma_semaphore, #tpu.memory_space<semaphore_mem>>)
      } else {
      }
      %mul3A_55 = arith.constant 128 : i32
      %mul3A_56 = arith.muli %add3A_29, %mul3A_55 : i32
      %dma_wait3A_57 = tpu.memref_slice %arg5[%mul3A_56] : memref<1280xi32, #tpu.memory_space<vmem>> -> memref<128xi32, #tpu.memory_space<vmem>>
      %dma_wait3A_58 = arith.constant 0 : i32
      %dma_wait3A_59 = arith.constant 0 : i32
      %dma_wait3A_60 = tpu.memref_slice %arg2[%dma_wait3A_58, %dma_wait3A_59] : memref<100000x128xi32, #tpu.memory_space<hbm>> -> memref<100000x128xi32, #tpu.memory_space<hbm>>
      tpu.wait_indirect_dma semaphore(%arg9 : memref<!tpu.dma_semaphore, #tpu.memory_space<semaphore_mem>>) src(%dma_wait3A_60 : memref<100000x128xi32, #tpu.memory_space<hbm>>) dst(%arg7 : memref<128x128xi32, #tpu.memory_space<vmem>>)
      %mul3A_61 = arith.constant 128 : i32
      %mul3A_62 = arith.muli %add3A_29, %mul3A_61 : i32
      %add3A_63 = arith.addi %mul3A_2, %mul3A_62 : i32
      %dma_start3A_64 = arith.constant 0 : i32
      %dma_start3A_65 = tpu.memref_slice %arg4[%add3A_63, %dma_start3A_64] : memref<40960x128xi32, #tpu.memory_space<hbm>> -> memref<128x128xi32, #tpu.memory_space<hbm>>
      %dma_start3A_66 = arith.constant 0 : i32
      %dma_start3A_67 = tpu.memref_slice %arg4[%add3A_63, %dma_start3A_66] : memref<40960x128xi32, #tpu.memory_space<hbm>> -> memref<128x128xi32, #tpu.memory_space<hbm>>
      tpu.enqueue_dma source(%arg7 : memref<128x128xi32, #tpu.memory_space<vmem>>) target(%dma_start3A_67 : memref<128x128xi32, #tpu.memory_space<hbm>>) target_semaphore(%arg11 : memref<!tpu.dma_semaphore, #tpu.memory_space<semaphore_mem>>)
    }
    %scan3A_13 = arith.constant 5 : i32
    %add3A_14 = arith.constant 1024 : i32
    %add3A_15 = arith.addi %mul3A_2, %add3A_14 : i32
    %dma_wait3A = arith.constant 0 : i32
    %dma_wait3A_16 = tpu.memref_slice %arg4[%add3A_15, %dma_wait3A] : memref<40960x128xi32, #tpu.memory_space<hbm>> -> memref<128x128xi32, #tpu.memory_space<hbm>>
    %dma_wait3A_17 = arith.constant 0 : i32
    %dma_wait3A_18 = tpu.memref_slice %arg4[%add3A_15, %dma_wait3A_17] : memref<40960x128xi32, #tpu.memory_space<hbm>> -> memref<128x128xi32, #tpu.memory_space<hbm>>
    tpu.wait_dma2 semaphore(%arg10 : memref<!tpu.dma_semaphore, #tpu.memory_space<semaphore_mem>>) src(%arg6 : memref<128x128xi32, #tpu.memory_space<vmem>>) dst(%dma_wait3A_18 : memref<128x128xi32, #tpu.memory_space<hbm>>)
    %add3A_19 = arith.constant 1152 : i32
    %add3A_20 = arith.addi %mul3A_2, %add3A_19 : i32
    %dma_wait3A_21 = arith.constant 0 : i32
    %dma_wait3A_22 = tpu.memref_slice %arg4[%add3A_20, %dma_wait3A_21] : memref<40960x128xi32, #tpu.memory_space<hbm>> -> memref<128x128xi32, #tpu.memory_space<hbm>>
    %dma_wait3A_23 = arith.constant 0 : i32
    %dma_wait3A_24 = tpu.memref_slice %arg4[%add3A_20, %dma_wait3A_23] : memref<40960x128xi32, #tpu.memory_space<hbm>> -> memref<128x128xi32, #tpu.memory_space<hbm>>
    tpu.wait_dma2 semaphore(%arg11 : memref<!tpu.dma_semaphore, #tpu.memory_space<semaphore_mem>>) src(%arg7 : memref<128x128xi32, #tpu.memory_space<vmem>>) dst(%dma_wait3A_24 : memref<128x128xi32, #tpu.memory_space<hbm>>)
    return
  }
}

#map = affine_map<(d0, d1) -> (0, 0)>
#map1 = affine_map<(d0, d1) -> (0)>
module attributes {stable_mosaic.version = 14 : i64} {
  func.func @k(%arg0: i32, %arg1: i32, %arg2: memref<100000x128xi32, #tpu.memory_space<hbm>>, %arg3: memref<204800xi32, #tpu.memory_space<hbm>>, %arg4: memref<40960x128xi32, #tpu.memory_space<hbm>>, %arg5: memref<1280xi32, #tpu.memory_space<vmem>>, %arg6: memref<128x128xi32, #tpu.memory_space<vmem>>, %arg7: memref<128x128xi32, #tpu.memory_space<vmem>>, %arg8: memref<!tpu.dma_semaphore, #tpu.memory_space<semaphore_mem>>, %arg9: memref<!tpu.dma_semaphore, #tpu.memory_space<semaphore_mem>>, %arg10: memref<!tpu.dma_semaphore, #tpu.memory_space<semaphore_mem>>, %arg11: memref<!tpu.dma_semaphore, #tpu.memory_space<semaphore_mem>>) attributes {dimension_semantics = [#tpu.dimension_semantics<core_parallel>, #tpu.dimension_semantics<subcore_parallel>], iteration_bounds = array<i64: 2, 16>, scalar_prefetch = 0 : i64, scratch_operands = 7 : i64, tpu.core_type = #tpu.core_type<sc_vector_subcore>, window_params = [{transform_indices = #map}, {transform_indices = #map1}, {transform_indices = #map}]} {
    %mul3A = arith.constant 2 : i32
    %mul3A_0 = arith.muli %arg1, %mul3A : i32
    %add3A = arith.addi %mul3A_0, %arg0 : i32
    %mul3A_1 = arith.constant 1280 : i32
    %mul3A_2 = arith.muli %add3A, %mul3A_1 : i32
    %add3A_3 = arith.constant 0 : i32
    %add3A_4 = arith.addi %add3A_3, %mul3A_2 : i32
    "tpu.region"() ({
      %run_scoped3A = tpu.sem_alloc : memref<!tpu.dma_semaphore, #tpu.memory_space<semaphore_mem>>
      %dma_start3A_25 = tpu.memref_slice %arg3[%add3A_4] : memref<204800xi32, #tpu.memory_space<hbm>> -> memref<1280xi32, #tpu.memory_space<hbm>>
      %dma_start3A_26 = tpu.memref_slice %arg3[%add3A_4] : memref<204800xi32, #tpu.memory_space<hbm>> -> memref<1280xi32, #tpu.memory_space<hbm>>
      tpu.enqueue_dma source(%dma_start3A_26 : memref<1280xi32, #tpu.memory_space<hbm>>) target(%arg5 : memref<1280xi32, #tpu.memory_space<vmem>>) target_semaphore(%run_scoped3A : memref<!tpu.dma_semaphore, #tpu.memory_space<semaphore_mem>>)
      %dma_wait3A_27 = tpu.memref_slice %arg3[%add3A_4] : memref<204800xi32, #tpu.memory_space<hbm>> -> memref<1280xi32, #tpu.memory_space<hbm>>
      %dma_wait3A_28 = tpu.memref_slice %arg3[%add3A_4] : memref<204800xi32, #tpu.memory_space<hbm>> -> memref<1280xi32, #tpu.memory_space<hbm>>
      tpu.wait_dma2 semaphore(%run_scoped3A : memref<!tpu.dma_semaphore, #tpu.memory_space<semaphore_mem>>) src(%dma_wait3A_28 : memref<1280xi32, #tpu.memory_space<hbm>>) dst(%arg5 : memref<1280xi32, #tpu.memory_space<vmem>>)
      tpu.yield
    }) : () -> ()
    %dma_start3A = arith.constant 0 : i32
    %dma_start3A_5 = tpu.memref_slice %arg5[%dma_start3A] : memref<1280xi32, #tpu.memory_space<vmem>> -> memref<128xi32, #tpu.memory_space<vmem>>
    %dma_start3A_6 = arith.constant 0 : i32
    %dma_start3A_7 = arith.constant 0 : i32
    %dma_start3A_8 = tpu.memref_slice %arg2[%dma_start3A_6, %dma_start3A_7] : memref<100000x128xi32, #tpu.memory_space<hbm>> -> memref<100000x128xi32, #tpu.memory_space<hbm>>
    tpu.enqueue_indirect_dma source(%dma_start3A_8 : memref<100000x128xi32, #tpu.memory_space<hbm>>) target(%arg6 : memref<128x128xi32, #tpu.memory_space<vmem>>) offsets(%dma_start3A_5 : memref<128xi32, #tpu.memory_space<vmem>>) semaphore(%arg8 : memref<!tpu.dma_semaphore, #tpu.memory_space<semaphore_mem>>)
    %scan3A = arith.constant 0 : i32
    %scan3A_9 = arith.constant 0 : i32
    %scan3A_10 = arith.constant 5 : i32
    %scan3A_11 = arith.addi %scan3A_9, %scan3A_10 : i32
    %scan3A_12 = arith.constant 1 : i32
    scf.for %scan3A_25 = %scan3A_9 to %scan3A_11 step %scan3A_12  : i32 {
      %mul3A_26 = arith.constant 2 : i32
      %mul3A_27 = arith.muli %mul3A_26, %scan3A_25 : i32
      %add3A_28 = arith.constant 1 : i32
      %add3A_29 = arith.addi %mul3A_27, %add3A_28 : i32
      %gt3A = arith.constant 0 : i32
      %gt3A_30 = arith.cmpi sgt, %scan3A_25, %gt3A : i32
      %convert_element_type3A = arith.extui %gt3A_30 : i1 to i32
      %cond3A = arith.constant 0 : i32
      %cond3A_31 = arith.cmpi ne, %convert_element_type3A, %cond3A : i32
      scf.if %cond3A_31 {
        %sub3A = arith.constant 2 : i32
        %sub3A_68 = arith.subi %add3A_29, %sub3A : i32
        %mul3A_69 = arith.constant 128 : i32
        %mul3A_70 = arith.muli %sub3A_68, %mul3A_69 : i32
        %add3A_71 = arith.addi %mul3A_2, %mul3A_70 : i32
        %dma_wait3A_72 = arith.constant 0 : i32
        %dma_wait3A_73 = tpu.memref_slice %arg4[%add3A_71, %dma_wait3A_72] : memref<40960x128xi32, #tpu.memory_space<hbm>> -> memref<128x128xi32, #tpu.memory_space<hbm>>
        %dma_wait3A_74 = arith.constant 0 : i32
        %dma_wait3A_75 = tpu.memref_slice %arg4[%add3A_71, %dma_wait3A_74] : memref<40960x128xi32, #tpu.memory_space<hbm>> -> memref<128x128xi32, #tpu.memory_space<hbm>>
        tpu.wait_dma2 semaphore(%arg11 : memref<!tpu.dma_semaphore, #tpu.memory_space<semaphore_mem>>) src(%arg7 : memref<128x128xi32, #tpu.memory_space<vmem>>) dst(%dma_wait3A_75 : memref<128x128xi32, #tpu.memory_space<hbm>>)
      } else {
      }
      %mul3A_32 = arith.constant 128 : i32
      %mul3A_33 = arith.muli %add3A_29, %mul3A_32 : i32
      %dma_start3A_34 = tpu.memref_slice %arg5[%mul3A_33] : memref<1280xi32, #tpu.memory_space<vmem>> -> memref<128xi32, #tpu.memory_space<vmem>>
      %dma_start3A_35 = arith.constant 0 : i32
      %dma_start3A_36 = arith.constant 0 : i32
      %dma_start3A_37 = tpu.memref_slice %arg2[%dma_start3A_35, %dma_start3A_36] : memref<100000x128xi32, #tpu.memory_space<hbm>> -> memref<100000x128xi32, #tpu.memory_space<hbm>>
      tpu.enqueue_indirect_dma source(%dma_start3A_37 : memref<100000x128xi32, #tpu.memory_space<hbm>>) target(%arg7 : memref<128x128xi32, #tpu.memory_space<vmem>>) offsets(%dma_start3A_34 : memref<128xi32, #tpu.memory_space<vmem>>) semaphore(%arg9 : memref<!tpu.dma_semaphore, #tpu.memory_space<semaphore_mem>>)
      %mul3A_38 = arith.constant 128 : i32
      %mul3A_39 = arith.muli %mul3A_27, %mul3A_38 : i32
      %dma_wait3A_40 = tpu.memref_slice %arg5[%mul3A_39] : memref<1280xi32, #tpu.memory_space<vmem>> -> memref<128xi32, #tpu.memory_space<vmem>>
      %dma_wait3A_41 = arith.constant 0 : i32
      %dma_wait3A_42 = arith.constant 0 : i32
      %dma_wait3A_43 = tpu.memref_slice %arg2[%dma_wait3A_41, %dma_wait3A_42] : memref<100000x128xi32, #tpu.memory_space<hbm>> -> memref<100000x128xi32, #tpu.memory_space<hbm>>
      tpu.wait_indirect_dma semaphore(%arg8 : memref<!tpu.dma_semaphore, #tpu.memory_space<semaphore_mem>>) src(%dma_wait3A_43 : memref<100000x128xi32, #tpu.memory_space<hbm>>) dst(%arg6 : memref<128x128xi32, #tpu.memory_space<vmem>>)
      %mul3A_44 = arith.constant 128 : i32
      %mul3A_45 = arith.muli %mul3A_27, %mul3A_44 : i32
      %add3A_46 = arith.addi %mul3A_2, %mul3A_45 : i32
      %dma_start3A_47 = arith.constant 0 : i32
      %dma_start3A_48 = tpu.memref_slice %arg4[%add3A_46, %dma_start3A_47] : memref<40960x128xi32, #tpu.memory_space<hbm>> -> memref<128x128xi32, #tpu.memory_space<hbm>>
      %dma_start3A_49 = arith.constant 0 : i32
      %dma_start3A_50 = tpu.memref_slice %arg4[%add3A_46, %dma_start3A_49] : memref<40960x128xi32, #tpu.memory_space<hbm>> -> memref<128x128xi32, #tpu.memory_space<hbm>>
      tpu.enqueue_dma source(%arg6 : memref<128x128xi32, #tpu.memory_space<vmem>>) target(%dma_start3A_50 : memref<128x128xi32, #tpu.memory_space<hbm>>) target_semaphore(%arg10 : memref<!tpu.dma_semaphore, #tpu.memory_space<semaphore_mem>>)
      %lt3A = arith.constant 4 : i32
      %lt3A_51 = arith.cmpi slt, %scan3A_25, %lt3A : i32
      %convert_element_type3A_52 = arith.extui %lt3A_51 : i1 to i32
      %cond3A_53 = arith.constant 0 : i32
      %cond3A_54 = arith.cmpi ne, %convert_element_type3A_52, %cond3A_53 : i32
      scf.if %cond3A_54 {
        %mul3A_68 = arith.constant 128 : i32
        %mul3A_69 = arith.muli %mul3A_27, %mul3A_68 : i32
        %add3A_70 = arith.addi %mul3A_2, %mul3A_69 : i32
        %dma_wait3A_71 = arith.constant 0 : i32
        %dma_wait3A_72 = tpu.memref_slice %arg4[%add3A_70, %dma_wait3A_71] : memref<40960x128xi32, #tpu.memory_space<hbm>> -> memref<128x128xi32, #tpu.memory_space<hbm>>
        %dma_wait3A_73 = arith.constant 0 : i32
        %dma_wait3A_74 = tpu.memref_slice %arg4[%add3A_70, %dma_wait3A_73] : memref<40960x128xi32, #tpu.memory_space<hbm>> -> memref<128x128xi32, #tpu.memory_space<hbm>>
        tpu.wait_dma2 semaphore(%arg10 : memref<!tpu.dma_semaphore, #tpu.memory_space<semaphore_mem>>) src(%arg6 : memref<128x128xi32, #tpu.memory_space<vmem>>) dst(%dma_wait3A_74 : memref<128x128xi32, #tpu.memory_space<hbm>>)
        %add3A_75 = arith.constant 2 : i32
        %add3A_76 = arith.addi %mul3A_27, %add3A_75 : i32
        %mul3A_77 = arith.constant 128 : i32
        %mul3A_78 = arith.muli %add3A_76, %mul3A_77 : i32
        %dma_start3A_79 = tpu.memref_slice %arg5[%mul3A_78] : memref<1280xi32, #tpu.memory_space<vmem>> -> memref<128xi32, #tpu.memory_space<vmem>>
        %dma_start3A_80 = arith.constant 0 : i32
        %dma_start3A_81 = arith.constant 0 : i32
        %dma_start3A_82 = tpu.memref_slice %arg2[%dma_start3A_80, %dma_start3A_81] : memref<100000x128xi32, #tpu.memory_space<hbm>> -> memref<100000x128xi32, #tpu.memory_space<hbm>>
        tpu.enqueue_indirect_dma source(%dma_start3A_82 : memref<100000x128xi32, #tpu.memory_space<hbm>>) target(%arg6 : memref<128x128xi32, #tpu.memory_space<vmem>>) offsets(%dma_start3A_79 : memref<128xi32, #tpu.memory_space<vmem>>) semaphore(%arg8 : memref<!tpu.dma_semaphore, #tpu.memory_space<semaphore_mem>>)
      } else {
      }
      %mul3A_55 = arith.constant 128 : i32
      %mul3A_56 = arith.muli %add3A_29, %mul3A_55 : i32
      %dma_wait3A_57 = tpu.memref_slice %arg5[%mul3A_56] : memref<1280xi32, #tpu.memory_space<vmem>> -> memref<128xi32, #tpu.memory_space<vmem>>
      %dma_wait3A_58 = arith.constant 0 : i32
      %dma_wait3A_59 = arith.constant 0 : i32
      %dma_wait3A_60 = tpu.memref_slice %arg2[%dma_wait3A_58, %dma_wait3A_59] : memref<100000x128xi32, #tpu.memory_space<hbm>> -> memref<100000x128xi32, #tpu.memory_space<hbm>>
      tpu.wait_indirect_dma semaphore(%arg9 : memref<!tpu.dma_semaphore, #tpu.memory_space<semaphore_mem>>) src(%dma_wait3A_60 : memref<100000x128xi32, #tpu.memory_space<hbm>>) dst(%arg7 : memref<128x128xi32, #tpu.memory_space<vmem>>)
      %mul3A_61 = arith.constant 128 : i32
      %mul3A_62 = arith.muli %add3A_29, %mul3A_61 : i32
      %add3A_63 = arith.addi %mul3A_2, %mul3A_62 : i32
      %dma_start3A_64 = arith.constant 0 : i32
      %dma_start3A_65 = tpu.memref_slice %arg4[%add3A_63, %dma_start3A_64] : memref<40960x128xi32, #tpu.memory_space<hbm>> -> memref<128x128xi32, #tpu.memory_space<hbm>>
      %dma_start3A_66 = arith.constant 0 : i32
      %dma_start3A_67 = tpu.memref_slice %arg4[%add3A_63, %dma_start3A_66] : memref<40960x128xi32, #tpu.memory_space<hbm>> -> memref<128x128xi32, #tpu.memory_space<hbm>>
      tpu.enqueue_dma source(%arg7 : memref<128x128xi32, #tpu.memory_space<vmem>>) target(%dma_start3A_67 : memref<128x128xi32, #tpu.memory_space<hbm>>) target_semaphore(%arg11 : memref<!tpu.dma_semaphore, #tpu.memory_space<semaphore_mem>>)
    }
    %scan3A_13 = arith.constant 5 : i32
    %add3A_14 = arith.constant 1024 : i32
    %add3A_15 = arith.addi %mul3A_2, %add3A_14 : i32
    %dma_wait3A = arith.constant 0 : i32
    %dma_wait3A_16 = tpu.memref_slice %arg4[%add3A_15, %dma_wait3A] : memref<40960x128xi32, #tpu.memory_space<hbm>> -> memref<128x128xi32, #tpu.memory_space<hbm>>
    %dma_wait3A_17 = arith.constant 0 : i32
    %dma_wait3A_18 = tpu.memref_slice %arg4[%add3A_15, %dma_wait3A_17] : memref<40960x128xi32, #tpu.memory_space<hbm>> -> memref<128x128xi32, #tpu.memory_space<hbm>>
    tpu.wait_dma2 semaphore(%arg10 : memref<!tpu.dma_semaphore, #tpu.memory_space<semaphore_mem>>) src(%arg6 : memref<128x128xi32, #tpu.memory_space<vmem>>) dst(%dma_wait3A_18 : memref<128x128xi32, #tpu.memory_space<hbm>>)
    %add3A_19 = arith.constant 1152 : i32
    %add3A_20 = arith.addi %mul3A_2, %add3A_19 : i32
    %dma_wait3A_21 = arith.constant 0 : i32
    %dma_wait3A_22 = tpu.memref_slice %arg4[%add3A_20, %dma_wait3A_21] : memref<40960x128xi32, #tpu.memory_space<hbm>> -> memref<128x128xi32, #tpu.memory_space<hbm>>
    %dma_wait3A_23 = arith.constant 0 : i32
    %dma_wait3A_24 = tpu.memref_slice %arg4[%add3A_20, %dma_wait3A_23] : memref<40960x128xi32, #tpu.memory_space<hbm>> -> memref<128x128xi32, #tpu.memory_space<hbm>>
    tpu.wait_dma2 semaphore(%arg11 : memref<!tpu.dma_semaphore, #tpu.memory_space<semaphore_mem>>) src(%arg7 : memref<128x128xi32, #tpu.memory_space<vmem>>) dst(%dma_wait3A_24 : memref<128x128xi32, #tpu.memory_space<hbm>>)
    return
  }
}

#map = affine_map<(d0, d1) -> (0, 0)>
#map1 = affine_map<(d0, d1) -> (0)>
module attributes {stable_mosaic.version = 14 : i64} {
  func.func @k(%arg0: i32, %arg1: i32, %arg2: memref<100000x128xi32, #tpu.memory_space<hbm>>, %arg3: memref<204800xi32, #tpu.memory_space<hbm>>, %arg4: memref<40960x128xi32, #tpu.memory_space<hbm>>, %arg5: memref<1280xi32, #tpu.memory_space<vmem>>, %arg6: memref<128x128xi32, #tpu.memory_space<vmem>>, %arg7: memref<128x128xi32, #tpu.memory_space<vmem>>, %arg8: memref<!tpu.dma_semaphore, #tpu.memory_space<semaphore_mem>>, %arg9: memref<!tpu.dma_semaphore, #tpu.memory_space<semaphore_mem>>, %arg10: memref<!tpu.dma_semaphore, #tpu.memory_space<semaphore_mem>>, %arg11: memref<!tpu.dma_semaphore, #tpu.memory_space<semaphore_mem>>) attributes {dimension_semantics = [#tpu.dimension_semantics<core_parallel>, #tpu.dimension_semantics<subcore_parallel>], iteration_bounds = array<i64: 2, 16>, scalar_prefetch = 0 : i64, scratch_operands = 7 : i64, tpu.core_type = #tpu.core_type<sc_vector_subcore>, window_params = [{transform_indices = #map}, {transform_indices = #map1}, {transform_indices = #map}]} {
    %mul3A = arith.constant 2 : i32
    %mul3A_0 = arith.muli %arg1, %mul3A : i32
    %add3A = arith.addi %mul3A_0, %arg0 : i32
    %mul3A_1 = arith.constant 1280 : i32
    %mul3A_2 = arith.muli %add3A, %mul3A_1 : i32
    %add3A_3 = arith.constant 40960 : i32
    %add3A_4 = arith.addi %add3A_3, %mul3A_2 : i32
    "tpu.region"() ({
      %run_scoped3A = tpu.sem_alloc : memref<!tpu.dma_semaphore, #tpu.memory_space<semaphore_mem>>
      %dma_start3A_25 = tpu.memref_slice %arg3[%add3A_4] : memref<204800xi32, #tpu.memory_space<hbm>> -> memref<1280xi32, #tpu.memory_space<hbm>>
      %dma_start3A_26 = tpu.memref_slice %arg3[%add3A_4] : memref<204800xi32, #tpu.memory_space<hbm>> -> memref<1280xi32, #tpu.memory_space<hbm>>
      tpu.enqueue_dma source(%dma_start3A_26 : memref<1280xi32, #tpu.memory_space<hbm>>) target(%arg5 : memref<1280xi32, #tpu.memory_space<vmem>>) target_semaphore(%run_scoped3A : memref<!tpu.dma_semaphore, #tpu.memory_space<semaphore_mem>>)
      %dma_wait3A_27 = tpu.memref_slice %arg3[%add3A_4] : memref<204800xi32, #tpu.memory_space<hbm>> -> memref<1280xi32, #tpu.memory_space<hbm>>
      %dma_wait3A_28 = tpu.memref_slice %arg3[%add3A_4] : memref<204800xi32, #tpu.memory_space<hbm>> -> memref<1280xi32, #tpu.memory_space<hbm>>
      tpu.wait_dma2 semaphore(%run_scoped3A : memref<!tpu.dma_semaphore, #tpu.memory_space<semaphore_mem>>) src(%dma_wait3A_28 : memref<1280xi32, #tpu.memory_space<hbm>>) dst(%arg5 : memref<1280xi32, #tpu.memory_space<vmem>>)
      tpu.yield
    }) : () -> ()
    %dma_start3A = arith.constant 0 : i32
    %dma_start3A_5 = tpu.memref_slice %arg5[%dma_start3A] : memref<1280xi32, #tpu.memory_space<vmem>> -> memref<128xi32, #tpu.memory_space<vmem>>
    %dma_start3A_6 = arith.constant 0 : i32
    %dma_start3A_7 = arith.constant 0 : i32
    %dma_start3A_8 = tpu.memref_slice %arg2[%dma_start3A_6, %dma_start3A_7] : memref<100000x128xi32, #tpu.memory_space<hbm>> -> memref<100000x128xi32, #tpu.memory_space<hbm>>
    tpu.enqueue_indirect_dma source(%dma_start3A_8 : memref<100000x128xi32, #tpu.memory_space<hbm>>) target(%arg6 : memref<128x128xi32, #tpu.memory_space<vmem>>) offsets(%dma_start3A_5 : memref<128xi32, #tpu.memory_space<vmem>>) semaphore(%arg8 : memref<!tpu.dma_semaphore, #tpu.memory_space<semaphore_mem>>)
    %scan3A = arith.constant 0 : i32
    %scan3A_9 = arith.constant 0 : i32
    %scan3A_10 = arith.constant 5 : i32
    %scan3A_11 = arith.addi %scan3A_9, %scan3A_10 : i32
    %scan3A_12 = arith.constant 1 : i32
    scf.for %scan3A_25 = %scan3A_9 to %scan3A_11 step %scan3A_12  : i32 {
      %mul3A_26 = arith.constant 2 : i32
      %mul3A_27 = arith.muli %mul3A_26, %scan3A_25 : i32
      %add3A_28 = arith.constant 1 : i32
      %add3A_29 = arith.addi %mul3A_27, %add3A_28 : i32
      %gt3A = arith.constant 0 : i32
      %gt3A_30 = arith.cmpi sgt, %scan3A_25, %gt3A : i32
      %convert_element_type3A = arith.extui %gt3A_30 : i1 to i32
      %cond3A = arith.constant 0 : i32
      %cond3A_31 = arith.cmpi ne, %convert_element_type3A, %cond3A : i32
      scf.if %cond3A_31 {
        %sub3A = arith.constant 2 : i32
        %sub3A_68 = arith.subi %add3A_29, %sub3A : i32
        %mul3A_69 = arith.constant 128 : i32
        %mul3A_70 = arith.muli %sub3A_68, %mul3A_69 : i32
        %add3A_71 = arith.addi %mul3A_2, %mul3A_70 : i32
        %dma_wait3A_72 = arith.constant 0 : i32
        %dma_wait3A_73 = tpu.memref_slice %arg4[%add3A_71, %dma_wait3A_72] : memref<40960x128xi32, #tpu.memory_space<hbm>> -> memref<128x128xi32, #tpu.memory_space<hbm>>
        %dma_wait3A_74 = arith.constant 0 : i32
        %dma_wait3A_75 = tpu.memref_slice %arg4[%add3A_71, %dma_wait3A_74] : memref<40960x128xi32, #tpu.memory_space<hbm>> -> memref<128x128xi32, #tpu.memory_space<hbm>>
        tpu.wait_dma2 semaphore(%arg11 : memref<!tpu.dma_semaphore, #tpu.memory_space<semaphore_mem>>) src(%arg7 : memref<128x128xi32, #tpu.memory_space<vmem>>) dst(%dma_wait3A_75 : memref<128x128xi32, #tpu.memory_space<hbm>>)
      } else {
      }
      %mul3A_32 = arith.constant 128 : i32
      %mul3A_33 = arith.muli %add3A_29, %mul3A_32 : i32
      %dma_start3A_34 = tpu.memref_slice %arg5[%mul3A_33] : memref<1280xi32, #tpu.memory_space<vmem>> -> memref<128xi32, #tpu.memory_space<vmem>>
      %dma_start3A_35 = arith.constant 0 : i32
      %dma_start3A_36 = arith.constant 0 : i32
      %dma_start3A_37 = tpu.memref_slice %arg2[%dma_start3A_35, %dma_start3A_36] : memref<100000x128xi32, #tpu.memory_space<hbm>> -> memref<100000x128xi32, #tpu.memory_space<hbm>>
      tpu.enqueue_indirect_dma source(%dma_start3A_37 : memref<100000x128xi32, #tpu.memory_space<hbm>>) target(%arg7 : memref<128x128xi32, #tpu.memory_space<vmem>>) offsets(%dma_start3A_34 : memref<128xi32, #tpu.memory_space<vmem>>) semaphore(%arg9 : memref<!tpu.dma_semaphore, #tpu.memory_space<semaphore_mem>>)
      %mul3A_38 = arith.constant 128 : i32
      %mul3A_39 = arith.muli %mul3A_27, %mul3A_38 : i32
      %dma_wait3A_40 = tpu.memref_slice %arg5[%mul3A_39] : memref<1280xi32, #tpu.memory_space<vmem>> -> memref<128xi32, #tpu.memory_space<vmem>>
      %dma_wait3A_41 = arith.constant 0 : i32
      %dma_wait3A_42 = arith.constant 0 : i32
      %dma_wait3A_43 = tpu.memref_slice %arg2[%dma_wait3A_41, %dma_wait3A_42] : memref<100000x128xi32, #tpu.memory_space<hbm>> -> memref<100000x128xi32, #tpu.memory_space<hbm>>
      tpu.wait_indirect_dma semaphore(%arg8 : memref<!tpu.dma_semaphore, #tpu.memory_space<semaphore_mem>>) src(%dma_wait3A_43 : memref<100000x128xi32, #tpu.memory_space<hbm>>) dst(%arg6 : memref<128x128xi32, #tpu.memory_space<vmem>>)
      %mul3A_44 = arith.constant 128 : i32
      %mul3A_45 = arith.muli %mul3A_27, %mul3A_44 : i32
      %add3A_46 = arith.addi %mul3A_2, %mul3A_45 : i32
      %dma_start3A_47 = arith.constant 0 : i32
      %dma_start3A_48 = tpu.memref_slice %arg4[%add3A_46, %dma_start3A_47] : memref<40960x128xi32, #tpu.memory_space<hbm>> -> memref<128x128xi32, #tpu.memory_space<hbm>>
      %dma_start3A_49 = arith.constant 0 : i32
      %dma_start3A_50 = tpu.memref_slice %arg4[%add3A_46, %dma_start3A_49] : memref<40960x128xi32, #tpu.memory_space<hbm>> -> memref<128x128xi32, #tpu.memory_space<hbm>>
      tpu.enqueue_dma source(%arg6 : memref<128x128xi32, #tpu.memory_space<vmem>>) target(%dma_start3A_50 : memref<128x128xi32, #tpu.memory_space<hbm>>) target_semaphore(%arg10 : memref<!tpu.dma_semaphore, #tpu.memory_space<semaphore_mem>>)
      %lt3A = arith.constant 4 : i32
      %lt3A_51 = arith.cmpi slt, %scan3A_25, %lt3A : i32
      %convert_element_type3A_52 = arith.extui %lt3A_51 : i1 to i32
      %cond3A_53 = arith.constant 0 : i32
      %cond3A_54 = arith.cmpi ne, %convert_element_type3A_52, %cond3A_53 : i32
      scf.if %cond3A_54 {
        %mul3A_68 = arith.constant 128 : i32
        %mul3A_69 = arith.muli %mul3A_27, %mul3A_68 : i32
        %add3A_70 = arith.addi %mul3A_2, %mul3A_69 : i32
        %dma_wait3A_71 = arith.constant 0 : i32
        %dma_wait3A_72 = tpu.memref_slice %arg4[%add3A_70, %dma_wait3A_71] : memref<40960x128xi32, #tpu.memory_space<hbm>> -> memref<128x128xi32, #tpu.memory_space<hbm>>
        %dma_wait3A_73 = arith.constant 0 : i32
        %dma_wait3A_74 = tpu.memref_slice %arg4[%add3A_70, %dma_wait3A_73] : memref<40960x128xi32, #tpu.memory_space<hbm>> -> memref<128x128xi32, #tpu.memory_space<hbm>>
        tpu.wait_dma2 semaphore(%arg10 : memref<!tpu.dma_semaphore, #tpu.memory_space<semaphore_mem>>) src(%arg6 : memref<128x128xi32, #tpu.memory_space<vmem>>) dst(%dma_wait3A_74 : memref<128x128xi32, #tpu.memory_space<hbm>>)
        %add3A_75 = arith.constant 2 : i32
        %add3A_76 = arith.addi %mul3A_27, %add3A_75 : i32
        %mul3A_77 = arith.constant 128 : i32
        %mul3A_78 = arith.muli %add3A_76, %mul3A_77 : i32
        %dma_start3A_79 = tpu.memref_slice %arg5[%mul3A_78] : memref<1280xi32, #tpu.memory_space<vmem>> -> memref<128xi32, #tpu.memory_space<vmem>>
        %dma_start3A_80 = arith.constant 0 : i32
        %dma_start3A_81 = arith.constant 0 : i32
        %dma_start3A_82 = tpu.memref_slice %arg2[%dma_start3A_80, %dma_start3A_81] : memref<100000x128xi32, #tpu.memory_space<hbm>> -> memref<100000x128xi32, #tpu.memory_space<hbm>>
        tpu.enqueue_indirect_dma source(%dma_start3A_82 : memref<100000x128xi32, #tpu.memory_space<hbm>>) target(%arg6 : memref<128x128xi32, #tpu.memory_space<vmem>>) offsets(%dma_start3A_79 : memref<128xi32, #tpu.memory_space<vmem>>) semaphore(%arg8 : memref<!tpu.dma_semaphore, #tpu.memory_space<semaphore_mem>>)
      } else {
      }
      %mul3A_55 = arith.constant 128 : i32
      %mul3A_56 = arith.muli %add3A_29, %mul3A_55 : i32
      %dma_wait3A_57 = tpu.memref_slice %arg5[%mul3A_56] : memref<1280xi32, #tpu.memory_space<vmem>> -> memref<128xi32, #tpu.memory_space<vmem>>
      %dma_wait3A_58 = arith.constant 0 : i32
      %dma_wait3A_59 = arith.constant 0 : i32
      %dma_wait3A_60 = tpu.memref_slice %arg2[%dma_wait3A_58, %dma_wait3A_59] : memref<100000x128xi32, #tpu.memory_space<hbm>> -> memref<100000x128xi32, #tpu.memory_space<hbm>>
      tpu.wait_indirect_dma semaphore(%arg9 : memref<!tpu.dma_semaphore, #tpu.memory_space<semaphore_mem>>) src(%dma_wait3A_60 : memref<100000x128xi32, #tpu.memory_space<hbm>>) dst(%arg7 : memref<128x128xi32, #tpu.memory_space<vmem>>)
      %mul3A_61 = arith.constant 128 : i32
      %mul3A_62 = arith.muli %add3A_29, %mul3A_61 : i32
      %add3A_63 = arith.addi %mul3A_2, %mul3A_62 : i32
      %dma_start3A_64 = arith.constant 0 : i32
      %dma_start3A_65 = tpu.memref_slice %arg4[%add3A_63, %dma_start3A_64] : memref<40960x128xi32, #tpu.memory_space<hbm>> -> memref<128x128xi32, #tpu.memory_space<hbm>>
      %dma_start3A_66 = arith.constant 0 : i32
      %dma_start3A_67 = tpu.memref_slice %arg4[%add3A_63, %dma_start3A_66] : memref<40960x128xi32, #tpu.memory_space<hbm>> -> memref<128x128xi32, #tpu.memory_space<hbm>>
      tpu.enqueue_dma source(%arg7 : memref<128x128xi32, #tpu.memory_space<vmem>>) target(%dma_start3A_67 : memref<128x128xi32, #tpu.memory_space<hbm>>) target_semaphore(%arg11 : memref<!tpu.dma_semaphore, #tpu.memory_space<semaphore_mem>>)
    }
    %scan3A_13 = arith.constant 5 : i32
    %add3A_14 = arith.constant 1024 : i32
    %add3A_15 = arith.addi %mul3A_2, %add3A_14 : i32
    %dma_wait3A = arith.constant 0 : i32
    %dma_wait3A_16 = tpu.memref_slice %arg4[%add3A_15, %dma_wait3A] : memref<40960x128xi32, #tpu.memory_space<hbm>> -> memref<128x128xi32, #tpu.memory_space<hbm>>
    %dma_wait3A_17 = arith.constant 0 : i32
    %dma_wait3A_18 = tpu.memref_slice %arg4[%add3A_15, %dma_wait3A_17] : memref<40960x128xi32, #tpu.memory_space<hbm>> -> memref<128x128xi32, #tpu.memory_space<hbm>>
    tpu.wait_dma2 semaphore(%arg10 : memref<!tpu.dma_semaphore, #tpu.memory_space<semaphore_mem>>) src(%arg6 : memref<128x128xi32, #tpu.memory_space<vmem>>) dst(%dma_wait3A_18 : memref<128x128xi32, #tpu.memory_space<hbm>>)
    %add3A_19 = arith.constant 1152 : i32
    %add3A_20 = arith.addi %mul3A_2, %add3A_19 : i32
    %dma_wait3A_21 = arith.constant 0 : i32
    %dma_wait3A_22 = tpu.memref_slice %arg4[%add3A_20, %dma_wait3A_21] : memref<40960x128xi32, #tpu.memory_space<hbm>> -> memref<128x128xi32, #tpu.memory_space<hbm>>
    %dma_wait3A_23 = arith.constant 0 : i32
    %dma_wait3A_24 = tpu.memref_slice %arg4[%add3A_20, %dma_wait3A_23] : memref<40960x128xi32, #tpu.memory_space<hbm>> -> memref<128x128xi32, #tpu.memory_space<hbm>>
    tpu.wait_dma2 semaphore(%arg11 : memref<!tpu.dma_semaphore, #tpu.memory_space<semaphore_mem>>) src(%arg7 : memref<128x128xi32, #tpu.memory_space<vmem>>) dst(%dma_wait3A_24 : memref<128x128xi32, #tpu.memory_space<hbm>>)
    return
  }
}

#map = affine_map<(d0, d1) -> (0, 0)>
#map1 = affine_map<(d0, d1) -> (0)>
module attributes {stable_mosaic.version = 14 : i64} {
  func.func @k(%arg0: i32, %arg1: i32, %arg2: memref<100000x128xi32, #tpu.memory_space<hbm>>, %arg3: memref<204800xi32, #tpu.memory_space<hbm>>, %arg4: memref<40960x128xi32, #tpu.memory_space<hbm>>, %arg5: memref<1280xi32, #tpu.memory_space<vmem>>, %arg6: memref<128x128xi32, #tpu.memory_space<vmem>>, %arg7: memref<128x128xi32, #tpu.memory_space<vmem>>, %arg8: memref<!tpu.dma_semaphore, #tpu.memory_space<semaphore_mem>>, %arg9: memref<!tpu.dma_semaphore, #tpu.memory_space<semaphore_mem>>, %arg10: memref<!tpu.dma_semaphore, #tpu.memory_space<semaphore_mem>>, %arg11: memref<!tpu.dma_semaphore, #tpu.memory_space<semaphore_mem>>) attributes {dimension_semantics = [#tpu.dimension_semantics<core_parallel>, #tpu.dimension_semantics<subcore_parallel>], iteration_bounds = array<i64: 2, 16>, scalar_prefetch = 0 : i64, scratch_operands = 7 : i64, tpu.core_type = #tpu.core_type<sc_vector_subcore>, window_params = [{transform_indices = #map}, {transform_indices = #map1}, {transform_indices = #map}]} {
    %mul3A = arith.constant 2 : i32
    %mul3A_0 = arith.muli %arg1, %mul3A : i32
    %add3A = arith.addi %mul3A_0, %arg0 : i32
    %mul3A_1 = arith.constant 1280 : i32
    %mul3A_2 = arith.muli %add3A, %mul3A_1 : i32
    %add3A_3 = arith.constant 163840 : i32
    %add3A_4 = arith.addi %add3A_3, %mul3A_2 : i32
    "tpu.region"() ({
      %run_scoped3A = tpu.sem_alloc : memref<!tpu.dma_semaphore, #tpu.memory_space<semaphore_mem>>
      %dma_start3A_25 = tpu.memref_slice %arg3[%add3A_4] : memref<204800xi32, #tpu.memory_space<hbm>> -> memref<1280xi32, #tpu.memory_space<hbm>>
      %dma_start3A_26 = tpu.memref_slice %arg3[%add3A_4] : memref<204800xi32, #tpu.memory_space<hbm>> -> memref<1280xi32, #tpu.memory_space<hbm>>
      tpu.enqueue_dma source(%dma_start3A_26 : memref<1280xi32, #tpu.memory_space<hbm>>) target(%arg5 : memref<1280xi32, #tpu.memory_space<vmem>>) target_semaphore(%run_scoped3A : memref<!tpu.dma_semaphore, #tpu.memory_space<semaphore_mem>>)
      %dma_wait3A_27 = tpu.memref_slice %arg3[%add3A_4] : memref<204800xi32, #tpu.memory_space<hbm>> -> memref<1280xi32, #tpu.memory_space<hbm>>
      %dma_wait3A_28 = tpu.memref_slice %arg3[%add3A_4] : memref<204800xi32, #tpu.memory_space<hbm>> -> memref<1280xi32, #tpu.memory_space<hbm>>
      tpu.wait_dma2 semaphore(%run_scoped3A : memref<!tpu.dma_semaphore, #tpu.memory_space<semaphore_mem>>) src(%dma_wait3A_28 : memref<1280xi32, #tpu.memory_space<hbm>>) dst(%arg5 : memref<1280xi32, #tpu.memory_space<vmem>>)
      tpu.yield
    }) : () -> ()
    %dma_start3A = arith.constant 0 : i32
    %dma_start3A_5 = tpu.memref_slice %arg5[%dma_start3A] : memref<1280xi32, #tpu.memory_space<vmem>> -> memref<128xi32, #tpu.memory_space<vmem>>
    %dma_start3A_6 = arith.constant 0 : i32
    %dma_start3A_7 = arith.constant 0 : i32
    %dma_start3A_8 = tpu.memref_slice %arg2[%dma_start3A_6, %dma_start3A_7] : memref<100000x128xi32, #tpu.memory_space<hbm>> -> memref<100000x128xi32, #tpu.memory_space<hbm>>
    tpu.enqueue_indirect_dma source(%dma_start3A_8 : memref<100000x128xi32, #tpu.memory_space<hbm>>) target(%arg6 : memref<128x128xi32, #tpu.memory_space<vmem>>) offsets(%dma_start3A_5 : memref<128xi32, #tpu.memory_space<vmem>>) semaphore(%arg8 : memref<!tpu.dma_semaphore, #tpu.memory_space<semaphore_mem>>)
    %scan3A = arith.constant 0 : i32
    %scan3A_9 = arith.constant 0 : i32
    %scan3A_10 = arith.constant 5 : i32
    %scan3A_11 = arith.addi %scan3A_9, %scan3A_10 : i32
    %scan3A_12 = arith.constant 1 : i32
    scf.for %scan3A_25 = %scan3A_9 to %scan3A_11 step %scan3A_12  : i32 {
      %mul3A_26 = arith.constant 2 : i32
      %mul3A_27 = arith.muli %mul3A_26, %scan3A_25 : i32
      %add3A_28 = arith.constant 1 : i32
      %add3A_29 = arith.addi %mul3A_27, %add3A_28 : i32
      %gt3A = arith.constant 0 : i32
      %gt3A_30 = arith.cmpi sgt, %scan3A_25, %gt3A : i32
      %convert_element_type3A = arith.extui %gt3A_30 : i1 to i32
      %cond3A = arith.constant 0 : i32
      %cond3A_31 = arith.cmpi ne, %convert_element_type3A, %cond3A : i32
      scf.if %cond3A_31 {
        %sub3A = arith.constant 2 : i32
        %sub3A_68 = arith.subi %add3A_29, %sub3A : i32
        %mul3A_69 = arith.constant 128 : i32
        %mul3A_70 = arith.muli %sub3A_68, %mul3A_69 : i32
        %add3A_71 = arith.addi %mul3A_2, %mul3A_70 : i32
        %dma_wait3A_72 = arith.constant 0 : i32
        %dma_wait3A_73 = tpu.memref_slice %arg4[%add3A_71, %dma_wait3A_72] : memref<40960x128xi32, #tpu.memory_space<hbm>> -> memref<128x128xi32, #tpu.memory_space<hbm>>
        %dma_wait3A_74 = arith.constant 0 : i32
        %dma_wait3A_75 = tpu.memref_slice %arg4[%add3A_71, %dma_wait3A_74] : memref<40960x128xi32, #tpu.memory_space<hbm>> -> memref<128x128xi32, #tpu.memory_space<hbm>>
        tpu.wait_dma2 semaphore(%arg11 : memref<!tpu.dma_semaphore, #tpu.memory_space<semaphore_mem>>) src(%arg7 : memref<128x128xi32, #tpu.memory_space<vmem>>) dst(%dma_wait3A_75 : memref<128x128xi32, #tpu.memory_space<hbm>>)
      } else {
      }
      %mul3A_32 = arith.constant 128 : i32
      %mul3A_33 = arith.muli %add3A_29, %mul3A_32 : i32
      %dma_start3A_34 = tpu.memref_slice %arg5[%mul3A_33] : memref<1280xi32, #tpu.memory_space<vmem>> -> memref<128xi32, #tpu.memory_space<vmem>>
      %dma_start3A_35 = arith.constant 0 : i32
      %dma_start3A_36 = arith.constant 0 : i32
      %dma_start3A_37 = tpu.memref_slice %arg2[%dma_start3A_35, %dma_start3A_36] : memref<100000x128xi32, #tpu.memory_space<hbm>> -> memref<100000x128xi32, #tpu.memory_space<hbm>>
      tpu.enqueue_indirect_dma source(%dma_start3A_37 : memref<100000x128xi32, #tpu.memory_space<hbm>>) target(%arg7 : memref<128x128xi32, #tpu.memory_space<vmem>>) offsets(%dma_start3A_34 : memref<128xi32, #tpu.memory_space<vmem>>) semaphore(%arg9 : memref<!tpu.dma_semaphore, #tpu.memory_space<semaphore_mem>>)
      %mul3A_38 = arith.constant 128 : i32
      %mul3A_39 = arith.muli %mul3A_27, %mul3A_38 : i32
      %dma_wait3A_40 = tpu.memref_slice %arg5[%mul3A_39] : memref<1280xi32, #tpu.memory_space<vmem>> -> memref<128xi32, #tpu.memory_space<vmem>>
      %dma_wait3A_41 = arith.constant 0 : i32
      %dma_wait3A_42 = arith.constant 0 : i32
      %dma_wait3A_43 = tpu.memref_slice %arg2[%dma_wait3A_41, %dma_wait3A_42] : memref<100000x128xi32, #tpu.memory_space<hbm>> -> memref<100000x128xi32, #tpu.memory_space<hbm>>
      tpu.wait_indirect_dma semaphore(%arg8 : memref<!tpu.dma_semaphore, #tpu.memory_space<semaphore_mem>>) src(%dma_wait3A_43 : memref<100000x128xi32, #tpu.memory_space<hbm>>) dst(%arg6 : memref<128x128xi32, #tpu.memory_space<vmem>>)
      %mul3A_44 = arith.constant 128 : i32
      %mul3A_45 = arith.muli %mul3A_27, %mul3A_44 : i32
      %add3A_46 = arith.addi %mul3A_2, %mul3A_45 : i32
      %dma_start3A_47 = arith.constant 0 : i32
      %dma_start3A_48 = tpu.memref_slice %arg4[%add3A_46, %dma_start3A_47] : memref<40960x128xi32, #tpu.memory_space<hbm>> -> memref<128x128xi32, #tpu.memory_space<hbm>>
      %dma_start3A_49 = arith.constant 0 : i32
      %dma_start3A_50 = tpu.memref_slice %arg4[%add3A_46, %dma_start3A_49] : memref<40960x128xi32, #tpu.memory_space<hbm>> -> memref<128x128xi32, #tpu.memory_space<hbm>>
      tpu.enqueue_dma source(%arg6 : memref<128x128xi32, #tpu.memory_space<vmem>>) target(%dma_start3A_50 : memref<128x128xi32, #tpu.memory_space<hbm>>) target_semaphore(%arg10 : memref<!tpu.dma_semaphore, #tpu.memory_space<semaphore_mem>>)
      %lt3A = arith.constant 4 : i32
      %lt3A_51 = arith.cmpi slt, %scan3A_25, %lt3A : i32
      %convert_element_type3A_52 = arith.extui %lt3A_51 : i1 to i32
      %cond3A_53 = arith.constant 0 : i32
      %cond3A_54 = arith.cmpi ne, %convert_element_type3A_52, %cond3A_53 : i32
      scf.if %cond3A_54 {
        %mul3A_68 = arith.constant 128 : i32
        %mul3A_69 = arith.muli %mul3A_27, %mul3A_68 : i32
        %add3A_70 = arith.addi %mul3A_2, %mul3A_69 : i32
        %dma_wait3A_71 = arith.constant 0 : i32
        %dma_wait3A_72 = tpu.memref_slice %arg4[%add3A_70, %dma_wait3A_71] : memref<40960x128xi32, #tpu.memory_space<hbm>> -> memref<128x128xi32, #tpu.memory_space<hbm>>
        %dma_wait3A_73 = arith.constant 0 : i32
        %dma_wait3A_74 = tpu.memref_slice %arg4[%add3A_70, %dma_wait3A_73] : memref<40960x128xi32, #tpu.memory_space<hbm>> -> memref<128x128xi32, #tpu.memory_space<hbm>>
        tpu.wait_dma2 semaphore(%arg10 : memref<!tpu.dma_semaphore, #tpu.memory_space<semaphore_mem>>) src(%arg6 : memref<128x128xi32, #tpu.memory_space<vmem>>) dst(%dma_wait3A_74 : memref<128x128xi32, #tpu.memory_space<hbm>>)
        %add3A_75 = arith.constant 2 : i32
        %add3A_76 = arith.addi %mul3A_27, %add3A_75 : i32
        %mul3A_77 = arith.constant 128 : i32
        %mul3A_78 = arith.muli %add3A_76, %mul3A_77 : i32
        %dma_start3A_79 = tpu.memref_slice %arg5[%mul3A_78] : memref<1280xi32, #tpu.memory_space<vmem>> -> memref<128xi32, #tpu.memory_space<vmem>>
        %dma_start3A_80 = arith.constant 0 : i32
        %dma_start3A_81 = arith.constant 0 : i32
        %dma_start3A_82 = tpu.memref_slice %arg2[%dma_start3A_80, %dma_start3A_81] : memref<100000x128xi32, #tpu.memory_space<hbm>> -> memref<100000x128xi32, #tpu.memory_space<hbm>>
        tpu.enqueue_indirect_dma source(%dma_start3A_82 : memref<100000x128xi32, #tpu.memory_space<hbm>>) target(%arg6 : memref<128x128xi32, #tpu.memory_space<vmem>>) offsets(%dma_start3A_79 : memref<128xi32, #tpu.memory_space<vmem>>) semaphore(%arg8 : memref<!tpu.dma_semaphore, #tpu.memory_space<semaphore_mem>>)
      } else {
      }
      %mul3A_55 = arith.constant 128 : i32
      %mul3A_56 = arith.muli %add3A_29, %mul3A_55 : i32
      %dma_wait3A_57 = tpu.memref_slice %arg5[%mul3A_56] : memref<1280xi32, #tpu.memory_space<vmem>> -> memref<128xi32, #tpu.memory_space<vmem>>
      %dma_wait3A_58 = arith.constant 0 : i32
      %dma_wait3A_59 = arith.constant 0 : i32
      %dma_wait3A_60 = tpu.memref_slice %arg2[%dma_wait3A_58, %dma_wait3A_59] : memref<100000x128xi32, #tpu.memory_space<hbm>> -> memref<100000x128xi32, #tpu.memory_space<hbm>>
      tpu.wait_indirect_dma semaphore(%arg9 : memref<!tpu.dma_semaphore, #tpu.memory_space<semaphore_mem>>) src(%dma_wait3A_60 : memref<100000x128xi32, #tpu.memory_space<hbm>>) dst(%arg7 : memref<128x128xi32, #tpu.memory_space<vmem>>)
      %mul3A_61 = arith.constant 128 : i32
      %mul3A_62 = arith.muli %add3A_29, %mul3A_61 : i32
      %add3A_63 = arith.addi %mul3A_2, %mul3A_62 : i32
      %dma_start3A_64 = arith.constant 0 : i32
      %dma_start3A_65 = tpu.memref_slice %arg4[%add3A_63, %dma_start3A_64] : memref<40960x128xi32, #tpu.memory_space<hbm>> -> memref<128x128xi32, #tpu.memory_space<hbm>>
      %dma_start3A_66 = arith.constant 0 : i32
      %dma_start3A_67 = tpu.memref_slice %arg4[%add3A_63, %dma_start3A_66] : memref<40960x128xi32, #tpu.memory_space<hbm>> -> memref<128x128xi32, #tpu.memory_space<hbm>>
      tpu.enqueue_dma source(%arg7 : memref<128x128xi32, #tpu.memory_space<vmem>>) target(%dma_start3A_67 : memref<128x128xi32, #tpu.memory_space<hbm>>) target_semaphore(%arg11 : memref<!tpu.dma_semaphore, #tpu.memory_space<semaphore_mem>>)
    }
    %scan3A_13 = arith.constant 5 : i32
    %add3A_14 = arith.constant 1024 : i32
    %add3A_15 = arith.addi %mul3A_2, %add3A_14 : i32
    %dma_wait3A = arith.constant 0 : i32
    %dma_wait3A_16 = tpu.memref_slice %arg4[%add3A_15, %dma_wait3A] : memref<40960x128xi32, #tpu.memory_space<hbm>> -> memref<128x128xi32, #tpu.memory_space<hbm>>
    %dma_wait3A_17 = arith.constant 0 : i32
    %dma_wait3A_18 = tpu.memref_slice %arg4[%add3A_15, %dma_wait3A_17] : memref<40960x128xi32, #tpu.memory_space<hbm>> -> memref<128x128xi32, #tpu.memory_space<hbm>>
    tpu.wait_dma2 semaphore(%arg10 : memref<!tpu.dma_semaphore, #tpu.memory_space<semaphore_mem>>) src(%arg6 : memref<128x128xi32, #tpu.memory_space<vmem>>) dst(%dma_wait3A_18 : memref<128x128xi32, #tpu.memory_space<hbm>>)
    %add3A_19 = arith.constant 1152 : i32
    %add3A_20 = arith.addi %mul3A_2, %add3A_19 : i32
    %dma_wait3A_21 = arith.constant 0 : i32
    %dma_wait3A_22 = tpu.memref_slice %arg4[%add3A_20, %dma_wait3A_21] : memref<40960x128xi32, #tpu.memory_space<hbm>> -> memref<128x128xi32, #tpu.memory_space<hbm>>
    %dma_wait3A_23 = arith.constant 0 : i32
    %dma_wait3A_24 = tpu.memref_slice %arg4[%add3A_20, %dma_wait3A_23] : memref<40960x128xi32, #tpu.memory_space<hbm>> -> memref<128x128xi32, #tpu.memory_space<hbm>>
    tpu.wait_dma2 semaphore(%arg11 : memref<!tpu.dma_semaphore, #tpu.memory_space<semaphore_mem>>) src(%arg7 : memref<128x128xi32, #tpu.memory_space<vmem>>) dst(%dma_wait3A_24 : memref<128x128xi32, #tpu.memory_space<hbm>>)
    return
  }
}

module attributes {stable_mosaic.version = 14 : i64} {
  func.func @_tc_transpose_body_first(%arg0: i32, %arg1: memref<1x1024x128xi32, #tpu.memory_space<vmem>>, %arg2: memref<1x256xf32, #tpu.memory_space<vmem>>, %arg3: memref<1x256x1024xf32, #tpu.memory_space<vmem>>) attributes {dimension_semantics = [#tpu.dimension_semantics<arbitrary>], iteration_bounds = array<i64: 40>, scalar_prefetch = 0 : i64, scratch_operands = 0 : i64, tpu.core_type = #tpu.core_type<tc>, window_params = [{transform_indices = @transform_0, window_bounds = array<i64: 1, 1024, 128>}, {pipeline_mode = #tpu.pipeline_mode<synchronous>, transform_indices = @transform_1, window_bounds = array<i64: 1, 256>}, {transform_indices = @transform_2, window_bounds = array<i64: 1, 256, 1024>}]} {
    %get3A = arith.constant 0 : index
    %get3A_0 = arith.constant 0 : index
    %get3A_1 = arith.constant 0 : index
    %get3A_2 = vector.load %arg1[%get3A, %get3A_0, %get3A_1] : memref<1x1024x128xi32, #tpu.memory_space<vmem>>, vector<1x1024x128xi32>
    %get3A_3 = vector.shape_cast %get3A_2 : vector<1x1024x128xi32> to vector<1024x128xi32>
    %get3A_4 = arith.constant 0 : index
    %get3A_5 = arith.constant 0 : index
    %get3A_6 = vector.load %arg2[%get3A_4, %get3A_5] : memref<1x256xf32, #tpu.memory_space<vmem>>, vector<1x256xf32>
    %get3A_7 = vector.shape_cast %get3A_6 : vector<1x256xf32> to vector<256xf32>
    %shift_left3A = arith.constant 16 : i32
    %shift_left3A_8 = vector.broadcast %shift_left3A : i32 to vector<1024x128xi32>
    %shift_left3A_9 = arith.shli %get3A_3, %shift_left3A_8 : vector<1024x128xi32>
    %bitcast_convert_type3A = tpu.bitcast %shift_left3A_9 : vector<1024x128xi32> -> vector<1024x128xf32>
    %and3A = arith.constant -65536 : i32
    %and3A_10 = vector.broadcast %and3A : i32 to vector<1024x128xi32>
    %and3A_11 = arith.andi %get3A_3, %and3A_10 : vector<1024x128xi32>
    %bitcast_convert_type3A_12 = tpu.bitcast %and3A_11 : vector<1024x128xi32> -> vector<1024x128xf32>
    %transpose3A = tpu.transpose %bitcast_convert_type3A, [1, 0] : vector<1024x128xf32> -> vector<128x1024xf32>
    %slice3A = vector.extract_strided_slice %get3A_7 {offsets = [0], sizes = [128], strides = [1]} : vector<256xf32> to vector<128xf32>
    %broadcast_in_dim3A = vector.shape_cast %slice3A : vector<128xf32> to vector<128x1xf32>
    %mul3A = vector.broadcast %broadcast_in_dim3A : vector<128x1xf32> to vector<128x1024xf32>
    %mul3A_13 = arith.mulf %transpose3A, %mul3A : vector<128x1024xf32>
    %swap3A = arith.constant 0 : index
    %swap3A_14 = arith.constant 0 : index
    %swap3A_15 = arith.constant 0 : index
    %swap3A_16 = vector.load %arg3[%swap3A, %swap3A_14, %swap3A_15] : memref<1x256x1024xf32, #tpu.memory_space<vmem>>, vector<1x128x1024xf32>
    %swap3A_17 = vector.shape_cast %swap3A_16 : vector<1x128x1024xf32> to vector<128x1024xf32>
    %swap3A_18 = vector.shape_cast %mul3A_13 : vector<128x1024xf32> to vector<1x128x1024xf32>
    tpu.vector_store %arg3[%swap3A, %swap3A_14, %swap3A_15], %swap3A_18 {strides = array<i32>} : memref<1x256x1024xf32, #tpu.memory_space<vmem>>, vector<1x128x1024xf32>,
    %transpose3A_19 = tpu.transpose %bitcast_convert_type3A_12, [1, 0] : vector<1024x128xf32> -> vector<128x1024xf32>
    %slice3A_20 = vector.extract_strided_slice %get3A_7 {offsets = [128], sizes = [128], strides = [1]} : vector<256xf32> to vector<128xf32>
    %broadcast_in_dim3A_21 = vector.shape_cast %slice3A_20 : vector<128xf32> to vector<128x1xf32>
    %mul3A_22 = vector.broadcast %broadcast_in_dim3A_21 : vector<128x1xf32> to vector<128x1024xf32>
    %mul3A_23 = arith.mulf %transpose3A_19, %mul3A_22 : vector<128x1024xf32>
    %swap3A_24 = arith.constant 0 : index
    %swap3A_25 = arith.constant 128 : index
    %swap3A_26 = arith.constant 0 : index
    %swap3A_27 = vector.load %arg3[%swap3A_24, %swap3A_25, %swap3A_26] : memref<1x256x1024xf32, #tpu.memory_space<vmem>>, vector<1x128x1024xf32>
    %swap3A_28 = vector.shape_cast %swap3A_27 : vector<1x128x1024xf32> to vector<128x1024xf32>
    %swap3A_29 = vector.shape_cast %mul3A_23 : vector<128x1024xf32> to vector<1x128x1024xf32>
    tpu.vector_store %arg3[%swap3A_24, %swap3A_25, %swap3A_26], %swap3A_29 {strides = array<i32>} : memref<1x256x1024xf32, #tpu.memory_space<vmem>>, vector<1x128x1024xf32>,
    return
  }
  func.func @transform_0(%arg0: i32) -> (i32, i32, i32) {
    %c0_i32 = arith.constant 0 : i32
    %c0_i32_0 = arith.constant 0 : i32
    %c0_i32_1 = arith.constant 0 : i32
    return %arg0, %c0_i32, %c0_i32_0 : i32, i32, i32
  }
  func.func @transform_1(%arg0: i32) -> (i32, i32) {
    %c0_i32 = arith.constant 0 : i32
    %c0_i32_0 = arith.constant 0 : i32
    %c0_i32_1 = arith.constant 0 : i32
    return %c0_i32, %c0_i32_0 : i32, i32
  }
  func.func @transform_2(%arg0: i32) -> (i32, i32, i32) {
    %add3A = arith.constant 0 : i32
    %add3A_0 = arith.addi %add3A, %arg0 : i32
    %c0_i32 = arith.constant 0 : i32
    %c0_i32_1 = arith.constant 0 : i32
    %c0_i32_2 = arith.constant 0 : i32
    return %add3A_0, %c0_i32, %c0_i32_1 : i32, i32, i32
  }
}

module attributes {stable_mosaic.version = 14 : i64} {
  func.func @_tbl_prep_body(%arg0: i32, %arg1: memref<4x64x2048xf32, #tpu.memory_space<vmem>>, %arg2: memref<2048x128xi32, #tpu.memory_space<vmem>>) attributes {dimension_semantics = [#tpu.dimension_semantics<arbitrary>], iteration_bounds = array<i64: 49>, scalar_prefetch = 0 : i64, scratch_operands = 0 : i64, tpu.core_type = #tpu.core_type<tc>, window_params = [{transform_indices = @transform_0, window_bounds = array<i64: 4, 64, 2048>}, {transform_indices = @transform_1, window_bounds = array<i64: 2048, 128>}]} {
    %get3A = arith.constant 0 : index
    %get3A_0 = arith.constant 0 : index
    %get3A_1 = arith.constant 0 : index
    %get3A_2 = vector.load %arg1[%get3A, %get3A_0, %get3A_1] : memref<4x64x2048xf32, #tpu.memory_space<vmem>>, vector<4x64x2048xf32>
    %bitcast_convert_type3A = tpu.bitcast %get3A_2 : vector<4x64x2048xf32> -> vector<4x64x2048xi32>
    %add3A = arith.constant 32767 : i32
    %add3A_3 = vector.broadcast %add3A : i32 to vector<4x64x2048xi32>
    %add3A_4 = arith.addi %bitcast_convert_type3A, %add3A_3 : vector<4x64x2048xi32>
    %shift_right_logical3A = arith.constant 16 : i32
    %shift_right_logical3A_5 = vector.broadcast %shift_right_logical3A : i32 to vector<4x64x2048xi32>
    %shift_right_logical3A_6 = arith.shrui %bitcast_convert_type3A, %shift_right_logical3A_5 : vector<4x64x2048xi32>
    %and3A = arith.constant 1 : i32
    %and3A_7 = vector.broadcast %and3A : i32 to vector<4x64x2048xi32>
    %and3A_8 = arith.andi %shift_right_logical3A_6, %and3A_7 : vector<4x64x2048xi32>
    %add3A_9 = arith.addi %add3A_4, %and3A_8 : vector<4x64x2048xi32>
    %shift_right_logical3A_10 = arith.constant 16 : i32
    %shift_right_logical3A_11 = vector.broadcast %shift_right_logical3A_10 : i32 to vector<4x64x2048xi32>
    %shift_right_logical3A_12 = arith.shrui %add3A_9, %shift_right_logical3A_11 : vector<4x64x2048xi32>
    %slice3A = vector.extract_strided_slice %shift_right_logical3A_12 {offsets = [0, 0, 0], sizes = [2, 64, 2048], strides = [1, 1, 1]} : vector<4x64x2048xi32> to vector<2x64x2048xi32>
    %slice3A_13 = vector.extract_strided_slice %shift_right_logical3A_12 {offsets = [2, 0, 0], sizes = [2, 64, 2048], strides = [1, 1, 1]} : vector<4x64x2048xi32> to vector<2x64x2048xi32>
    %shift_left3A = arith.constant 16 : i32
    %shift_left3A_14 = vector.broadcast %shift_left3A : i32 to vector<2x64x2048xi32>
    %shift_left3A_15 = arith.shli %slice3A_13, %shift_left3A_14 : vector<2x64x2048xi32>
    %or3A = arith.ori %slice3A, %shift_left3A_15 : vector<2x64x2048xi32>
    %bitcast_convert_type3A_16 = tpu.bitcast %or3A : vector<2x64x2048xi32> -> vector<2x64x2048xi32>
    %slice3A_17 = vector.extract_strided_slice %bitcast_convert_type3A_16 {offsets = [0, 0, 0], sizes = [1, 64, 2048], strides = [1, 1, 1]} : vector<2x64x2048xi32> to vector<1x64x2048xi32>
    %squeeze3A = vector.shape_cast %slice3A_17 : vector<1x64x2048xi32> to vector<64x2048xi32>
    %transpose3A = tpu.transpose %squeeze3A, [1, 0] : vector<64x2048xi32> -> vector<2048x64xi32>
    %swap3A = arith.constant 0 : index
    %swap3A_18 = arith.constant 0 : index
    %swap3A_19 = vector.load %arg2[%swap3A, %swap3A_18] : memref<2048x128xi32, #tpu.memory_space<vmem>>, vector<2048x64xi32>
    tpu.vector_store %arg2[%swap3A, %swap3A_18], %transpose3A {strides = array<i32>} : memref<2048x128xi32, #tpu.memory_space<vmem>>, vector<2048x64xi32>,
    %slice3A_20 = vector.extract_strided_slice %bitcast_convert_type3A_16 {offsets = [1, 0, 0], sizes = [1, 64, 2048], strides = [1, 1, 1]} : vector<2x64x2048xi32> to vector<1x64x2048xi32>
    %squeeze3A_21 = vector.shape_cast %slice3A_20 : vector<1x64x2048xi32> to vector<64x2048xi32>
    %transpose3A_22 = tpu.transpose %squeeze3A_21, [1, 0] : vector<64x2048xi32> -> vector<2048x64xi32>
    %swap3A_23 = arith.constant 0 : index
    %swap3A_24 = arith.constant 64 : index
    %swap3A_25 = vector.load %arg2[%swap3A_23, %swap3A_24] : memref<2048x128xi32, #tpu.memory_space<vmem>>, vector<2048x64xi32>
    tpu.vector_store %arg2[%swap3A_23, %swap3A_24], %transpose3A_22 {strides = array<i32>} : memref<2048x128xi32, #tpu.memory_space<vmem>>, vector<2048x64xi32>,
    return
  }
  func.func @transform_0(%arg0: i32) -> (i32, i32, i32) {
    %c0_i32 = arith.constant 0 : i32
    %c0_i32_0 = arith.constant 0 : i32
    %c0_i32_1 = arith.constant 0 : i32
    return %c0_i32, %c0_i32_0, %arg0 : i32, i32, i32
  }
  func.func @transform_1(%arg0: i32) -> (i32, i32) {
    %c0_i32 = arith.constant 0 : i32
    %c0_i32_0 = arith.constant 0 : i32
    return %arg0, %c0_i32 : i32, i32
  }
}

module attributes {stable_mosaic.version = 14 : i64} {
  func.func @_tc_transpose_body(%arg0: i32, %arg1: memref<200x256x1024xf32, #tpu.memory_space<any>>, %arg2: memref<1x1024x128xi32, #tpu.memory_space<vmem>>, %arg3: memref<1x256xf32, #tpu.memory_space<vmem>>, %arg4: memref<1x256x1024xf32, #tpu.memory_space<vmem>>) attributes {dimension_semantics = [#tpu.dimension_semantics<arbitrary>], iteration_bounds = array<i64: 40>, scalar_prefetch = 0 : i64, scratch_operands = 0 : i64, tpu.core_type = #tpu.core_type<tc>, window_params = [{}, {transform_indices = @transform_1, window_bounds = array<i64: 1, 1024, 128>}, {pipeline_mode = #tpu.pipeline_mode<synchronous>, transform_indices = @transform_2, window_bounds = array<i64: 1, 256>}, {transform_indices = @transform_3, window_bounds = array<i64: 1, 256, 1024>}]} {
    %get3A = arith.constant 0 : index
    %get3A_0 = arith.constant 0 : index
    %get3A_1 = arith.constant 0 : index
    %get3A_2 = vector.load %arg2[%get3A, %get3A_0, %get3A_1] : memref<1x1024x128xi32, #tpu.memory_space<vmem>>, vector<1x1024x128xi32>
    %get3A_3 = vector.shape_cast %get3A_2 : vector<1x1024x128xi32> to vector<1024x128xi32>
    %get3A_4 = arith.constant 0 : index
    %get3A_5 = arith.constant 0 : index
    %get3A_6 = vector.load %arg3[%get3A_4, %get3A_5] : memref<1x256xf32, #tpu.memory_space<vmem>>, vector<1x256xf32>
    %get3A_7 = vector.shape_cast %get3A_6 : vector<1x256xf32> to vector<256xf32>
    %shift_left3A = arith.constant 16 : i32
    %shift_left3A_8 = vector.broadcast %shift_left3A : i32 to vector<1024x128xi32>
    %shift_left3A_9 = arith.shli %get3A_3, %shift_left3A_8 : vector<1024x128xi32>
    %bitcast_convert_type3A = tpu.bitcast %shift_left3A_9 : vector<1024x128xi32> -> vector<1024x128xf32>
    %and3A = arith.constant -65536 : i32
    %and3A_10 = vector.broadcast %and3A : i32 to vector<1024x128xi32>
    %and3A_11 = arith.andi %get3A_3, %and3A_10 : vector<1024x128xi32>
    %bitcast_convert_type3A_12 = tpu.bitcast %and3A_11 : vector<1024x128xi32> -> vector<1024x128xf32>
    %transpose3A = tpu.transpose %bitcast_convert_type3A, [1, 0] : vector<1024x128xf32> -> vector<128x1024xf32>
    %slice3A = vector.extract_strided_slice %get3A_7 {offsets = [0], sizes = [128], strides = [1]} : vector<256xf32> to vector<128xf32>
    %broadcast_in_dim3A = vector.shape_cast %slice3A : vector<128xf32> to vector<128x1xf32>
    %mul3A = vector.broadcast %broadcast_in_dim3A : vector<128x1xf32> to vector<128x1024xf32>
    %mul3A_13 = arith.mulf %transpose3A, %mul3A : vector<128x1024xf32>
    %swap3A = arith.constant 0 : index
    %swap3A_14 = arith.constant 0 : index
    %swap3A_15 = arith.constant 0 : index
    %swap3A_16 = vector.load %arg4[%swap3A, %swap3A_14, %swap3A_15] : memref<1x256x1024xf32, #tpu.memory_space<vmem>>, vector<1x128x1024xf32>
    %swap3A_17 = vector.shape_cast %swap3A_16 : vector<1x128x1024xf32> to vector<128x1024xf32>
    %swap3A_18 = vector.shape_cast %mul3A_13 : vector<128x1024xf32> to vector<1x128x1024xf32>
    tpu.vector_store %arg4[%swap3A, %swap3A_14, %swap3A_15], %swap3A_18 {strides = array<i32>} : memref<1x256x1024xf32, #tpu.memory_space<vmem>>, vector<1x128x1024xf32>,
    %transpose3A_19 = tpu.transpose %bitcast_convert_type3A_12, [1, 0] : vector<1024x128xf32> -> vector<128x1024xf32>
    %slice3A_20 = vector.extract_strided_slice %get3A_7 {offsets = [128], sizes = [128], strides = [1]} : vector<256xf32> to vector<128xf32>
    %broadcast_in_dim3A_21 = vector.shape_cast %slice3A_20 : vector<128xf32> to vector<128x1xf32>
    %mul3A_22 = vector.broadcast %broadcast_in_dim3A_21 : vector<128x1xf32> to vector<128x1024xf32>
    %mul3A_23 = arith.mulf %transpose3A_19, %mul3A_22 : vector<128x1024xf32>
    %swap3A_24 = arith.constant 0 : index
    %swap3A_25 = arith.constant 128 : index
    %swap3A_26 = arith.constant 0 : index
    %swap3A_27 = vector.load %arg4[%swap3A_24, %swap3A_25, %swap3A_26] : memref<1x256x1024xf32, #tpu.memory_space<vmem>>, vector<1x128x1024xf32>
    %swap3A_28 = vector.shape_cast %swap3A_27 : vector<1x128x1024xf32> to vector<128x1024xf32>
    %swap3A_29 = vector.shape_cast %mul3A_23 : vector<128x1024xf32> to vector<1x128x1024xf32>
    tpu.vector_store %arg4[%swap3A_24, %swap3A_25, %swap3A_26], %swap3A_29 {strides = array<i32>} : memref<1x256x1024xf32, #tpu.memory_space<vmem>>, vector<1x128x1024xf32>,
    return
  }
  func.func @transform_1(%arg0: i32) -> (i32, i32, i32) {
    %c0_i32 = arith.constant 0 : i32
    %c0_i32_0 = arith.constant 0 : i32
    %c0_i32_1 = arith.constant 0 : i32
    return %arg0, %c0_i32, %c0_i32_0 : i32, i32, i32
  }
  func.func @transform_2(%arg0: i32) -> (i32, i32) {
    %c0_i32 = arith.constant 0 : i32
    %c0_i32_0 = arith.constant 0 : i32
    %c0_i32_1 = arith.constant 0 : i32
    return %c0_i32, %c0_i32_0 : i32, i32
  }
  func.func @transform_3(%arg0: i32) -> (i32, i32, i32) {
    %add3A = arith.constant 40 : i32
    %add3A_0 = arith.addi %add3A, %arg0 : i32
    %c0_i32 = arith.constant 0 : i32
    %c0_i32_1 = arith.constant 0 : i32
    %c0_i32_2 = arith.constant 0 : i32
    return %add3A_0, %c0_i32, %c0_i32_1 : i32, i32, i32
  }
}

module attributes {stable_mosaic.version = 14 : i64} {
  func.func @_tc_transpose_body(%arg0: i32, %arg1: memref<200x256x1024xf32, #tpu.memory_space<any>>, %arg2: memref<1x1024x128xi32, #tpu.memory_space<vmem>>, %arg3: memref<1x256xf32, #tpu.memory_space<vmem>>, %arg4: memref<1x256x1024xf32, #tpu.memory_space<vmem>>) attributes {dimension_semantics = [#tpu.dimension_semantics<arbitrary>], iteration_bounds = array<i64: 40>, scalar_prefetch = 0 : i64, scratch_operands = 0 : i64, tpu.core_type = #tpu.core_type<tc>, window_params = [{}, {transform_indices = @transform_1, window_bounds = array<i64: 1, 1024, 128>}, {pipeline_mode = #tpu.pipeline_mode<synchronous>, transform_indices = @transform_2, window_bounds = array<i64: 1, 256>}, {transform_indices = @transform_3, window_bounds = array<i64: 1, 256, 1024>}]} {
    %get3A = arith.constant 0 : index
    %get3A_0 = arith.constant 0 : index
    %get3A_1 = arith.constant 0 : index
    %get3A_2 = vector.load %arg2[%get3A, %get3A_0, %get3A_1] : memref<1x1024x128xi32, #tpu.memory_space<vmem>>, vector<1x1024x128xi32>
    %get3A_3 = vector.shape_cast %get3A_2 : vector<1x1024x128xi32> to vector<1024x128xi32>
    %get3A_4 = arith.constant 0 : index
    %get3A_5 = arith.constant 0 : index
    %get3A_6 = vector.load %arg3[%get3A_4, %get3A_5] : memref<1x256xf32, #tpu.memory_space<vmem>>, vector<1x256xf32>
    %get3A_7 = vector.shape_cast %get3A_6 : vector<1x256xf32> to vector<256xf32>
    %shift_left3A = arith.constant 16 : i32
    %shift_left3A_8 = vector.broadcast %shift_left3A : i32 to vector<1024x128xi32>
    %shift_left3A_9 = arith.shli %get3A_3, %shift_left3A_8 : vector<1024x128xi32>
    %bitcast_convert_type3A = tpu.bitcast %shift_left3A_9 : vector<1024x128xi32> -> vector<1024x128xf32>
    %and3A = arith.constant -65536 : i32
    %and3A_10 = vector.broadcast %and3A : i32 to vector<1024x128xi32>
    %and3A_11 = arith.andi %get3A_3, %and3A_10 : vector<1024x128xi32>
    %bitcast_convert_type3A_12 = tpu.bitcast %and3A_11 : vector<1024x128xi32> -> vector<1024x128xf32>
    %transpose3A = tpu.transpose %bitcast_convert_type3A, [1, 0] : vector<1024x128xf32> -> vector<128x1024xf32>
    %slice3A = vector.extract_strided_slice %get3A_7 {offsets = [0], sizes = [128], strides = [1]} : vector<256xf32> to vector<128xf32>
    %broadcast_in_dim3A = vector.shape_cast %slice3A : vector<128xf32> to vector<128x1xf32>
    %mul3A = vector.broadcast %broadcast_in_dim3A : vector<128x1xf32> to vector<128x1024xf32>
    %mul3A_13 = arith.mulf %transpose3A, %mul3A : vector<128x1024xf32>
    %swap3A = arith.constant 0 : index
    %swap3A_14 = arith.constant 0 : index
    %swap3A_15 = arith.constant 0 : index
    %swap3A_16 = vector.load %arg4[%swap3A, %swap3A_14, %swap3A_15] : memref<1x256x1024xf32, #tpu.memory_space<vmem>>, vector<1x128x1024xf32>
    %swap3A_17 = vector.shape_cast %swap3A_16 : vector<1x128x1024xf32> to vector<128x1024xf32>
    %swap3A_18 = vector.shape_cast %mul3A_13 : vector<128x1024xf32> to vector<1x128x1024xf32>
    tpu.vector_store %arg4[%swap3A, %swap3A_14, %swap3A_15], %swap3A_18 {strides = array<i32>} : memref<1x256x1024xf32, #tpu.memory_space<vmem>>, vector<1x128x1024xf32>,
    %transpose3A_19 = tpu.transpose %bitcast_convert_type3A_12, [1, 0] : vector<1024x128xf32> -> vector<128x1024xf32>
    %slice3A_20 = vector.extract_strided_slice %get3A_7 {offsets = [128], sizes = [128], strides = [1]} : vector<256xf32> to vector<128xf32>
    %broadcast_in_dim3A_21 = vector.shape_cast %slice3A_20 : vector<128xf32> to vector<128x1xf32>
    %mul3A_22 = vector.broadcast %broadcast_in_dim3A_21 : vector<128x1xf32> to vector<128x1024xf32>
    %mul3A_23 = arith.mulf %transpose3A_19, %mul3A_22 : vector<128x1024xf32>
    %swap3A_24 = arith.constant 0 : index
    %swap3A_25 = arith.constant 128 : index
    %swap3A_26 = arith.constant 0 : index
    %swap3A_27 = vector.load %arg4[%swap3A_24, %swap3A_25, %swap3A_26] : memref<1x256x1024xf32, #tpu.memory_space<vmem>>, vector<1x128x1024xf32>
    %swap3A_28 = vector.shape_cast %swap3A_27 : vector<1x128x1024xf32> to vector<128x1024xf32>
    %swap3A_29 = vector.shape_cast %mul3A_23 : vector<128x1024xf32> to vector<1x128x1024xf32>
    tpu.vector_store %arg4[%swap3A_24, %swap3A_25, %swap3A_26], %swap3A_29 {strides = array<i32>} : memref<1x256x1024xf32, #tpu.memory_space<vmem>>, vector<1x128x1024xf32>,
    return
  }
  func.func @transform_1(%arg0: i32) -> (i32, i32, i32) {
    %c0_i32 = arith.constant 0 : i32
    %c0_i32_0 = arith.constant 0 : i32
    %c0_i32_1 = arith.constant 0 : i32
    return %arg0, %c0_i32, %c0_i32_0 : i32, i32, i32
  }
  func.func @transform_2(%arg0: i32) -> (i32, i32) {
    %c0_i32 = arith.constant 0 : i32
    %c0_i32_0 = arith.constant 0 : i32
    %c0_i32_1 = arith.constant 0 : i32
    return %c0_i32, %c0_i32_0 : i32, i32
  }
  func.func @transform_3(%arg0: i32) -> (i32, i32, i32) {
    %add3A = arith.constant 80 : i32
    %add3A_0 = arith.addi %add3A, %arg0 : i32
    %c0_i32 = arith.constant 0 : i32
    %c0_i32_1 = arith.constant 0 : i32
    %c0_i32_2 = arith.constant 0 : i32
    return %add3A_0, %c0_i32, %c0_i32_1 : i32, i32, i32
  }
}

module attributes {stable_mosaic.version = 14 : i64} {
  func.func @_tc_transpose_body(%arg0: i32, %arg1: memref<200x256x1024xf32, #tpu.memory_space<any>>, %arg2: memref<1x1024x128xi32, #tpu.memory_space<vmem>>, %arg3: memref<1x256xf32, #tpu.memory_space<vmem>>, %arg4: memref<1x256x1024xf32, #tpu.memory_space<vmem>>) attributes {dimension_semantics = [#tpu.dimension_semantics<arbitrary>], iteration_bounds = array<i64: 40>, scalar_prefetch = 0 : i64, scratch_operands = 0 : i64, tpu.core_type = #tpu.core_type<tc>, window_params = [{}, {transform_indices = @transform_1, window_bounds = array<i64: 1, 1024, 128>}, {pipeline_mode = #tpu.pipeline_mode<synchronous>, transform_indices = @transform_2, window_bounds = array<i64: 1, 256>}, {transform_indices = @transform_3, window_bounds = array<i64: 1, 256, 1024>}]} {
    %get3A = arith.constant 0 : index
    %get3A_0 = arith.constant 0 : index
    %get3A_1 = arith.constant 0 : index
    %get3A_2 = vector.load %arg2[%get3A, %get3A_0, %get3A_1] : memref<1x1024x128xi32, #tpu.memory_space<vmem>>, vector<1x1024x128xi32>
    %get3A_3 = vector.shape_cast %get3A_2 : vector<1x1024x128xi32> to vector<1024x128xi32>
    %get3A_4 = arith.constant 0 : index
    %get3A_5 = arith.constant 0 : index
    %get3A_6 = vector.load %arg3[%get3A_4, %get3A_5] : memref<1x256xf32, #tpu.memory_space<vmem>>, vector<1x256xf32>
    %get3A_7 = vector.shape_cast %get3A_6 : vector<1x256xf32> to vector<256xf32>
    %shift_left3A = arith.constant 16 : i32
    %shift_left3A_8 = vector.broadcast %shift_left3A : i32 to vector<1024x128xi32>
    %shift_left3A_9 = arith.shli %get3A_3, %shift_left3A_8 : vector<1024x128xi32>
    %bitcast_convert_type3A = tpu.bitcast %shift_left3A_9 : vector<1024x128xi32> -> vector<1024x128xf32>
    %and3A = arith.constant -65536 : i32
    %and3A_10 = vector.broadcast %and3A : i32 to vector<1024x128xi32>
    %and3A_11 = arith.andi %get3A_3, %and3A_10 : vector<1024x128xi32>
    %bitcast_convert_type3A_12 = tpu.bitcast %and3A_11 : vector<1024x128xi32> -> vector<1024x128xf32>
    %transpose3A = tpu.transpose %bitcast_convert_type3A, [1, 0] : vector<1024x128xf32> -> vector<128x1024xf32>
    %slice3A = vector.extract_strided_slice %get3A_7 {offsets = [0], sizes = [128], strides = [1]} : vector<256xf32> to vector<128xf32>
    %broadcast_in_dim3A = vector.shape_cast %slice3A : vector<128xf32> to vector<128x1xf32>
    %mul3A = vector.broadcast %broadcast_in_dim3A : vector<128x1xf32> to vector<128x1024xf32>
    %mul3A_13 = arith.mulf %transpose3A, %mul3A : vector<128x1024xf32>
    %swap3A = arith.constant 0 : index
    %swap3A_14 = arith.constant 0 : index
    %swap3A_15 = arith.constant 0 : index
    %swap3A_16 = vector.load %arg4[%swap3A, %swap3A_14, %swap3A_15] : memref<1x256x1024xf32, #tpu.memory_space<vmem>>, vector<1x128x1024xf32>
    %swap3A_17 = vector.shape_cast %swap3A_16 : vector<1x128x1024xf32> to vector<128x1024xf32>
    %swap3A_18 = vector.shape_cast %mul3A_13 : vector<128x1024xf32> to vector<1x128x1024xf32>
    tpu.vector_store %arg4[%swap3A, %swap3A_14, %swap3A_15], %swap3A_18 {strides = array<i32>} : memref<1x256x1024xf32, #tpu.memory_space<vmem>>, vector<1x128x1024xf32>,
    %transpose3A_19 = tpu.transpose %bitcast_convert_type3A_12, [1, 0] : vector<1024x128xf32> -> vector<128x1024xf32>
    %slice3A_20 = vector.extract_strided_slice %get3A_7 {offsets = [128], sizes = [128], strides = [1]} : vector<256xf32> to vector<128xf32>
    %broadcast_in_dim3A_21 = vector.shape_cast %slice3A_20 : vector<128xf32> to vector<128x1xf32>
    %mul3A_22 = vector.broadcast %broadcast_in_dim3A_21 : vector<128x1xf32> to vector<128x1024xf32>
    %mul3A_23 = arith.mulf %transpose3A_19, %mul3A_22 : vector<128x1024xf32>
    %swap3A_24 = arith.constant 0 : index
    %swap3A_25 = arith.constant 128 : index
    %swap3A_26 = arith.constant 0 : index
    %swap3A_27 = vector.load %arg4[%swap3A_24, %swap3A_25, %swap3A_26] : memref<1x256x1024xf32, #tpu.memory_space<vmem>>, vector<1x128x1024xf32>
    %swap3A_28 = vector.shape_cast %swap3A_27 : vector<1x128x1024xf32> to vector<128x1024xf32>
    %swap3A_29 = vector.shape_cast %mul3A_23 : vector<128x1024xf32> to vector<1x128x1024xf32>
    tpu.vector_store %arg4[%swap3A_24, %swap3A_25, %swap3A_26], %swap3A_29 {strides = array<i32>} : memref<1x256x1024xf32, #tpu.memory_space<vmem>>, vector<1x128x1024xf32>,
    return
  }
  func.func @transform_1(%arg0: i32) -> (i32, i32, i32) {
    %c0_i32 = arith.constant 0 : i32
    %c0_i32_0 = arith.constant 0 : i32
    %c0_i32_1 = arith.constant 0 : i32
    return %arg0, %c0_i32, %c0_i32_0 : i32, i32, i32
  }
  func.func @transform_2(%arg0: i32) -> (i32, i32) {
    %c0_i32 = arith.constant 0 : i32
    %c0_i32_0 = arith.constant 0 : i32
    %c0_i32_1 = arith.constant 0 : i32
    return %c0_i32, %c0_i32_0 : i32, i32
  }
  func.func @transform_3(%arg0: i32) -> (i32, i32, i32) {
    %add3A = arith.constant 160 : i32
    %add3A_0 = arith.addi %add3A, %arg0 : i32
    %c0_i32 = arith.constant 0 : i32
    %c0_i32_1 = arith.constant 0 : i32
    %c0_i32_2 = arith.constant 0 : i32
    return %add3A_0, %c0_i32, %c0_i32_1 : i32, i32, i32
  }
}

module attributes {stable_mosaic.version = 14 : i64} {
  func.func @_tc_transpose_body(%arg0: i32, %arg1: memref<200x256x1024xf32, #tpu.memory_space<any>>, %arg2: memref<1x1024x128xi32, #tpu.memory_space<vmem>>, %arg3: memref<1x256xf32, #tpu.memory_space<vmem>>, %arg4: memref<1x256x1024xf32, #tpu.memory_space<vmem>>) attributes {dimension_semantics = [#tpu.dimension_semantics<arbitrary>], iteration_bounds = array<i64: 40>, scalar_prefetch = 0 : i64, scratch_operands = 0 : i64, tpu.core_type = #tpu.core_type<tc>, window_params = [{}, {transform_indices = @transform_1, window_bounds = array<i64: 1, 1024, 128>}, {pipeline_mode = #tpu.pipeline_mode<synchronous>, transform_indices = @transform_2, window_bounds = array<i64: 1, 256>}, {transform_indices = @transform_3, window_bounds = array<i64: 1, 256, 1024>}]} {
    %get3A = arith.constant 0 : index
    %get3A_0 = arith.constant 0 : index
    %get3A_1 = arith.constant 0 : index
    %get3A_2 = vector.load %arg2[%get3A, %get3A_0, %get3A_1] : memref<1x1024x128xi32, #tpu.memory_space<vmem>>, vector<1x1024x128xi32>
    %get3A_3 = vector.shape_cast %get3A_2 : vector<1x1024x128xi32> to vector<1024x128xi32>
    %get3A_4 = arith.constant 0 : index
    %get3A_5 = arith.constant 0 : index
    %get3A_6 = vector.load %arg3[%get3A_4, %get3A_5] : memref<1x256xf32, #tpu.memory_space<vmem>>, vector<1x256xf32>
    %get3A_7 = vector.shape_cast %get3A_6 : vector<1x256xf32> to vector<256xf32>
    %shift_left3A = arith.constant 16 : i32
    %shift_left3A_8 = vector.broadcast %shift_left3A : i32 to vector<1024x128xi32>
    %shift_left3A_9 = arith.shli %get3A_3, %shift_left3A_8 : vector<1024x128xi32>
    %bitcast_convert_type3A = tpu.bitcast %shift_left3A_9 : vector<1024x128xi32> -> vector<1024x128xf32>
    %and3A = arith.constant -65536 : i32
    %and3A_10 = vector.broadcast %and3A : i32 to vector<1024x128xi32>
    %and3A_11 = arith.andi %get3A_3, %and3A_10 : vector<1024x128xi32>
    %bitcast_convert_type3A_12 = tpu.bitcast %and3A_11 : vector<1024x128xi32> -> vector<1024x128xf32>
    %transpose3A = tpu.transpose %bitcast_convert_type3A, [1, 0] : vector<1024x128xf32> -> vector<128x1024xf32>
    %slice3A = vector.extract_strided_slice %get3A_7 {offsets = [0], sizes = [128], strides = [1]} : vector<256xf32> to vector<128xf32>
    %broadcast_in_dim3A = vector.shape_cast %slice3A : vector<128xf32> to vector<128x1xf32>
    %mul3A = vector.broadcast %broadcast_in_dim3A : vector<128x1xf32> to vector<128x1024xf32>
    %mul3A_13 = arith.mulf %transpose3A, %mul3A : vector<128x1024xf32>
    %swap3A = arith.constant 0 : index
    %swap3A_14 = arith.constant 0 : index
    %swap3A_15 = arith.constant 0 : index
    %swap3A_16 = vector.load %arg4[%swap3A, %swap3A_14, %swap3A_15] : memref<1x256x1024xf32, #tpu.memory_space<vmem>>, vector<1x128x1024xf32>
    %swap3A_17 = vector.shape_cast %swap3A_16 : vector<1x128x1024xf32> to vector<128x1024xf32>
    %swap3A_18 = vector.shape_cast %mul3A_13 : vector<128x1024xf32> to vector<1x128x1024xf32>
    tpu.vector_store %arg4[%swap3A, %swap3A_14, %swap3A_15], %swap3A_18 {strides = array<i32>} : memref<1x256x1024xf32, #tpu.memory_space<vmem>>, vector<1x128x1024xf32>,
    %transpose3A_19 = tpu.transpose %bitcast_convert_type3A_12, [1, 0] : vector<1024x128xf32> -> vector<128x1024xf32>
    %slice3A_20 = vector.extract_strided_slice %get3A_7 {offsets = [128], sizes = [128], strides = [1]} : vector<256xf32> to vector<128xf32>
    %broadcast_in_dim3A_21 = vector.shape_cast %slice3A_20 : vector<128xf32> to vector<128x1xf32>
    %mul3A_22 = vector.broadcast %broadcast_in_dim3A_21 : vector<128x1xf32> to vector<128x1024xf32>
    %mul3A_23 = arith.mulf %transpose3A_19, %mul3A_22 : vector<128x1024xf32>
    %swap3A_24 = arith.constant 0 : index
    %swap3A_25 = arith.constant 128 : index
    %swap3A_26 = arith.constant 0 : index
    %swap3A_27 = vector.load %arg4[%swap3A_24, %swap3A_25, %swap3A_26] : memref<1x256x1024xf32, #tpu.memory_space<vmem>>, vector<1x128x1024xf32>
    %swap3A_28 = vector.shape_cast %swap3A_27 : vector<1x128x1024xf32> to vector<128x1024xf32>
    %swap3A_29 = vector.shape_cast %mul3A_23 : vector<128x1024xf32> to vector<1x128x1024xf32>
    tpu.vector_store %arg4[%swap3A_24, %swap3A_25, %swap3A_26], %swap3A_29 {strides = array<i32>} : memref<1x256x1024xf32, #tpu.memory_space<vmem>>, vector<1x128x1024xf32>,
    return
  }
  func.func @transform_1(%arg0: i32) -> (i32, i32, i32) {
    %c0_i32 = arith.constant 0 : i32
    %c0_i32_0 = arith.constant 0 : i32
    %c0_i32_1 = arith.constant 0 : i32
    return %arg0, %c0_i32, %c0_i32_0 : i32, i32, i32
  }
  func.func @transform_2(%arg0: i32) -> (i32, i32) {
    %c0_i32 = arith.constant 0 : i32
    %c0_i32_0 = arith.constant 0 : i32
    %c0_i32_1 = arith.constant 0 : i32
    return %c0_i32, %c0_i32_0 : i32, i32
  }
  func.func @transform_3(%arg0: i32) -> (i32, i32, i32) {
    %add3A = arith.constant 120 : i32
    %add3A_0 = arith.addi %add3A, %arg0 : i32
    %c0_i32 = arith.constant 0 : i32
    %c0_i32_1 = arith.constant 0 : i32
    %c0_i32_2 = arith.constant 0 : i32
    return %add3A_0, %c0_i32, %c0_i32_1 : i32, i32, i32
  }
}

</mosaic_0001>

<sc_bundles>
// kernel: kernel.13.cloned.1.call-start
scs
__scs_entry_jumppad:
0x0: {  	(pc) =	sbr.rel $0x88, $3  }
0x1: {  	(tag) =	ssettag $0x0;
	lr =	simm.s32 $0x1  }
0x2: {  	[smem:$0x3F9D] =	sst lr;
	_ =	strace $0xD0000000  }
0x3: {  	_ = 	snop  }
0x4: {  	_ = 	snop  }
0x5: {  	_ = 	snop  }
0x6: {  	_ = 	snop  }
0x7: {  	_ = 	snop  }
__scs_overlays_trampoline_lowered:
0x8: {  	[smem:$0x3FAC] =	sst s0  }
0x9: {  	[smem:$0x3FAD] =	sst s1  }
0xa: {  	[smem:$0x3FAE] =	sst s2  }
0xb: {  	[smem:$0x3FAF] =	sst s3  }
0xc: {  	[smem:$0x3FB0] =	sst s4  }
0xd: {  	[smem:$0x3FB1] =	sst s5  }
0xe: {  	[smem:$0x3FB2] =	sst s6  }
0xf: {  	[smem:$0x3FB3] =	sst s7  }
0x10: {  	[smem:$0x3FB4] =	sst s8  }
0x11: {  	[smem:$0x3FB5] =	sst s9;
	s0 =	simm.s32 @!p0 $0x0  }
0x12: {  	s1 =	sld [smem:$0x3F9B];
	s0 =	simm.s32 @p0 $0x1  }
0x13: {  	[smem:$0x3FB6] =	sst s0;
	s0 =	simm.s32 @!p1 $0x0  }
0x14: {  	s2 =	sld [smem:$0x3F9A];
	s0 =	simm.s32 @p1 $0x1  }
0x15: {  	[smem:$0x3FB7] =	sst s0;
	s0 =	simm.s32 @!p2 $0x0  }
0x16: {  	s3 =	sld [smem:$0x3FDB];
	s0 =	simm.s32 @p2 $0x1  }
0x17: {  	s4 =	simm.s32 $0x1BF5;
	[smem:$0x3FB9] =	sst s0  }
0x18: {  	s0 =	sld [smem:$0x3F9C];
	_ =	swait.ge [sflag:s4], $0x0  }
0x19: {  	s7 =	sld [smem:$0x3F9D]  }
0x1a: {  	s8 =	sadd.s32 $0xFFFFE003, lr  }
0x1b: {  	s9 =	sadd.s32 $0xFFFFFEF7, lr;
	s5 =	simm.s32 $0xFFFFFFFF;
	p2 =	slt.u32 s8, $0xFFFFF086  }
0x1c: {  	p1 =	slt.u32 s9, $0xF7A;
	s5 =	simm.s32 @!p2 $0x0  }
0x1d: {  	s5 =	simm.s32 @p1 $0x1;
	p0 =	seq.s32 s7, s2  }
0x1e: {  	s7 =	smul.u32 @!p0 $0xF7A, s2;
	p2 =	seq.s32 @!p0 s5, $0x0  }
0x1f: {  	s9 =	smul.u32 $0xF7A, s1;
	s8 =	simm.s32 @!p0 $0x1BF5;
	p2 =	por !p2, p0  }
0x20: {  	[sflag:s8] =	ssyncset.s32 @!p0 $0xFFFFF086;
	s6 =	sadd.s32 @!p0 s3, s7;
	s7 =	simm.s32 @!p0 $0x108  }
0x21: {  	s3 =	sadd.s32 s3, s9;
	s6 =	sadd.s32 @!p0 $0x88, s6;
	s7 =	simm.s32 @p2 $0x1082  }
0x22: {  	[simem:s7], [sflag:s8] =	dma.local @!p0 [hbm:s6], $0xF7A  }
0x23: {  	s9 =	sor.u32 $0xD0000000, s2;
	s6 =	simm.s32 $0x108;
	_ =	swait.ge @!p0 [sflag:s8], $0x0  }
0x24: {  	s3 =	sadd.s32 $0x88, s3;
	s6 =	simm.s32 @!p1 $0x1082;
	[sflag:s4] =	ssyncset.s32 $0xFFFFF086  }
0x25: {  	[simem:s6], [sflag:s4] =	dma.local [hbm:s3], $0xF7A  }
0x26: {  	[smem:$0x3F9D] =	sst s1;
	(tag) =	ssettag s2;
	_ =	strace s9  }
0x27: {  	s1 =	sld [smem:$0x3FAD]  }
0x28: {  	s2 =	sld [smem:$0x3FAE]  }
0x29: {  	s4 =	sld [smem:$0x3FB0]  }
0x2a: {  	p0 =	seq.s32 s5, $0x0;
	s5 =	sld [smem:$0x3FB1]  }
0x2b: {  	s6 =	sld [smem:$0x3FB2]  }
0x2c: {  	s7 =	sld [smem:$0x3FB3]  }
0x2d: {  	s3 =	simm.s32 $0x108;
	s8 =	sld [smem:$0x3FB4]  }
0x2e: {  	s3 =	simm.s32 @!p0 $0x1082;
	s9 =	sld [smem:$0x3FB5]  }
0x2f: {  	lr =	sadd.s32 s0, s3;
	s0 =	sld [smem:$0x3FAC]  }
0x30: {  	s3 =	sld [smem:$0x3FAF]  }
0x31: {  	[smem:$0x3FB8] =	sst s10  }
0x32: {  	s10 =	sld [smem:$0x3FB6];
	_ =	sdelay $0x3  }
0x33: {  	p0 =	seq.s32 s10, $0x1;
	s10 =	sld [smem:$0x3FB8];
	_ =	sdelay $0x3  }
0x34: {  	[smem:$0x3FB8] =	sst s10  }
0x35: {  	s10 =	sld [smem:$0x3FB7];
	_ =	sdelay $0x3  }
0x36: {  	p1 =	seq.s32 s10, $0x1;
	s10 =	sld [smem:$0x3FB8];
	_ =	sdelay $0x3  }
0x37: {  	[smem:$0x3FB8] =	sst s10  }
0x38: {  	s10 =	sld [smem:$0x3FB9]  }
0x39: {  	_ = 	snop;
	(pc) =	sbr.ind lr, $3  }
0x3a: {  	_ = 	snop  }
0x3b: {  	_ = 	snop  }
0x3c: {  	p2 =	seq.s32 s10, $0x1;
	s10 =	sld [smem:$0x3FB8]  }
0x3d: {  	_ =	shalt  }
0x3e: {  	_ =	shalt  }
0x3f: {  	_ =	shalt  }
0x40: {  	_ =	shalt  }
0x41: {  	_ =	shalt  }
0x42: {  	_ =	shalt  }
0x43: {  	_ =	shalt  }
0x44: {  	_ =	shalt  }
0x45: {  	_ =	shalt  }
0x46: {  	_ =	shalt  }
0x47: {  	_ =	shalt  }
0x48: {  	_ =	shalt  }
0x49: {  	_ =	shalt  }
0x4a: {  	_ =	shalt  }
0x4b: {  	_ =	shalt  }
0x4c: {  	_ =	shalt  }
0x4d: {  	_ =	shalt  }
0x4e: {  	_ =	shalt  }
0x4f: {  	_ =	shalt  }
0x50: {  	_ =	shalt  }
0x51: {  	_ =	shalt  }
0x52: {  	_ =	shalt  }
0x53: {  	_ =	shalt  }
0x54: {  	_ =	shalt  }
0x55: {  	_ =	shalt  }
0x56: {  	_ =	shalt  }
0x57: {  	_ =	shalt  }
0x58: {  	_ =	shalt  }
0x59: {  	_ =	shalt  }
0x5a: {  	_ =	shalt  }
0x5b: {  	_ =	shalt  }
0x5c: {  	_ =	shalt  }
0x5d: {  	_ =	shalt  }
0x5e: {  	_ =	shalt  }
0x5f: {  	_ =	shalt  }
0x60: {  	_ =	shalt  }
0x61: {  	_ =	shalt  }
0x62: {  	_ =	shalt  }
0x63: {  	_ =	shalt  }
0x64: {  	_ =	shalt  }
0x65: {  	_ =	shalt  }
0x66: {  	_ =	shalt  }
0x67: {  	_ =	shalt  }
0x68: {  	_ =	shalt  }
0x69: {  	_ =	shalt  }
0x6a: {  	_ =	shalt  }
0x6b: {  	_ =	shalt  }
0x6c: {  	_ =	shalt  }
0x6d: {  	_ =	shalt  }
0x6e: {  	_ =	shalt  }
0x6f: {  	_ =	shalt  }
0x70: {  	_ =	shalt  }
0x71: {  	_ =	shalt  }
0x72: {  	_ =	shalt  }
0x73: {  	_ =	shalt  }
0x74: {  	_ =	shalt  }
0x75: {  	_ =	shalt  }
0x76: {  	_ =	shalt  }
0x77: {  	_ =	shalt  }
0x78: {  	_ =	shalt  }
0x79: {  	_ =	shalt  }
0x7a: {  	_ =	shalt  }
0x7b: {  	_ =	shalt  }
0x7c: {  	_ =	shalt  }
0x7d: {  	_ =	shalt  }
0x7e: {  	_ =	shalt  }
0x7f: {  	_ =	shalt  }
0x80: {  	_ =	shalt  }
0x81: {  	_ =	shalt  }
0x82: {  	_ =	shalt  }
0x83: {  	_ =	shalt  }
0x84: {  	_ =	shalt  }
0x85: {  	_ =	shalt  }
0x86: {  	_ =	shalt  }
0x87: {  	_ =	shalt  }
.Lfunc_end0:
.L_simem_size_0:
called_computation_lowered:
.L_overlay_start_0:
0x88: {  	s2 =	sld [smem:$0x3FD9]  }
0x89: {  	s3 =	sld [smem:$0x3FFE];
	_ =	sdelay $0x1  }
0x8a: {  	s1 =	srdreg.scid  }
0x8b: {  	s0 =	sand.u32 $0x1, s1  }
0x8c: {  	s17 =	sshll.u32 s0, $0xA;
	s2 =	sadd.s32 s3, s2  }
0x8d: {  	s2 =	sadd.s32 s2, s17  }
0x8e: {  	[smem:$0x3FC4] =	sst s2  }
0x8f: {  	_ = 	snop  }
0x90: {  	s2 =	sld [smem:$0x3FD0];
	(tm) =	ssettm $0x1  }
0x91: {  	s18 =	sld [smem:$0x3FFB];
	_ =	sdelay $0x3  }
0x92: {  	_ =	strace s18  }
0x93: {  	s3 =	sld [smem:$0x3FFC];
	_ =	sdelay $0x3  }
0x94: {  	_ =	strace s3  }
0x95: {  	s3 =	sld [smem:$0x3FFD];
	_ =	sdelay $0x3  }
0x96: {  	_ =	strace s3  }
0x97: {  	_ =	strace $0x8FFFFFFF  }
0x98: {  	s19 =	sld [smem:$0x3FDB];
	_ =	sdelay $0x1  }
0x99: {  	s4 =	simm.s32 $_scs_section_size  }
0x9a: {  	s5 =	simm.s32 $_size__tile_overlayer_lowered;
	s6 =	simm.s32 $_tile_overlayer_lowered  }
0x9b: {  	s22 =	simm.s32 $0x1BFF;
	s21 =	sshll.u32 s6, $0x1;
	s3 =	sadd.s32 s4, s19  }
0x9c: {  	s7 =	simm.s32 $0x0;
	s20 =	sshll.u32 s5, $0x1;
	s5 =	sadd.s32 s21, s3  }
0x9d: {  	[timem:s7], [sflag:s22] =	dma.local [hbm:s5], s20  }
0x9e: {  	_ =	swait.ge [sflag:s22], s20  }
0x9f: {  	s4 =	ssub.s32 $0x0, s20;
	[sflag:s22] =	ssyncset.done $0x0  }
0xa0: {  	[sflag:s22] =	ssyncadd.s32 s4;
	_ =	sdelay $0x1  }
0xa1: {  	s23 =	simm.s32 $0x1B8B  }
0xa2: {  	_ =	swait.ge [sflag:s23], $0x1  }
0xa3: {  	[sflag:s23] =	ssyncset.done $0x0  }
0xa4: {  	s25 =	simm.s32 $0x1B8E;
	s24 =	sld [smem:$0x3FFE];
	[sflag:s23] =	ssyncadd.s32 $0xFFFFFFFF  }
0xa5: {  	s26 =	simm.s32 $execute0_lowered;
	[smem:$0x3FD2] =	sst s25  }
0xa6: {  	s5 =	sshll.u32 s26, $0x1;
	_ =	strace $0x80000046;
	[dreg:$0x1] =	wrdreg $0xFFFFFFFF  }
0xa7: {  	s28 =	simm.s32 $_size_execute0_lowered;
	s3 =	sadd.s32 s3, s5;
	[dreg:$0x0] =	wrdreg $0x0  }
0xa8: {  	s5 =	sshll.u32 s28, $0x1;
	[dreg:$0x2] =	wrdreg s3  }
0xa9: {  	[dreg:$0x3] =	wrdreg s5  }
0xaa: {  	[dreg:$0x4] =	wrdreg $0xC0  }
0xab: {  	_ =	task [dreg:s7], $0x5FFFF  }
0xac: {  	[dreg:$0x1] =	wrdreg $0xFFFFFFFF  }
0xad: {  	[dreg:$0x0] =	wrdreg $0x60  }
0xae: {  	[dreg:$0x2] =	wrdreg s24  }
0xaf: {  	[dreg:$0x3] =	wrdreg s2  }
0xb0: {  	[dreg:$0x4] =	wrdreg $0x9  }
0xb1: {  	_ =	task.clear_ibuf [dreg:s7], $0x5FFFF;
	_ =	strace $0x90000046  }
0xb2: {  	s29 =	simm.s32 $0x9;
	_ =	strace $0x80000048  }
0xb3: {  	_ =	swait.ge [sflag:s29], $0x1  }
0xb4: {  	[sflag:s29] =	ssyncadd.s32 $0xFFFFFFFF  }
0xb5: {  	_ =	strace $0x90000048  }
0xb6: {  	_ =	sfence  }
0xb7: {  	s30 =	sld [smem:$0x0];
	_ =	sdelay $0x2  }
0xb8: {  	s31 =	sshll.u32 s1, $0xD;
	s1 =	sshrl.u32 s1, $0x2  }
0xb9: {  	s3 =	sand.u32 $0x4000, s31;
	s1 =	sadd.s32 s1, s30  }
0xba: {  	s0 =	sor.u32 s3, s0;
	s1 =	sshll.u32 s1, $0x11  }
0xbb: {  	s0 =	sor.u32 s1, s0  }
0xbc: {  	s0 =	sadd.s32 $0x8F2B, s0  }
0xbd: {  	[sflag:s0] =	ssyncadd.remote.s32 $0x1  }
0xbe: {  	_ =	sfence.sel $0xFFFF  }
0xbf: {  	[dreg:$0x0] =	wrdreg $0xFFFFFFFF;
	(pc) =	sbr.abs _section_cstart, $3  }
0xc0: {  	[dreg:$0x1] =	wrdreg $0xFFFFFFFF  }
0xc1: {  	_ =	task.clear_ibuf [dreg:s7], $0x2FFFF;
	_ =	strace $0x9FFFFFFF  }
0xc2: {  	(tm) =	ssettm $0x7FFFFFFF  }
0xc3: {  	_ =	shalt  }
tec
execute0_lowered:
.L_overlay_start_1:
0x0: {  	(tag) =	ssettag $0x1  }
0x1: {  	s1 =	srdreg.scid;
	s0 =	stileid.u32  }
0x2: {  	s30 =	sand.u32 $0x1, s1;
	s26 =	sshll.u32 s0, $0x1  }
0x3: {  	s11 =	sor.u32 s30, s26  }
0x4: {  	s3 =	smul.u32 $0xA0, s11  }
0x5: {  	s4 =	rddreg [dreg:$0x0]  }
0x6: {  	s13 =	rddreg [dreg:$0x1];
	s2 =	simm.s32 $0x0;
	s3 =	sadd.s32 s3, s4  }
0x7: {  	[smem:$0x7FF] =	sst s2;
	s3 =	sadd.s32 $0x188E00, s3  }
0x8: {  	_ =	strace $0x80000047;
	[dreg:$0x3] =	wrdreg s3  }
0x9: {  	s3 =	simm.s32 $0x5;
	s5 =	rddreg [dreg:$0x3]  }
0xa: {  	[tilespmem:s2], [sflag:$0x5] =	stream.linear.gather [hbm4b:s5+s2], $0x500, $0x38;
	[tilespmem:$0x8500] =	vst v63  }
0xb: {  	_ =	swait.ge [sflag:s3], $0x500  }
0xc: {  	s6 =	simm.s32 $0x500;
	[sflag:s3] =	ssyncset.done $0x0  }
0xd: {  	s4 =	sadd.s32 $0x2400, s4;
	s5 =	simm.s32 $0x80;
	[sflag:s3] =	ssyncadd.s32 $0xFFFFFB00  }
0xe: {  	[tilespmem:s6], [sflag:$0x1] =	stream.indirect.gather [hbm4b:s4+s5], $0x80, s2, s5, $0xb8;
	[tilespmem:$0x8500] =	vst v63  }
0xf: {  	s7 =	simm.s32 $0x4500;
	s8 =	simm.s32 $0x1;
	s9 =	smul.u32 $0x28000, s11  }
0x10: {  	[tilespmem:s7], [sflag:$0x2] =	stream.indirect.gather [hbm4b:s4+s5], $0x80, s5, s5, $0xb8;
	[tilespmem:$0x8500] =	vst v63  }
0x11: {  	_ =	swait.ge [sflag:s8], $0x4000  }
0x12: {  	s9 =	sshrl.u32 s9, $0x3;
	[sflag:s8] =	ssyncset.done $0x0  }
0x13: {  	s10 =	simm.s32 $0x3;
	s9 =	sadd.s32 s13, s9;
	[sflag:s8] =	ssyncadd.s32 $0xFFFFC000  }
0x14: {  	[hbm4b:s9+s2] =	stream.linear.scatter [tilespmem:s6], [sflag:$0x3], $0x4000, $0x38;
	[tilespmem:$0x8500] =	vst v63  }
0x15: {  	_ =	swait.ge [sflag:s10], $0x4000  }
0x16: {  	s12 =	simm.s32 $0x2;
	[sflag:s10] =	ssyncset.done $0x0  }
0x17: {  	s14 =	smul.u32 $0x5000, s11;
	s11 =	simm.s32 $0x100;
	[sflag:s10] =	ssyncadd.s32 $0xFFFFC000  }
0x18: {  	[tilespmem:s6], [sflag:$0x1] =	stream.indirect.gather [hbm4b:s4+s5], $0x80, s11, s5, $0xb8;
	[tilespmem:$0x8500] =	vst v63  }
0x19: {  	_ =	swait.ge [sflag:s12], $0x4000  }
0x1a: {  	s31 =	sadd.s32 s13, s14;
	[sflag:s12] =	ssyncset.done $0x0  }
0x1b: {  	s14 =	sadd.s32 $0x800, s31;
	s13 =	simm.s32 $0x4;
	[sflag:s12] =	ssyncadd.s32 $0xFFFFC000  }
0x1c: {  	[hbm4b:s14+s2] =	stream.linear.scatter [tilespmem:s7], [sflag:$0x4], $0x4000, $0x38;
	[tilespmem:$0x8500] =	vst v63  }
0x1d: {  	_ =	swait.ge [sflag:s13], $0x4000  }
0x1e: {  	[sflag:s13] =	ssyncset.done $0x0  }
0x1f: {  	s15 =	simm.s32 $0x180;
	[sflag:s13] =	ssyncadd.s32 $0xFFFFC000  }
0x20: {  	[tilespmem:s7], [sflag:$0x2] =	stream.indirect.gather [hbm4b:s4+s5], $0x80, s15, s5, $0xb8;
	[tilespmem:$0x8500] =	vst v63  }
0x21: {  	_ =	swait.ge [sflag:s8], $0x4000  }
0x22: {  	[sflag:s8] =	ssyncset.done $0x0  }
0x23: {  	s16 =	sadd.s32 $0x1000, s9;
	[sflag:s8] =	ssyncadd.s32 $0xFFFFC000  }
0x24: {  	[hbm4b:s16+s2] =	stream.linear.scatter [tilespmem:s6], [sflag:$0x3], $0x4000, $0x38;
	[tilespmem:$0x8500] =	vst v63  }
0x25: {  	_ =	swait.ge [sflag:s10], $0x4000  }
0x26: {  	[sflag:s10] =	ssyncset.done $0x0  }
0x27: {  	s17 =	simm.s32 $0x200;
	[sflag:s10] =	ssyncadd.s32 $0xFFFFC000  }
0x28: {  	[tilespmem:s6], [sflag:$0x1] =	stream.indirect.gather [hbm4b:s4+s5], $0x80, s17, s5, $0xb8;
	[tilespmem:$0x8500] =	vst v63  }
0x29: {  	_ =	swait.ge [sflag:s12], $0x4000  }
0x2a: {  	[sflag:s12] =	ssyncset.done $0x0  }
0x2b: {  	s18 =	sadd.s32 $0x1800, s31;
	[sflag:s12] =	ssyncadd.s32 $0xFFFFC000  }
0x2c: {  	[hbm4b:s18+s2] =	stream.linear.scatter [tilespmem:s7], [sflag:$0x4], $0x4000, $0x38;
	[tilespmem:$0x8500] =	vst v63  }
0x2d: {  	_ =	swait.ge [sflag:s13], $0x4000  }
0x2e: {  	[sflag:s13] =	ssyncset.done $0x0  }
0x2f: {  	s19 =	simm.s32 $0x280;
	[sflag:s13] =	ssyncadd.s32 $0xFFFFC000  }
0x30: {  	[tilespmem:s7], [sflag:$0x2] =	stream.indirect.gather [hbm4b:s4+s5], $0x80, s19, s5, $0xb8;
	[tilespmem:$0x8500] =	vst v63  }
0x31: {  	_ =	swait.ge [sflag:s8], $0x4000  }
0x32: {  	[sflag:s8] =	ssyncset.done $0x0  }
0x33: {  	s20 =	sadd.s32 $0x2000, s9;
	[sflag:s8] =	ssyncadd.s32 $0xFFFFC000  }
0x34: {  	[hbm4b:s20+s2] =	stream.linear.scatter [tilespmem:s6], [sflag:$0x3], $0x4000, $0x38;
	[tilespmem:$0x8500] =	vst v63  }
0x35: {  	_ =	swait.ge [sflag:s10], $0x4000  }
0x36: {  	[sflag:s10] =	ssyncset.done $0x0  }
0x37: {  	s21 =	simm.s32 $0x300;
	[sflag:s10] =	ssyncadd.s32 $0xFFFFC000  }
0x38: {  	[tilespmem:s6], [sflag:$0x1] =	stream.indirect.gather [hbm4b:s4+s5], $0x80, s21, s5, $0xb8;
	[tilespmem:$0x8500] =	vst v63  }
0x39: {  	_ =	swait.ge [sflag:s12], $0x4000  }
0x3a: {  	[sflag:s12] =	ssyncset.done $0x0  }
0x3b: {  	s22 =	sadd.s32 $0x2800, s31;
	[sflag:s12] =	ssyncadd.s32 $0xFFFFC000  }
0x3c: {  	[hbm4b:s22+s2] =	stream.linear.scatter [tilespmem:s7], [sflag:$0x4], $0x4000, $0x38;
	[tilespmem:$0x8500] =	vst v63  }
0x3d: {  	_ =	swait.ge [sflag:s13], $0x4000  }
0x3e: {  	[sflag:s13] =	ssyncset.done $0x0  }
0x3f: {  	s23 =	simm.s32 $0x380;
	[sflag:s13] =	ssyncadd.s32 $0xFFFFC000  }
0x40: {  	[tilespmem:s7], [sflag:$0x2] =	stream.indirect.gather [hbm4b:s4+s5], $0x80, s23, s5, $0xb8;
	[tilespmem:$0x8500] =	vst v63  }
0x41: {  	_ =	swait.ge [sflag:s8], $0x4000  }
0x42: {  	[sflag:s8] =	ssyncset.done $0x0  }
0x43: {  	s24 =	sadd.s32 $0x3000, s9;
	[sflag:s8] =	ssyncadd.s32 $0xFFFFC000  }
0x44: {  	[hbm4b:s24+s2] =	stream.linear.scatter [tilespmem:s6], [sflag:$0x3], $0x4000, $0x38;
	[tilespmem:$0x8500] =	vst v63  }
0x45: {  	_ =	swait.ge [sflag:s10], $0x4000  }
0x46: {  	[sflag:s10] =	ssyncset.done $0x0  }
0x47: {  	s25 =	simm.s32 $0x400;
	[sflag:s10] =	ssyncadd.s32 $0xFFFFC000  }
0x48: {  	[tilespmem:s6], [sflag:$0x1] =	stream.indirect.gather [hbm4b:s4+s5], $0x80, s25, s5, $0xb8;
	[tilespmem:$0x8500] =	vst v63  }
0x49: {  	_ =	swait.ge [sflag:s12], $0x4000  }
0x4a: {  	[sflag:s12] =	ssyncset.done $0x0  }
0x4b: {  	s26 =	sadd.s32 $0x3800, s31;
	[sflag:s12] =	ssyncadd.s32 $0xFFFFC000  }
0x4c: {  	[hbm4b:s26+s2] =	stream.linear.scatter [tilespmem:s7], [sflag:$0x4], $0x4000, $0x38;
	[tilespmem:$0x8500] =	vst v63  }
0x4d: {  	_ =	swait.ge [sflag:s13], $0x4000  }
0x4e: {  	[sflag:s13] =	ssyncset.done $0x0  }
0x4f: {  	s28 =	simm.s32 $0x480;
	[sflag:s13] =	ssyncadd.s32 $0xFFFFC000  }
0x50: {  	[tilespmem:s7], [sflag:$0x2] =	stream.indirect.gather [hbm4b:s4+s5], $0x80, s28, s5, $0xb8;
	[tilespmem:$0x8500] =	vst v63  }
0x51: {  	_ =	swait.ge [sflag:s8], $0x4000  }
0x52: {  	s1 =	ssub.s32 $0x2, s30;
	s30 =	sadd.s32 $0x4800, s31;
	[sflag:s8] =	ssyncset.done $0x0  }
0x53: {  	s31 =	sshrl.u32 s1, $0x1;
	s29 =	sadd.s32 $0x4000, s9;
	[sflag:s8] =	ssyncadd.s32 $0xFFFFC000  }
0x54: {  	[hbm4b:s29+s2] =	stream.linear.scatter [tilespmem:s6], [sflag:$0x3], $0x4000, $0x38;
	[tilespmem:$0x8500] =	vst v63  }
0x55: {  	s1 =	ssub.s32 s1, s31;
	_ =	swait.ge [sflag:s12], $0x4000  }
0x56: {  	s1 =	smax.u32 s1, $0x1;
	[sflag:s12] =	ssyncset.done $0x0  }
0x57: {  	p0 =	sne.s32 s1, $0x1;
	[sflag:s12] =	ssyncadd.s32 $0xFFFFC000  }
0x58: {  	[hbm4b:s30+s2] =	stream.linear.scatter [tilespmem:s7], [sflag:$0x4], $0x4000, $0x38;
	[tilespmem:$0x8500] =	vst v63  }
.Ltmp0:
0x59: {  	_ =	swait.ge [sflag:s10], $0x4000;
	(pc) =	sbr.rel @!p0 .LBB2_2-.Ltmp0, $4  }
0x5a: {  	[sflag:s10] =	ssyncset.done $0x0  }
0x5b: {  	[sflag:s10] =	ssyncadd.s32 $0xFFFFC000  }
0x5c: {  	_ =	swait.ge [sflag:s13], $0x4000  }
0x5d: {  	s31 =	sadd.s32 $0xFFFFFFFF, s1;
	[sflag:s13] =	ssyncset.done $0x0  }
.LBB2_1:
0x5e: {  	s1 =	rddreg [dreg:$0x3];
	[sflag:s13] =	ssyncadd.s32 $0xFFFFC000  }
0x5f: {  	[tilespmem:s2], [sflag:$0x5] =	stream.linear.gather [hbm4b:s1+s2], $0x500, $0x38;
	[tilespmem:$0x8500] =	vst v63  }
0x60: {  	_ =	swait.ge [sflag:s3], $0x500  }
0x61: {  	[sflag:s3] =	ssyncset.done $0x0  }
0x62: {  	[sflag:s3] =	ssyncadd.s32 $0xFFFFFB00  }
0x63: {  	[tilespmem:s6], [sflag:$0x1] =	stream.indirect.gather [hbm4b:s4+s5], $0x80, s2, s5, $0xb8;
	[tilespmem:$0x8500] =	vst v63  }
0x64: {  	_ = 	snop  }
0x65: {  	[tilespmem:s7], [sflag:$0x2] =	stream.indirect.gather [hbm4b:s4+s5], $0x80, s5, s5, $0xb8;
	[tilespmem:$0x8500] =	vst v63  }
0x66: {  	_ =	swait.ge [sflag:s8], $0x4000  }
0x67: {  	[sflag:s8] =	ssyncset.done $0x0  }
0x68: {  	[sflag:s8] =	ssyncadd.s32 $0xFFFFC000  }
0x69: {  	[hbm4b:s9+s2] =	stream.linear.scatter [tilespmem:s6], [sflag:$0x3], $0x4000, $0x38;
	[tilespmem:$0x8500] =	vst v63  }
0x6a: {  	_ =	swait.ge [sflag:s10], $0x4000  }
0x6b: {  	[sflag:s10] =	ssyncset.done $0x0  }
0x6c: {  	[sflag:s10] =	ssyncadd.s32 $0xFFFFC000  }
0x6d: {  	[tilespmem:s6], [sflag:$0x1] =	stream.indirect.gather [hbm4b:s4+s5], $0x80, s11, s5, $0xb8;
	[tilespmem:$0x8500] =	vst v63  }
0x6e: {  	_ =	swait.ge [sflag:s12], $0x4000  }
0x6f: {  	[sflag:s12] =	ssyncset.done $0x0  }
0x70: {  	[sflag:s12] =	ssyncadd.s32 $0xFFFFC000  }
0x71: {  	[hbm4b:s14+s2] =	stream.linear.scatter [tilespmem:s7], [sflag:$0x4], $0x4000, $0x38;
	[tilespmem:$0x8500] =	vst v63  }
0x72: {  	_ =	swait.ge [sflag:s13], $0x4000  }
0x73: {  	[sflag:s13] =	ssyncset.done $0x0  }
0x74: {  	[sflag:s13] =	ssyncadd.s32 $0xFFFFC000  }
0x75: {  	[tilespmem:s7], [sflag:$0x2] =	stream.indirect.gather [hbm4b:s4+s5], $0x80, s15, s5, $0xb8;
	[tilespmem:$0x8500] =	vst v63  }
0x76: {  	_ =	swait.ge [sflag:s8], $0x4000  }
0x77: {  	[sflag:s8] =	ssyncset.done $0x0  }
0x78: {  	[sflag:s8] =	ssyncadd.s32 $0xFFFFC000  }
0x79: {  	[hbm4b:s16+s2] =	stream.linear.scatter [tilespmem:s6], [sflag:$0x3], $0x4000, $0x38;
	[tilespmem:$0x8500] =	vst v63  }
0x7a: {  	_ =	swait.ge [sflag:s10], $0x4000  }
0x7b: {  	[sflag:s10] =	ssyncset.done $0x0  }
0x7c: {  	[sflag:s10] =	ssyncadd.s32 $0xFFFFC000  }
0x7d: {  	[tilespmem:s6], [sflag:$0x1] =	stream.indirect.gather [hbm4b:s4+s5], $0x80, s17, s5, $0xb8;
	[tilespmem:$0x8500] =	vst v63  }
0x7e: {  	_ =	swait.ge [sflag:s12], $0x4000  }
0x7f: {  	[sflag:s12] =	ssyncset.done $0x0  }
0x80: {  	[sflag:s12] =	ssyncadd.s32 $0xFFFFC000  }
0x81: {  	[hbm4b:s18+s2] =	stream.linear.scatter [tilespmem:s7], [sflag:$0x4], $0x4000, $0x38;
	[tilespmem:$0x8500] =	vst v63  }
0x82: {  	_ =	swait.ge [sflag:s13], $0x4000  }
0x83: {  	[sflag:s13] =	ssyncset.done $0x0  }
0x84: {  	[sflag:s13] =	ssyncadd.s32 $0xFFFFC000  }
0x85: {  	[tilespmem:s7], [sflag:$0x2] =	stream.indirect.gather [hbm4b:s4+s5], $0x80, s19, s5, $0xb8;
	[tilespmem:$0x8500] =	vst v63  }
0x86: {  	_ =	swait.ge [sflag:s8], $0x4000  }
0x87: {  	[sflag:s8] =	ssyncset.done $0x0  }
0x88: {  	[sflag:s8] =	ssyncadd.s32 $0xFFFFC000  }
0x89: {  	[hbm4b:s20+s2] =	stream.linear.scatter [tilespmem:s6], [sflag:$0x3], $0x4000, $0x38;
	[tilespmem:$0x8500] =	vst v63  }
0x8a: {  	_ =	swait.ge [sflag:s10], $0x4000  }
0x8b: {  	[sflag:s10] =	ssyncset.done $0x0  }
0x8c: {  	[sflag:s10] =	ssyncadd.s32 $0xFFFFC000  }
0x8d: {  	[tilespmem:s6], [sflag:$0x1] =	stream.indirect.gather [hbm4b:s4+s5], $0x80, s21, s5, $0xb8;
	[tilespmem:$0x8500] =	vst v63  }
0x8e: {  	_ =	swait.ge [sflag:s12], $0x4000  }
0x8f: {  	[sflag:s12] =	ssyncset.done $0x0  }
0x90: {  	[sflag:s12] =	ssyncadd.s32 $0xFFFFC000  }
0x91: {  	[hbm4b:s22+s2] =	stream.linear.scatter [tilespmem:s7], [sflag:$0x4], $0x4000, $0x38;
	[tilespmem:$0x8500] =	vst v63  }
0x92: {  	_ =	swait.ge [sflag:s13], $0x4000  }
0x93: {  	[sflag:s13] =	ssyncset.done $0x0  }
0x94: {  	[sflag:s13] =	ssyncadd.s32 $0xFFFFC000  }
0x95: {  	[tilespmem:s7], [sflag:$0x2] =	stream.indirect.gather [hbm4b:s4+s5], $0x80, s23, s5, $0xb8;
	[tilespmem:$0x8500] =	vst v63  }
0x96: {  	_ =	swait.ge [sflag:s8], $0x4000  }
0x97: {  	[sflag:s8] =	ssyncset.done $0x0  }
0x98: {  	[sflag:s8] =	ssyncadd.s32 $0xFFFFC000  }
0x99: {  	[hbm4b:s24+s2] =	stream.linear.scatter [tilespmem:s6], [sflag:$0x3], $0x4000, $0x38;
	[tilespmem:$0x8500] =	vst v63  }
0x9a: {  	_ =	swait.ge [sflag:s10], $0x4000  }
0x9b: {  	[sflag:s10] =	ssyncset.done $0x0  }
0x9c: {  	[sflag:s10] =	ssyncadd.s32 $0xFFFFC000  }
0x9d: {  	[tilespmem:s6], [sflag:$0x1] =	stream.indirect.gather [hbm4b:s4+s5], $0x80, s25, s5, $0xb8;
	[tilespmem:$0x8500] =	vst v63  }
0x9e: {  	_ =	swait.ge [sflag:s12], $0x4000  }
0x9f: {  	[sflag:s12] =	ssyncset.done $0x0  }
0xa0: {  	[sflag:s12] =	ssyncadd.s32 $0xFFFFC000  }
0xa1: {  	[hbm4b:s26+s2] =	stream.linear.scatter [tilespmem:s7], [sflag:$0x4], $0x4000, $0x38;
	[tilespmem:$0x8500] =	vst v63  }
0xa2: {  	_ =	swait.ge [sflag:s13], $0x4000  }
0xa3: {  	[sflag:s13] =	ssyncset.done $0x0  }
0xa4: {  	[sflag:s13] =	ssyncadd.s32 $0xFFFFC000  }
0xa5: {  	[tilespmem:s7], [sflag:$0x2] =	stream.indirect.gather [hbm4b:s4+s5], $0x80, s28, s5, $0xb8;
	[tilespmem:$0x8500] =	vst v63  }
0xa6: {  	_ =	swait.ge [sflag:s8], $0x4000  }
0xa7: {  	[sflag:s8] =	ssyncset.done $0x0  }
0xa8: {  	[sflag:s8] =	ssyncadd.s32 $0xFFFFC000  }
0xa9: {  	[hbm4b:s29+s2] =	stream.linear.scatter [tilespmem:s6], [sflag:$0x3], $0x4000, $0x38;
	[tilespmem:$0x8500] =	vst v63  }
0xaa: {  	_ =	swait.ge [sflag:s12], $0x4000  }
0xab: {  	[sflag:s12] =	ssyncset.done $0x0  }
0xac: {  	p0 =	sne.s32 s31, $0x1;
	[sflag:s12] =	ssyncadd.s32 $0xFFFFC000  }
0xad: {  	[hbm4b:s30+s2] =	stream.linear.scatter [tilespmem:s7], [sflag:$0x4], $0x4000, $0x38;
	[tilespmem:$0x8500] =	vst v63  }
.Ltmp1:
0xae: {  	_ =	swait.ge [sflag:s10], $0x4000;
	(pc) =	sbr.rel @p0 .LBB2_1-.Ltmp1, $4  }
0xaf: {  	[sflag:s10] =	ssyncset.done $0x0  }
0xb0: {  	[sflag:s10] =	ssyncadd.s32 $0xFFFFC000  }
0xb1: {  	_ =	swait.ge [sflag:s13], $0x4000  }
0xb2: {  	s31 =	sadd.s32 $0xFFFFFFFF, s31;
	[sflag:s13] =	ssyncset.done $0x0  }
.LBB2_2:
0xb3: {  	[sflag:s13] =	ssyncadd.s32 $0xFFFFC000  }
0xb4: {  	_ =	sfence.sel $0x180000  }
0xb5: {  	[bflag:$0x0] =	sbarrier.arrive $0xFFFF  }
0xb6: {  	_ =	strace $0x90000047  }
0xb7: {  	[bflag:$0x2] =	sbarrier.arrive $0xFFFF  }
0xb8: {  	p0 =	sne.s32 s0, $0x0;
	s0 =	rddreg [dreg:$0x2]  }
0xb9: {  	s0 =	sadd.s32 @!p0 $0x100000, s0  }
0xba: {  	[sflag:s0] =	ssyncadd.tile.s32 @!p0 $0x1;
	_ =	shalt  }
.Lfunc_end2:
_tile_overlayer_lowered:
.L_overlay_start_2:
0xbb: {  	(tag) =	ssettag $0x2  }
0xbc: {  	s0 =	rddreg [dreg:$0x0];
	s2 =	stileid.u32  }
0xbd: {  	s1 =	rddreg [dreg:$0x1];
	p0 =	sne.s32 s2, $0x0  }
0xbe: {  	s3 =	rddreg [dreg:$0x2];
	[bflag:$0x3] =	sbarrier.arrive $0xFFFF;
	s2 =	simm.s32 @!p0 $0x1C05  }
0xbf: {  	[timem:s3], [sflag:s2] =	dma.local @!p0 [hbm:s0], s1  }
0xc0: {  	s0 =	simm.s32 @!p0 $0x5  }
0xc1: {  	_ =	swait.ge @!p0 [sflag:s0], s1  }
0xc2: {  	s1 =	ssub.s32 @!p0 $0x0, s1;
	[sflag:s0] =	ssyncset.done @!p0 $0x0  }
0xc3: {  	[sflag:s0] =	ssyncadd.s32 @!p0 s1  }
0xc4: {  	[bflag:$0x3] =	sbarrier.arrive $0xFFFF  }
0xc5: {  	_ =	shalt  }

// kernel: kernel.16.cloned.1.call-start
scs
__scs_entry_jumppad:
0x0: {  	(pc) =	sbr.rel $0x88, $3  }
0x1: {  	(tag) =	ssettag $0x0;
	lr =	simm.s32 $0x1  }
0x2: {  	[smem:$0x3F9D] =	sst lr;
	_ =	strace $0xD0000000  }
0x3: {  	_ = 	snop  }
0x4: {  	_ = 	snop  }
0x5: {  	_ = 	snop  }
0x6: {  	_ = 	snop  }
0x7: {  	_ = 	snop  }
__scs_overlays_trampoline_lowered:
0x8: {  	[smem:$0x3FAC] =	sst s0  }
0x9: {  	[smem:$0x3FAD] =	sst s1  }
0xa: {  	[smem:$0x3FAE] =	sst s2  }
0xb: {  	[smem:$0x3FAF] =	sst s3  }
0xc: {  	[smem:$0x3FB0] =	sst s4  }
0xd: {  	[smem:$0x3FB1] =	sst s5  }
0xe: {  	[smem:$0x3FB2] =	sst s6  }
0xf: {  	[smem:$0x3FB3] =	sst s7  }
0x10: {  	[smem:$0x3FB4] =	sst s8  }
0x11: {  	[smem:$0x3FB5] =	sst s9;
	s0 =	simm.s32 @!p0 $0x0  }
0x12: {  	s1 =	sld [smem:$0x3F9B];
	s0 =	simm.s32 @p0 $0x1  }
0x13: {  	[smem:$0x3FB6] =	sst s0;
	s0 =	simm.s32 @!p1 $0x0  }
0x14: {  	s2 =	sld [smem:$0x3F9A];
	s0 =	simm.s32 @p1 $0x1  }
0x15: {  	[smem:$0x3FB7] =	sst s0;
	s0 =	simm.s32 @!p2 $0x0  }
0x16: {  	s3 =	sld [smem:$0x3FDB];
	s0 =	simm.s32 @p2 $0x1  }
0x17: {  	s4 =	simm.s32 $0x1BF5;
	[smem:$0x3FB9] =	sst s0  }
0x18: {  	s0 =	sld [smem:$0x3F9C];
	_ =	swait.ge [sflag:s4], $0x0  }
0x19: {  	s7 =	sld [smem:$0x3F9D]  }
0x1a: {  	s8 =	sadd.s32 $0xFFFFE003, lr  }
0x1b: {  	s9 =	sadd.s32 $0xFFFFFEF7, lr;
	s5 =	simm.s32 $0xFFFFFFFF;
	p2 =	slt.u32 s8, $0xFFFFF086  }
0x1c: {  	p1 =	slt.u32 s9, $0xF7A;
	s5 =	simm.s32 @!p2 $0x0  }
0x1d: {  	s5 =	simm.s32 @p1 $0x1;
	p0 =	seq.s32 s7, s2  }
0x1e: {  	s7 =	smul.u32 @!p0 $0xF7A, s2;
	p2 =	seq.s32 @!p0 s5, $0x0  }
0x1f: {  	s9 =	smul.u32 $0xF7A, s1;
	s8 =	simm.s32 @!p0 $0x1BF5;
	p2 =	por !p2, p0  }
0x20: {  	[sflag:s8] =	ssyncset.s32 @!p0 $0xFFFFF086;
	s6 =	sadd.s32 @!p0 s3, s7;
	s7 =	simm.s32 @!p0 $0x108  }
0x21: {  	s3 =	sadd.s32 s3, s9;
	s6 =	sadd.s32 @!p0 $0x88, s6;
	s7 =	simm.s32 @p2 $0x1082  }
0x22: {  	[simem:s7], [sflag:s8] =	dma.local @!p0 [hbm:s6], $0xF7A  }
0x23: {  	s9 =	sor.u32 $0xD0000000, s2;
	s6 =	simm.s32 $0x108;
	_ =	swait.ge @!p0 [sflag:s8], $0x0  }
0x24: {  	s3 =	sadd.s32 $0x88, s3;
	s6 =	simm.s32 @!p1 $0x1082;
	[sflag:s4] =	ssyncset.s32 $0xFFFFF086  }
0x25: {  	[simem:s6], [sflag:s4] =	dma.local [hbm:s3], $0xF7A  }
0x26: {  	[smem:$0x3F9D] =	sst s1;
	(tag) =	ssettag s2;
	_ =	strace s9  }
0x27: {  	s1 =	sld [smem:$0x3FAD]  }
0x28: {  	s2 =	sld [smem:$0x3FAE]  }
0x29: {  	s4 =	sld [smem:$0x3FB0]  }
0x2a: {  	p0 =	seq.s32 s5, $0x0;
	s5 =	sld [smem:$0x3FB1]  }
0x2b: {  	s6 =	sld [smem:$0x3FB2]  }
0x2c: {  	s7 =	sld [smem:$0x3FB3]  }
0x2d: {  	s3 =	simm.s32 $0x108;
	s8 =	sld [smem:$0x3FB4]  }
0x2e: {  	s3 =	simm.s32 @!p0 $0x1082;
	s9 =	sld [smem:$0x3FB5]  }
0x2f: {  	lr =	sadd.s32 s0, s3;
	s0 =	sld [smem:$0x3FAC]  }
0x30: {  	s3 =	sld [smem:$0x3FAF]  }
0x31: {  	[smem:$0x3FB8] =	sst s10  }
0x32: {  	s10 =	sld [smem:$0x3FB6];
	_ =	sdelay $0x3  }
0x33: {  	p0 =	seq.s32 s10, $0x1;
	s10 =	sld [smem:$0x3FB8];
	_ =	sdelay $0x3  }
0x34: {  	[smem:$0x3FB8] =	sst s10  }
0x35: {  	s10 =	sld [smem:$0x3FB7];
	_ =	sdelay $0x3  }
0x36: {  	p1 =	seq.s32 s10, $0x1;
	s10 =	sld [smem:$0x3FB8];
	_ =	sdelay $0x3  }
0x37: {  	[smem:$0x3FB8] =	sst s10  }
0x38: {  	s10 =	sld [smem:$0x3FB9]  }
0x39: {  	_ = 	snop;
	(pc) =	sbr.ind lr, $3  }
0x3a: {  	_ = 	snop  }
0x3b: {  	_ = 	snop  }
0x3c: {  	p2 =	seq.s32 s10, $0x1;
	s10 =	sld [smem:$0x3FB8]  }
0x3d: {  	_ =	shalt  }
0x3e: {  	_ =	shalt  }
0x3f: {  	_ =	shalt  }
0x40: {  	_ =	shalt  }
0x41: {  	_ =	shalt  }
0x42: {  	_ =	shalt  }
0x43: {  	_ =	shalt  }
0x44: {  	_ =	shalt  }
0x45: {  	_ =	shalt  }
0x46: {  	_ =	shalt  }
0x47: {  	_ =	shalt  }
0x48: {  	_ =	shalt  }
0x49: {  	_ =	shalt  }
0x4a: {  	_ =	shalt  }
0x4b: {  	_ =	shalt  }
0x4c: {  	_ =	shalt  }
0x4d: {  	_ =	shalt  }
0x4e: {  	_ =	shalt  }
0x4f: {  	_ =	shalt  }
0x50: {  	_ =	shalt  }
0x51: {  	_ =	shalt  }
0x52: {  	_ =	shalt  }
0x53: {  	_ =	shalt  }
0x54: {  	_ =	shalt  }
0x55: {  	_ =	shalt  }
0x56: {  	_ =	shalt  }
0x57: {  	_ =	shalt  }
0x58: {  	_ =	shalt  }
0x59: {  	_ =	shalt  }
0x5a: {  	_ =	shalt  }
0x5b: {  	_ =	shalt  }
0x5c: {  	_ =	shalt  }
0x5d: {  	_ =	shalt  }
0x5e: {  	_ =	shalt  }
0x5f: {  	_ =	shalt  }
0x60: {  	_ =	shalt  }
0x61: {  	_ =	shalt  }
0x62: {  	_ =	shalt  }
0x63: {  	_ =	shalt  }
0x64: {  	_ =	shalt  }
0x65: {  	_ =	shalt  }
0x66: {  	_ =	shalt  }
0x67: {  	_ =	shalt  }
0x68: {  	_ =	shalt  }
0x69: {  	_ =	shalt  }
0x6a: {  	_ =	shalt  }
0x6b: {  	_ =	shalt  }
0x6c: {  	_ =	shalt  }
0x6d: {  	_ =	shalt  }
0x6e: {  	_ =	shalt  }
0x6f: {  	_ =	shalt  }
0x70: {  	_ =	shalt  }
0x71: {  	_ =	shalt  }
0x72: {  	_ =	shalt  }
0x73: {  	_ =	shalt  }
0x74: {  	_ =	shalt  }
0x75: {  	_ =	shalt  }
0x76: {  	_ =	shalt  }
0x77: {  	_ =	shalt  }
0x78: {  	_ =	shalt  }
0x79: {  	_ =	shalt  }
0x7a: {  	_ =	shalt  }
0x7b: {  	_ =	shalt  }
0x7c: {  	_ =	shalt  }
0x7d: {  	_ =	shalt  }
0x7e: {  	_ =	shalt  }
0x7f: {  	_ =	shalt  }
0x80: {  	_ =	shalt  }
0x81: {  	_ =	shalt  }
0x82: {  	_ =	shalt  }
0x83: {  	_ =	shalt  }
0x84: {  	_ =	shalt  }
0x85: {  	_ =	shalt  }
0x86: {  	_ =	shalt  }
0x87: {  	_ =	shalt  }
.Lfunc_end0:
.L_simem_size_0:
called_computation.1_lowered:
.L_overlay_start_0:
0x88: {  	s2 =	sld [smem:$0x3FD9]  }
0x89: {  	s3 =	sld [smem:$0x3FFE];
	_ =	sdelay $0x1  }
0x8a: {  	s1 =	srdreg.scid  }
0x8b: {  	s0 =	sand.u32 $0x1, s1  }
0x8c: {  	s17 =	sshll.u32 s0, $0xA;
	s2 =	sadd.s32 s3, s2  }
0x8d: {  	s2 =	sadd.s32 s2, s17  }
0x8e: {  	[smem:$0x3FC4] =	sst s2  }
0x8f: {  	_ = 	snop  }
0x90: {  	(tm) =	ssettm $0x1  }
0x91: {  	s18 =	sld [smem:$0x3FFB];
	_ =	sdelay $0x3  }
0x92: {  	_ =	strace s18  }
0x93: {  	s2 =	sld [smem:$0x3FFC];
	_ =	sdelay $0x3  }
0x94: {  	_ =	strace s2  }
0x95: {  	s2 =	sld [smem:$0x3FFD];
	_ =	sdelay $0x3  }
0x96: {  	_ =	strace s2  }
0x97: {  	_ =	strace $0x8FFFFFFF  }
0x98: {  	s19 =	sld [smem:$0x3FDB];
	_ =	sdelay $0x1  }
0x99: {  	s20 =	simm.s32 $_scs_section_size  }
0x9a: {  	s4 =	simm.s32 $_size__tile_overlayer_lowered;
	s5 =	simm.s32 $_tile_overlayer_lowered  }
0x9b: {  	s6 =	simm.s32 $0x1BFF;
	s21 =	sshll.u32 s5, $0x1;
	s3 =	sadd.s32 s20, s19  }
0x9c: {  	s22 =	simm.s32 $0x0;
	s4 =	sshll.u32 s4, $0x1;
	s5 =	sadd.s32 s21, s3  }
0x9d: {  	[timem:s22], [sflag:s6] =	dma.local [hbm:s5], s4  }
0x9e: {  	_ =	swait.ge [sflag:s6], s4  }
0x9f: {  	s4 =	ssub.s32 $0x0, s4;
	[sflag:s6] =	ssyncset.done $0x0  }
0xa0: {  	[sflag:s6] =	ssyncadd.s32 s4;
	_ =	sdelay $0x1  }
0xa1: {  	s23 =	simm.s32 $0x1B8B  }
0xa2: {  	_ =	swait.ge [sflag:s23], $0x1  }
0xa3: {  	[sflag:s23] =	ssyncset.done $0x0  }
0xa4: {  	[sflag:s23] =	ssyncadd.s32 $0xFFFFFFFF  }
0xa5: {  	s4 =	sld [smem:$0x0]  }
0xa6: {  	s5 =	sand.u32 $0xFFFFFFFE, s1  }
0xa7: {  	p0 =	sne.s32 s1, s5  }
0xa8: {  	s5 =	sshll.u32 @p0 s5, $0xE  }
0xa9: {  	s5 =	sadd.s32 @p0 $0x11B8D, s5;
	s6 =	sshll.u32 @p0 s4, $0x11  }
0xaa: {  	s5 =	sor.u32 @p0 s6, s5  }
0xab: {  	[sflag:s5] =	ssyncadd.remote.s32 @p0 $0x1;
	_ =	sdelay $0x1  }
0xac: {  	s5 =	simm.s32 @p0 $0x1B8D  }
0xad: {  	_ =	swait.eq @p0 [sflag:s5], $0x1  }
0xae: {  	[sflag:s5] =	ssyncadd.s32 @p0 $0xFFFFFFFF  }
0xaf: {  	s6 =	sshll.u32 @!p0 s1, $0xE  }
0xb0: {  	s6 =	sor.u32 @!p0 $0x4000, s6;
	s5 =	simm.s32 @!p0 $0x1B8D  }
0xb1: {  	s4 =	sshll.u32 @!p0 s4, $0x11;
	s6 =	sadd.s32 @!p0 $0x11B8D, s6;
	_ =	swait.eq @!p0 [sflag:s5], $0x1  }
0xb2: {  	s4 =	sor.u32 @!p0 s4, s6;
	[sflag:s5] =	ssyncadd.s32 @!p0 $0xFFFFFFFF  }
0xb3: {  	s25 =	simm.s32 $0x1B8E;
	s24 =	sld [smem:$0x3FFE];
	[sflag:s4] =	ssyncadd.remote.s32 @!p0 $0x1  }
0xb4: {  	s26 =	simm.s32 $execute0_lowered;
	[smem:$0x3FD2] =	sst s25  }
0xb5: {  	s5 =	sshll.u32 s26, $0x1;
	_ =	strace $0x80000049;
	[dreg:$0x1] =	wrdreg $0xFFFFFFFF  }
0xb6: {  	s28 =	simm.s32 $_size_execute0_lowered;
	s3 =	sadd.s32 s3, s5;
	[dreg:$0x0] =	wrdreg $0x0  }
0xb7: {  	s5 =	sshll.u32 s28, $0x1;
	[dreg:$0x2] =	wrdreg s3  }
0xb8: {  	[dreg:$0x3] =	wrdreg s5  }
0xb9: {  	[dreg:$0x4] =	wrdreg $0xC0  }
0xba: {  	_ =	task [dreg:s22], $0x5FFFF  }
0xbb: {  	[dreg:$0x1] =	wrdreg $0xFFFFFFFF  }
0xbc: {  	[dreg:$0x0] =	wrdreg $0x60  }
0xbd: {  	[dreg:$0x2] =	wrdreg s24  }
0xbe: {  	[dreg:$0x3] =	wrdreg $0xA  }
0xbf: {  	_ =	task.clear_ibuf [dreg:s22], $0x4FFFF;
	_ =	strace $0x90000049  }
0xc0: {  	s29 =	simm.s32 $0xA;
	_ =	strace $0x8000004B  }
0xc1: {  	_ =	swait.ge [sflag:s29], $0x1  }
0xc2: {  	[sflag:s29] =	ssyncadd.s32 $0xFFFFFFFF  }
0xc3: {  	_ =	strace $0x9000004B  }
0xc4: {  	_ =	sfence  }
0xc5: {  	s30 =	sld [smem:$0x0];
	_ =	sdelay $0x2  }
0xc6: {  	s31 =	sshll.u32 s1, $0xD;
	s1 =	sshrl.u32 s1, $0x2  }
0xc7: {  	s4 =	sand.u32 $0x4000, s31;
	s1 =	sadd.s32 s1, s30  }
0xc8: {  	s0 =	sor.u32 s4, s0;
	s1 =	sshll.u32 s1, $0x11  }
0xc9: {  	s0 =	sor.u32 s1, s0  }
0xca: {  	s0 =	sadd.s32 $0x8F2B, s0  }
0xcb: {  	[sflag:s0] =	ssyncadd.remote.s32 $0x1  }
0xcc: {  	_ =	sfence.sel $0xFFFF  }
0xcd: {  	[dreg:$0x0] =	wrdreg $0xFFFFFFFF;
	(pc) =	sbr.abs _section_cstart, $3  }
0xce: {  	[dreg:$0x1] =	wrdreg $0xFFFFFFFF  }
0xcf: {  	_ =	task.clear_ibuf [dreg:s22], $0x2FFFF;
	_ =	strace $0x9FFFFFFF  }
0xd0: {  	(tm) =	ssettm $0x7FFFFFFF  }
0xd1: {  	_ =	shalt  }
tec
execute0_lowered:
.L_overlay_start_1:
0x0: {  	(tag) =	ssettag $0x1  }
0x1: {  	s1 =	srdreg.scid;
	s0 =	stileid.u32  }
0x2: {  	s30 =	sand.u32 $0x1, s1;
	s25 =	sshll.u32 s0, $0x1  }
0x3: {  	s11 =	sor.u32 s30, s25  }
0x4: {  	s3 =	smul.u32 $0x500, s11;
	_ =	sdelay $0x1  }
0x5: {  	s9 =	rddreg [dreg:$0x0];
	s3 =	sshrl.u32 s3, $0x3  }
0x6: {  	s2 =	simm.s32 $0x0;
	s3 =	sadd.s32 s9, s3  }
0x7: {  	[smem:$0x7FF] =	sst s2;
	s3 =	sadd.s32 $0x18A200, s3  }
0x8: {  	_ =	strace $0x8000004A;
	[dreg:$0x2] =	wrdreg s3  }
0x9: {  	s3 =	simm.s32 $0x5;
	s4 =	rddreg [dreg:$0x2]  }
0xa: {  	[tilespmem:s2], [sflag:$0x5] =	stream.linear.gather [hbm4b:s4+s2], $0x500, $0x38;
	[tilespmem:$0x8500] =	vst v63  }
0xb: {  	_ =	swait.ge [sflag:s3], $0x500  }
0xc: {  	s5 =	simm.s32 $0x80;
	[sflag:s3] =	ssyncset.done $0x0  }
0xd: {  	s6 =	simm.s32 $0x500;
	s4 =	sadd.s32 $0x2400, s9;
	[sflag:s3] =	ssyncadd.s32 $0xFFFFFB00  }
0xe: {  	[tilespmem:s6], [sflag:$0x1] =	stream.indirect.gather [hbm4b:s4+s5], $0x80, s2, s5, $0xb8;
	[tilespmem:$0x8500] =	vst v63  }
0xf: {  	s7 =	simm.s32 $0x4500;
	s8 =	simm.s32 $0x1;
	s10 =	smul.u32 $0x28000, s11  }
0x10: {  	[tilespmem:s7], [sflag:$0x2] =	stream.indirect.gather [hbm4b:s4+s5], $0x80, s5, s5, $0xb8;
	[tilespmem:$0x8500] =	vst v63  }
0x11: {  	_ =	swait.ge [sflag:s8], $0x4000  }
0x12: {  	s13 =	sadd.s32 $0x18F200, s9;
	s26 =	sshrl.u32 s10, $0x3;
	[sflag:s8] =	ssyncset.done $0x0  }
0x13: {  	s10 =	simm.s32 $0x3;
	s9 =	sadd.s32 s13, s26;
	[sflag:s8] =	ssyncadd.s32 $0xFFFFC000  }
0x14: {  	[hbm4b:s9+s2] =	stream.linear.scatter [tilespmem:s6], [sflag:$0x3], $0x4000, $0x38;
	[tilespmem:$0x8500] =	vst v63  }
0x15: {  	_ =	swait.ge [sflag:s10], $0x4000  }
0x16: {  	s12 =	simm.s32 $0x2;
	[sflag:s10] =	ssyncset.done $0x0  }
0x17: {  	s14 =	smul.u32 $0x5000, s11;
	s11 =	simm.s32 $0x100;
	[sflag:s10] =	ssyncadd.s32 $0xFFFFC000  }
0x18: {  	[tilespmem:s6], [sflag:$0x1] =	stream.indirect.gather [hbm4b:s4+s5], $0x80, s11, s5, $0xb8;
	[tilespmem:$0x8500] =	vst v63  }
0x19: {  	_ =	swait.ge [sflag:s12], $0x4000  }
0x1a: {  	s31 =	sadd.s32 s13, s14;
	[sflag:s12] =	ssyncset.done $0x0  }
0x1b: {  	s14 =	sadd.s32 $0x800, s31;
	s13 =	simm.s32 $0x4;
	[sflag:s12] =	ssyncadd.s32 $0xFFFFC000  }
0x1c: {  	[hbm4b:s14+s2] =	stream.linear.scatter [tilespmem:s7], [sflag:$0x4], $0x4000, $0x38;
	[tilespmem:$0x8500] =	vst v63  }
0x1d: {  	_ =	swait.ge [sflag:s13], $0x4000  }
0x1e: {  	[sflag:s13] =	ssyncset.done $0x0  }
0x1f: {  	s15 =	simm.s32 $0x180;
	[sflag:s13] =	ssyncadd.s32 $0xFFFFC000  }
0x20: {  	[tilespmem:s7], [sflag:$0x2] =	stream.indirect.gather [hbm4b:s4+s5], $0x80, s15, s5, $0xb8;
	[tilespmem:$0x8500] =	vst v63  }
0x21: {  	_ =	swait.ge [sflag:s8], $0x4000  }
0x22: {  	[sflag:s8] =	ssyncset.done $0x0  }
0x23: {  	s16 =	sadd.s32 $0x1000, s9;
	[sflag:s8] =	ssyncadd.s32 $0xFFFFC000  }
0x24: {  	[hbm4b:s16+s2] =	stream.linear.scatter [tilespmem:s6], [sflag:$0x3], $0x4000, $0x38;
	[tilespmem:$0x8500] =	vst v63  }
0x25: {  	_ =	swait.ge [sflag:s10], $0x4000  }
0x26: {  	[sflag:s10] =	ssyncset.done $0x0  }
0x27: {  	s17 =	simm.s32 $0x200;
	[sflag:s10] =	ssyncadd.s32 $0xFFFFC000  }
0x28: {  	[tilespmem:s6], [sflag:$0x1] =	stream.indirect.gather [hbm4b:s4+s5], $0x80, s17, s5, $0xb8;
	[tilespmem:$0x8500] =	vst v63  }
0x29: {  	_ =	swait.ge [sflag:s12], $0x4000  }
0x2a: {  	[sflag:s12] =	ssyncset.done $0x0  }
0x2b: {  	s18 =	sadd.s32 $0x1800, s31;
	[sflag:s12] =	ssyncadd.s32 $0xFFFFC000  }
0x2c: {  	[hbm4b:s18+s2] =	stream.linear.scatter [tilespmem:s7], [sflag:$0x4], $0x4000, $0x38;
	[tilespmem:$0x8500] =	vst v63  }
0x2d: {  	_ =	swait.ge [sflag:s13], $0x4000  }
0x2e: {  	[sflag:s13] =	ssyncset.done $0x0  }
0x2f: {  	s19 =	simm.s32 $0x280;
	[sflag:s13] =	ssyncadd.s32 $0xFFFFC000  }
0x30: {  	[tilespmem:s7], [sflag:$0x2] =	stream.indirect.gather [hbm4b:s4+s5], $0x80, s19, s5, $0xb8;
	[tilespmem:$0x8500] =	vst v63  }
0x31: {  	_ =	swait.ge [sflag:s8], $0x4000  }
0x32: {  	[sflag:s8] =	ssyncset.done $0x0  }
0x33: {  	s20 =	sadd.s32 $0x2000, s9;
	[sflag:s8] =	ssyncadd.s32 $0xFFFFC000  }
0x34: {  	[hbm4b:s20+s2] =	stream.linear.scatter [tilespmem:s6], [sflag:$0x3], $0x4000, $0x38;
	[tilespmem:$0x8500] =	vst v63  }
0x35: {  	_ =	swait.ge [sflag:s10], $0x4000  }
0x36: {  	[sflag:s10] =	ssyncset.done $0x0  }
0x37: {  	s21 =	simm.s32 $0x300;
	[sflag:s10] =	ssyncadd.s32 $0xFFFFC000  }
0x38: {  	[tilespmem:s6], [sflag:$0x1] =	stream.indirect.gather [hbm4b:s4+s5], $0x80, s21, s5, $0xb8;
	[tilespmem:$0x8500] =	vst v63  }
0x39: {  	_ =	swait.ge [sflag:s12], $0x4000  }
0x3a: {  	[sflag:s12] =	ssyncset.done $0x0  }
0x3b: {  	s22 =	sadd.s32 $0x2800, s31;
	[sflag:s12] =	ssyncadd.s32 $0xFFFFC000  }
0x3c: {  	[hbm4b:s22+s2] =	stream.linear.scatter [tilespmem:s7], [sflag:$0x4], $0x4000, $0x38;
	[tilespmem:$0x8500] =	vst v63  }
0x3d: {  	_ =	swait.ge [sflag:s13], $0x4000  }
0x3e: {  	[sflag:s13] =	ssyncset.done $0x0  }
0x3f: {  	s23 =	simm.s32 $0x380;
	[sflag:s13] =	ssyncadd.s32 $0xFFFFC000  }
0x40: {  	[tilespmem:s7], [sflag:$0x2] =	stream.indirect.gather [hbm4b:s4+s5], $0x80, s23, s5, $0xb8;
	[tilespmem:$0x8500] =	vst v63  }
0x41: {  	_ =	swait.ge [sflag:s8], $0x4000  }
0x42: {  	[sflag:s8] =	ssyncset.done $0x0  }
0x43: {  	s24 =	sadd.s32 $0x3000, s9;
	[sflag:s8] =	ssyncadd.s32 $0xFFFFC000  }
0x44: {  	[hbm4b:s24+s2] =	stream.linear.scatter [tilespmem:s6], [sflag:$0x3], $0x4000, $0x38;
	[tilespmem:$0x8500] =	vst v63  }
0x45: {  	_ =	swait.ge [sflag:s10], $0x4000  }
0x46: {  	[sflag:s10] =	ssyncset.done $0x0  }
0x47: {  	s25 =	simm.s32 $0x400;
	[sflag:s10] =	ssyncadd.s32 $0xFFFFC000  }
0x48: {  	[tilespmem:s6], [sflag:$0x1] =	stream.indirect.gather [hbm4b:s4+s5], $0x80, s25, s5, $0xb8;
	[tilespmem:$0x8500] =	vst v63  }
0x49: {  	_ =	swait.ge [sflag:s12], $0x4000  }
0x4a: {  	[sflag:s12] =	ssyncset.done $0x0  }
0x4b: {  	s26 =	sadd.s32 $0x3800, s31;
	[sflag:s12] =	ssyncadd.s32 $0xFFFFC000  }
0x4c: {  	[hbm4b:s26+s2] =	stream.linear.scatter [tilespmem:s7], [sflag:$0x4], $0x4000, $0x38;
	[tilespmem:$0x8500] =	vst v63  }
0x4d: {  	_ =	swait.ge [sflag:s13], $0x4000  }
0x4e: {  	[sflag:s13] =	ssyncset.done $0x0  }
0x4f: {  	s28 =	simm.s32 $0x480;
	[sflag:s13] =	ssyncadd.s32 $0xFFFFC000  }
0x50: {  	[tilespmem:s7], [sflag:$0x2] =	stream.indirect.gather [hbm4b:s4+s5], $0x80, s28, s5, $0xb8;
	[tilespmem:$0x8500] =	vst v63  }
0x51: {  	_ =	swait.ge [sflag:s8], $0x4000  }
0x52: {  	s1 =	ssub.s32 $0x2, s30;
	s30 =	sadd.s32 $0x4800, s31;
	[sflag:s8] =	ssyncset.done $0x0  }
0x53: {  	s31 =	sshrl.u32 s1, $0x1;
	s29 =	sadd.s32 $0x4000, s9;
	[sflag:s8] =	ssyncadd.s32 $0xFFFFC000  }
0x54: {  	[hbm4b:s29+s2] =	stream.linear.scatter [tilespmem:s6], [sflag:$0x3], $0x4000, $0x38;
	[tilespmem:$0x8500] =	vst v63  }
0x55: {  	s1 =	ssub.s32 s1, s31;
	_ =	swait.ge [sflag:s12], $0x4000  }
0x56: {  	s1 =	smax.u32 s1, $0x1;
	[sflag:s12] =	ssyncset.done $0x0  }
0x57: {  	p0 =	sne.s32 s1, $0x1;
	[sflag:s12] =	ssyncadd.s32 $0xFFFFC000  }
0x58: {  	[hbm4b:s30+s2] =	stream.linear.scatter [tilespmem:s7], [sflag:$0x4], $0x4000, $0x38;
	[tilespmem:$0x8500] =	vst v63  }
.Ltmp0:
0x59: {  	_ =	swait.ge [sflag:s10], $0x4000;
	(pc) =	sbr.rel @!p0 .LBB2_2-.Ltmp0, $4  }
0x5a: {  	[sflag:s10] =	ssyncset.done $0x0  }
0x5b: {  	[sflag:s10] =	ssyncadd.s32 $0xFFFFC000  }
0x5c: {  	_ =	swait.ge [sflag:s13], $0x4000  }
0x5d: {  	s31 =	sadd.s32 $0xFFFFFFFF, s1;
	[sflag:s13] =	ssyncset.done $0x0  }
.LBB2_1:
0x5e: {  	s1 =	rddreg [dreg:$0x2];
	[sflag:s13] =	ssyncadd.s32 $0xFFFFC000  }
0x5f: {  	[tilespmem:s2], [sflag:$0x5] =	stream.linear.gather [hbm4b:s1+s2], $0x500, $0x38;
	[tilespmem:$0x8500] =	vst v63  }
0x60: {  	_ =	swait.ge [sflag:s3], $0x500  }
0x61: {  	[sflag:s3] =	ssyncset.done $0x0  }
0x62: {  	[sflag:s3] =	ssyncadd.s32 $0xFFFFFB00  }
0x63: {  	[tilespmem:s6], [sflag:$0x1] =	stream.indirect.gather [hbm4b:s4+s5], $0x80, s2, s5, $0xb8;
	[tilespmem:$0x8500] =	vst v63  }
0x64: {  	_ = 	snop  }
0x65: {  	[tilespmem:s7], [sflag:$0x2] =	stream.indirect.gather [hbm4b:s4+s5], $0x80, s5, s5, $0xb8;
	[tilespmem:$0x8500] =	vst v63  }
0x66: {  	_ =	swait.ge [sflag:s8], $0x4000  }
0x67: {  	[sflag:s8] =	ssyncset.done $0x0  }
0x68: {  	[sflag:s8] =	ssyncadd.s32 $0xFFFFC000  }
0x69: {  	[hbm4b:s9+s2] =	stream.linear.scatter [tilespmem:s6], [sflag:$0x3], $0x4000, $0x38;
	[tilespmem:$0x8500] =	vst v63  }
0x6a: {  	_ =	swait.ge [sflag:s10], $0x4000  }
0x6b: {  	[sflag:s10] =	ssyncset.done $0x0  }
0x6c: {  	[sflag:s10] =	ssyncadd.s32 $0xFFFFC000  }
0x6d: {  	[tilespmem:s6], [sflag:$0x1] =	stream.indirect.gather [hbm4b:s4+s5], $0x80, s11, s5, $0xb8;
	[tilespmem:$0x8500] =	vst v63  }
0x6e: {  	_ =	swait.ge [sflag:s12], $0x4000  }
0x6f: {  	[sflag:s12] =	ssyncset.done $0x0  }
0x70: {  	[sflag:s12] =	ssyncadd.s32 $0xFFFFC000  }
0x71: {  	[hbm4b:s14+s2] =	stream.linear.scatter [tilespmem:s7], [sflag:$0x4], $0x4000, $0x38;
	[tilespmem:$0x8500] =	vst v63  }
0x72: {  	_ =	swait.ge [sflag:s13], $0x4000  }
0x73: {  	[sflag:s13] =	ssyncset.done $0x0  }
0x74: {  	[sflag:s13] =	ssyncadd.s32 $0xFFFFC000  }
0x75: {  	[tilespmem:s7], [sflag:$0x2] =	stream.indirect.gather [hbm4b:s4+s5], $0x80, s15, s5, $0xb8;
	[tilespmem:$0x8500] =	vst v63  }
0x76: {  	_ =	swait.ge [sflag:s8], $0x4000  }
0x77: {  	[sflag:s8] =	ssyncset.done $0x0  }
0x78: {  	[sflag:s8] =	ssyncadd.s32 $0xFFFFC000  }
0x79: {  	[hbm4b:s16+s2] =	stream.linear.scatter [tilespmem:s6], [sflag:$0x3], $0x4000, $0x38;
	[tilespmem:$0x8500] =	vst v63  }
0x7a: {  	_ =	swait.ge [sflag:s10], $0x4000  }
0x7b: {  	[sflag:s10] =	ssyncset.done $0x0  }
0x7c: {  	[sflag:s10] =	ssyncadd.s32 $0xFFFFC000  }
0x7d: {  	[tilespmem:s6], [sflag:$0x1] =	stream.indirect.gather [hbm4b:s4+s5], $0x80, s17, s5, $0xb8;
	[tilespmem:$0x8500] =	vst v63  }
0x7e: {  	_ =	swait.ge [sflag:s12], $0x4000  }
0x7f: {  	[sflag:s12] =	ssyncset.done $0x0  }
0x80: {  	[sflag:s12] =	ssyncadd.s32 $0xFFFFC000  }
0x81: {  	[hbm4b:s18+s2] =	stream.linear.scatter [tilespmem:s7], [sflag:$0x4], $0x4000, $0x38;
	[tilespmem:$0x8500] =	vst v63  }
0x82: {  	_ =	swait.ge [sflag:s13], $0x4000  }
0x83: {  	[sflag:s13] =	ssyncset.done $0x0  }
0x84: {  	[sflag:s13] =	ssyncadd.s32 $0xFFFFC000  }
0x85: {  	[tilespmem:s7], [sflag:$0x2] =	stream.indirect.gather [hbm4b:s4+s5], $0x80, s19, s5, $0xb8;
	[tilespmem:$0x8500] =	vst v63  }
0x86: {  	_ =	swait.ge [sflag:s8], $0x4000  }
0x87: {  	[sflag:s8] =	ssyncset.done $0x0  }
0x88: {  	[sflag:s8] =	ssyncadd.s32 $0xFFFFC000  }
0x89: {  	[hbm4b:s20+s2] =	stream.linear.scatter [tilespmem:s6], [sflag:$0x3], $0x4000, $0x38;
	[tilespmem:$0x8500] =	vst v63  }
0x8a: {  	_ =	swait.ge [sflag:s10], $0x4000  }
0x8b: {  	[sflag:s10] =	ssyncset.done $0x0  }
0x8c: {  	[sflag:s10] =	ssyncadd.s32 $0xFFFFC000  }
0x8d: {  	[tilespmem:s6], [sflag:$0x1] =	stream.indirect.gather [hbm4b:s4+s5], $0x80, s21, s5, $0xb8;
	[tilespmem:$0x8500] =	vst v63  }
0x8e: {  	_ =	swait.ge [sflag:s12], $0x4000  }
0x8f: {  	[sflag:s12] =	ssyncset.done $0x0  }
0x90: {  	[sflag:s12] =	ssyncadd.s32 $0xFFFFC000  }
0x91: {  	[hbm4b:s22+s2] =	stream.linear.scatter [tilespmem:s7], [sflag:$0x4], $0x4000, $0x38;
	[tilespmem:$0x8500] =	vst v63  }
0x92: {  	_ =	swait.ge [sflag:s13], $0x4000  }
0x93: {  	[sflag:s13] =	ssyncset.done $0x0  }
0x94: {  	[sflag:s13] =	ssyncadd.s32 $0xFFFFC000  }
0x95: {  	[tilespmem:s7], [sflag:$0x2] =	stream.indirect.gather [hbm4b:s4+s5], $0x80, s23, s5, $0xb8;
	[tilespmem:$0x8500] =	vst v63  }
0x96: {  	_ =	swait.ge [sflag:s8], $0x4000  }
0x97: {  	[sflag:s8] =	ssyncset.done $0x0  }
0x98: {  	[sflag:s8] =	ssyncadd.s32 $0xFFFFC000  }
0x99: {  	[hbm4b:s24+s2] =	stream.linear.scatter [tilespmem:s6], [sflag:$0x3], $0x4000, $0x38;
	[tilespmem:$0x8500] =	vst v63  }
0x9a: {  	_ =	swait.ge [sflag:s10], $0x4000  }
0x9b: {  	[sflag:s10] =	ssyncset.done $0x0  }
0x9c: {  	[sflag:s10] =	ssyncadd.s32 $0xFFFFC000  }
0x9d: {  	[tilespmem:s6], [sflag:$0x1] =	stream.indirect.gather [hbm4b:s4+s5], $0x80, s25, s5, $0xb8;
	[tilespmem:$0x8500] =	vst v63  }
0x9e: {  	_ =	swait.ge [sflag:s12], $0x4000  }
0x9f: {  	[sflag:s12] =	ssyncset.done $0x0  }
0xa0: {  	[sflag:s12] =	ssyncadd.s32 $0xFFFFC000  }
0xa1: {  	[hbm4b:s26+s2] =	stream.linear.scatter [tilespmem:s7], [sflag:$0x4], $0x4000, $0x38;
	[tilespmem:$0x8500] =	vst v63  }
0xa2: {  	_ =	swait.ge [sflag:s13], $0x4000  }
0xa3: {  	[sflag:s13] =	ssyncset.done $0x0  }
0xa4: {  	[sflag:s13] =	ssyncadd.s32 $0xFFFFC000  }
0xa5: {  	[tilespmem:s7], [sflag:$0x2] =	stream.indirect.gather [hbm4b:s4+s5], $0x80, s28, s5, $0xb8;
	[tilespmem:$0x8500] =	vst v63  }
0xa6: {  	_ =	swait.ge [sflag:s8], $0x4000  }
0xa7: {  	[sflag:s8] =	ssyncset.done $0x0  }
0xa8: {  	[sflag:s8] =	ssyncadd.s32 $0xFFFFC000  }
0xa9: {  	[hbm4b:s29+s2] =	stream.linear.scatter [tilespmem:s6], [sflag:$0x3], $0x4000, $0x38;
	[tilespmem:$0x8500] =	vst v63  }
0xaa: {  	_ =	swait.ge [sflag:s12], $0x4000  }
0xab: {  	[sflag:s12] =	ssyncset.done $0x0  }
0xac: {  	p0 =	sne.s32 s31, $0x1;
	[sflag:s12] =	ssyncadd.s32 $0xFFFFC000  }
0xad: {  	[hbm4b:s30+s2] =	stream.linear.scatter [tilespmem:s7], [sflag:$0x4], $0x4000, $0x38;
	[tilespmem:$0x8500] =	vst v63  }
.Ltmp1:
0xae: {  	_ =	swait.ge [sflag:s10], $0x4000;
	(pc) =	sbr.rel @p0 .LBB2_1-.Ltmp1, $4  }
0xaf: {  	[sflag:s10] =	ssyncset.done $0x0  }
0xb0: {  	[sflag:s10] =	ssyncadd.s32 $0xFFFFC000  }
0xb1: {  	_ =	swait.ge [sflag:s13], $0x4000  }
0xb2: {  	s31 =	sadd.s32 $0xFFFFFFFF, s31;
	[sflag:s13] =	ssyncset.done $0x0  }
.LBB2_2:
0xb3: {  	[sflag:s13] =	ssyncadd.s32 $0xFFFFC000  }
0xb4: {  	_ =	sfence.sel $0x180000  }
0xb5: {  	[bflag:$0x0] =	sbarrier.arrive $0xFFFF  }
0xb6: {  	_ =	strace $0x9000004A  }
0xb7: {  	[bflag:$0x2] =	sbarrier.arrive $0xFFFF  }
0xb8: {  	p0 =	sne.s32 s0, $0x0;
	s0 =	rddreg [dreg:$0x1]  }
0xb9: {  	s0 =	sadd.s32 @!p0 $0x100000, s0  }
0xba: {  	[sflag:s0] =	ssyncadd.tile.s32 @!p0 $0x1;
	_ =	shalt  }
.Lfunc_end2:
_tile_overlayer_lowered:
.L_overlay_start_2:
0xbb: {  	(tag) =	ssettag $0x2  }
0xbc: {  	s0 =	rddreg [dreg:$0x0];
	s2 =	stileid.u32  }
0xbd: {  	s1 =	rddreg [dreg:$0x1];
	p0 =	sne.s32 s2, $0x0  }
0xbe: {  	s3 =	rddreg [dreg:$0x2];
	[bflag:$0x3] =	sbarrier.arrive $0xFFFF;
	s2 =	simm.s32 @!p0 $0x1C05  }
0xbf: {  	[timem:s3], [sflag:s2] =	dma.local @!p0 [hbm:s0], s1  }
0xc0: {  	s0 =	simm.s32 @!p0 $0x5  }
0xc1: {  	_ =	swait.ge @!p0 [sflag:s0], s1  }
0xc2: {  	s1 =	ssub.s32 @!p0 $0x0, s1;
	[sflag:s0] =	ssyncset.done @!p0 $0x0  }
0xc3: {  	[sflag:s0] =	ssyncadd.s32 @!p0 s1  }
0xc4: {  	[bflag:$0x3] =	sbarrier.arrive $0xFFFF  }
0xc5: {  	_ =	shalt  }

// kernel: kernel.19.cloned.1.call-start
scs
__scs_entry_jumppad:
0x0: {  	(pc) =	sbr.rel $0x88, $3  }
0x1: {  	(tag) =	ssettag $0x0;
	lr =	simm.s32 $0x1  }
0x2: {  	[smem:$0x3F9D] =	sst lr;
	_ =	strace $0xD0000000  }
0x3: {  	_ = 	snop  }
0x4: {  	_ = 	snop  }
0x5: {  	_ = 	snop  }
0x6: {  	_ = 	snop  }
0x7: {  	_ = 	snop  }
__scs_overlays_trampoline_lowered:
0x8: {  	[smem:$0x3FAC] =	sst s0  }
0x9: {  	[smem:$0x3FAD] =	sst s1  }
0xa: {  	[smem:$0x3FAE] =	sst s2  }
0xb: {  	[smem:$0x3FAF] =	sst s3  }
0xc: {  	[smem:$0x3FB0] =	sst s4  }
0xd: {  	[smem:$0x3FB1] =	sst s5  }
0xe: {  	[smem:$0x3FB2] =	sst s6  }
0xf: {  	[smem:$0x3FB3] =	sst s7  }
0x10: {  	[smem:$0x3FB4] =	sst s8  }
0x11: {  	[smem:$0x3FB5] =	sst s9;
	s0 =	simm.s32 @!p0 $0x0  }
0x12: {  	s1 =	sld [smem:$0x3F9B];
	s0 =	simm.s32 @p0 $0x1  }
0x13: {  	[smem:$0x3FB6] =	sst s0;
	s0 =	simm.s32 @!p1 $0x0  }
0x14: {  	s2 =	sld [smem:$0x3F9A];
	s0 =	simm.s32 @p1 $0x1  }
0x15: {  	[smem:$0x3FB7] =	sst s0;
	s0 =	simm.s32 @!p2 $0x0  }
0x16: {  	s3 =	sld [smem:$0x3FDB];
	s0 =	simm.s32 @p2 $0x1  }
0x17: {  	s4 =	simm.s32 $0x1BF5;
	[smem:$0x3FB9] =	sst s0  }
0x18: {  	s0 =	sld [smem:$0x3F9C];
	_ =	swait.ge [sflag:s4], $0x0  }
0x19: {  	s7 =	sld [smem:$0x3F9D]  }
0x1a: {  	s8 =	sadd.s32 $0xFFFFE003, lr  }
0x1b: {  	s9 =	sadd.s32 $0xFFFFFEF7, lr;
	s5 =	simm.s32 $0xFFFFFFFF;
	p2 =	slt.u32 s8, $0xFFFFF086  }
0x1c: {  	p1 =	slt.u32 s9, $0xF7A;
	s5 =	simm.s32 @!p2 $0x0  }
0x1d: {  	s5 =	simm.s32 @p1 $0x1;
	p0 =	seq.s32 s7, s2  }
0x1e: {  	s7 =	smul.u32 @!p0 $0xF7A, s2;
	p2 =	seq.s32 @!p0 s5, $0x0  }
0x1f: {  	s9 =	smul.u32 $0xF7A, s1;
	s8 =	simm.s32 @!p0 $0x1BF5;
	p2 =	por !p2, p0  }
0x20: {  	[sflag:s8] =	ssyncset.s32 @!p0 $0xFFFFF086;
	s6 =	sadd.s32 @!p0 s3, s7;
	s7 =	simm.s32 @!p0 $0x108  }
0x21: {  	s3 =	sadd.s32 s3, s9;
	s6 =	sadd.s32 @!p0 $0x88, s6;
	s7 =	simm.s32 @p2 $0x1082  }
0x22: {  	[simem:s7], [sflag:s8] =	dma.local @!p0 [hbm:s6], $0xF7A  }
0x23: {  	s9 =	sor.u32 $0xD0000000, s2;
	s6 =	simm.s32 $0x108;
	_ =	swait.ge @!p0 [sflag:s8], $0x0  }
0x24: {  	s3 =	sadd.s32 $0x88, s3;
	s6 =	simm.s32 @!p1 $0x1082;
	[sflag:s4] =	ssyncset.s32 $0xFFFFF086  }
0x25: {  	[simem:s6], [sflag:s4] =	dma.local [hbm:s3], $0xF7A  }
0x26: {  	[smem:$0x3F9D] =	sst s1;
	(tag) =	ssettag s2;
	_ =	strace s9  }
0x27: {  	s1 =	sld [smem:$0x3FAD]  }
0x28: {  	s2 =	sld [smem:$0x3FAE]  }
0x29: {  	s4 =	sld [smem:$0x3FB0]  }
0x2a: {  	p0 =	seq.s32 s5, $0x0;
	s5 =	sld [smem:$0x3FB1]  }
0x2b: {  	s6 =	sld [smem:$0x3FB2]  }
0x2c: {  	s7 =	sld [smem:$0x3FB3]  }
0x2d: {  	s3 =	simm.s32 $0x108;
	s8 =	sld [smem:$0x3FB4]  }
0x2e: {  	s3 =	simm.s32 @!p0 $0x1082;
	s9 =	sld [smem:$0x3FB5]  }
0x2f: {  	lr =	sadd.s32 s0, s3;
	s0 =	sld [smem:$0x3FAC]  }
0x30: {  	s3 =	sld [smem:$0x3FAF]  }
0x31: {  	[smem:$0x3FB8] =	sst s10  }
0x32: {  	s10 =	sld [smem:$0x3FB6];
	_ =	sdelay $0x3  }
0x33: {  	p0 =	seq.s32 s10, $0x1;
	s10 =	sld [smem:$0x3FB8];
	_ =	sdelay $0x3  }
0x34: {  	[smem:$0x3FB8] =	sst s10  }
0x35: {  	s10 =	sld [smem:$0x3FB7];
	_ =	sdelay $0x3  }
0x36: {  	p1 =	seq.s32 s10, $0x1;
	s10 =	sld [smem:$0x3FB8];
	_ =	sdelay $0x3  }
0x37: {  	[smem:$0x3FB8] =	sst s10  }
0x38: {  	s10 =	sld [smem:$0x3FB9]  }
0x39: {  	_ = 	snop;
	(pc) =	sbr.ind lr, $3  }
0x3a: {  	_ = 	snop  }
0x3b: {  	_ = 	snop  }
0x3c: {  	p2 =	seq.s32 s10, $0x1;
	s10 =	sld [smem:$0x3FB8]  }
0x3d: {  	_ =	shalt  }
0x3e: {  	_ =	shalt  }
0x3f: {  	_ =	shalt  }
0x40: {  	_ =	shalt  }
0x41: {  	_ =	shalt  }
0x42: {  	_ =	shalt  }
0x43: {  	_ =	shalt  }
0x44: {  	_ =	shalt  }
0x45: {  	_ =	shalt  }
0x46: {  	_ =	shalt  }
0x47: {  	_ =	shalt  }
0x48: {  	_ =	shalt  }
0x49: {  	_ =	shalt  }
0x4a: {  	_ =	shalt  }
0x4b: {  	_ =	shalt  }
0x4c: {  	_ =	shalt  }
0x4d: {  	_ =	shalt  }
0x4e: {  	_ =	shalt  }
0x4f: {  	_ =	shalt  }
0x50: {  	_ =	shalt  }
0x51: {  	_ =	shalt  }
0x52: {  	_ =	shalt  }
0x53: {  	_ =	shalt  }
0x54: {  	_ =	shalt  }
0x55: {  	_ =	shalt  }
0x56: {  	_ =	shalt  }
0x57: {  	_ =	shalt  }
0x58: {  	_ =	shalt  }
0x59: {  	_ =	shalt  }
0x5a: {  	_ =	shalt  }
0x5b: {  	_ =	shalt  }
0x5c: {  	_ =	shalt  }
0x5d: {  	_ =	shalt  }
0x5e: {  	_ =	shalt  }
0x5f: {  	_ =	shalt  }
0x60: {  	_ =	shalt  }
0x61: {  	_ =	shalt  }
0x62: {  	_ =	shalt  }
0x63: {  	_ =	shalt  }
0x64: {  	_ =	shalt  }
0x65: {  	_ =	shalt  }
0x66: {  	_ =	shalt  }
0x67: {  	_ =	shalt  }
0x68: {  	_ =	shalt  }
0x69: {  	_ =	shalt  }
0x6a: {  	_ =	shalt  }
0x6b: {  	_ =	shalt  }
0x6c: {  	_ =	shalt  }
0x6d: {  	_ =	shalt  }
0x6e: {  	_ =	shalt  }
0x6f: {  	_ =	shalt  }
0x70: {  	_ =	shalt  }
0x71: {  	_ =	shalt  }
0x72: {  	_ =	shalt  }
0x73: {  	_ =	shalt  }
0x74: {  	_ =	shalt  }
0x75: {  	_ =	shalt  }
0x76: {  	_ =	shalt  }
0x77: {  	_ =	shalt  }
0x78: {  	_ =	shalt  }
0x79: {  	_ =	shalt  }
0x7a: {  	_ =	shalt  }
0x7b: {  	_ =	shalt  }
0x7c: {  	_ =	shalt  }
0x7d: {  	_ =	shalt  }
0x7e: {  	_ =	shalt  }
0x7f: {  	_ =	shalt  }
0x80: {  	_ =	shalt  }
0x81: {  	_ =	shalt  }
0x82: {  	_ =	shalt  }
0x83: {  	_ =	shalt  }
0x84: {  	_ =	shalt  }
0x85: {  	_ =	shalt  }
0x86: {  	_ =	shalt  }
0x87: {  	_ =	shalt  }
.Lfunc_end0:
.L_simem_size_0:
called_computation.2_lowered:
.L_overlay_start_0:
0x88: {  	s2 =	sld [smem:$0x3FD9]  }
0x89: {  	s3 =	sld [smem:$0x3FFE];
	_ =	sdelay $0x1  }
0x8a: {  	s1 =	srdreg.scid  }
0x8b: {  	s0 =	sand.u32 $0x1, s1  }
0x8c: {  	s17 =	sshll.u32 s0, $0xA;
	s2 =	sadd.s32 s3, s2  }
0x8d: {  	s2 =	sadd.s32 s2, s17  }
0x8e: {  	[smem:$0x3FC4] =	sst s2  }
0x8f: {  	_ = 	snop  }
0x90: {  	(tm) =	ssettm $0x1  }
0x91: {  	s18 =	sld [smem:$0x3FFB];
	_ =	sdelay $0x3  }
0x92: {  	_ =	strace s18  }
0x93: {  	s2 =	sld [smem:$0x3FFC];
	_ =	sdelay $0x3  }
0x94: {  	_ =	strace s2  }
0x95: {  	s2 =	sld [smem:$0x3FFD];
	_ =	sdelay $0x3  }
0x96: {  	_ =	strace s2  }
0x97: {  	_ =	strace $0x8FFFFFFF  }
0x98: {  	s19 =	sld [smem:$0x3FDB];
	_ =	sdelay $0x1  }
0x99: {  	s20 =	simm.s32 $_scs_section_size  }
0x9a: {  	s4 =	simm.s32 $_size__tile_overlayer_lowered;
	s5 =	simm.s32 $_tile_overlayer_lowered  }
0x9b: {  	s6 =	simm.s32 $0x1BFF;
	s21 =	sshll.u32 s5, $0x1;
	s3 =	sadd.s32 s20, s19  }
0x9c: {  	s22 =	simm.s32 $0x0;
	s4 =	sshll.u32 s4, $0x1;
	s5 =	sadd.s32 s21, s3  }
0x9d: {  	[timem:s22], [sflag:s6] =	dma.local [hbm:s5], s4  }
0x9e: {  	_ =	swait.ge [sflag:s6], s4  }
0x9f: {  	s4 =	ssub.s32 $0x0, s4;
	[sflag:s6] =	ssyncset.done $0x0  }
0xa0: {  	[sflag:s6] =	ssyncadd.s32 s4;
	_ =	sdelay $0x1  }
0xa1: {  	s23 =	simm.s32 $0x1B8B  }
0xa2: {  	_ =	swait.ge [sflag:s23], $0x1  }
0xa3: {  	[sflag:s23] =	ssyncset.done $0x0  }
0xa4: {  	[sflag:s23] =	ssyncadd.s32 $0xFFFFFFFF  }
0xa5: {  	s4 =	sld [smem:$0x0]  }
0xa6: {  	s5 =	sand.u32 $0xFFFFFFFE, s1  }
0xa7: {  	p0 =	sne.s32 s1, s5  }
0xa8: {  	s5 =	sshll.u32 @p0 s5, $0xE  }
0xa9: {  	s5 =	sadd.s32 @p0 $0x11B8D, s5;
	s6 =	sshll.u32 @p0 s4, $0x11  }
0xaa: {  	s5 =	sor.u32 @p0 s6, s5  }
0xab: {  	[sflag:s5] =	ssyncadd.remote.s32 @p0 $0x1;
	_ =	sdelay $0x1  }
0xac: {  	s5 =	simm.s32 @p0 $0x1B8D  }
0xad: {  	_ =	swait.eq @p0 [sflag:s5], $0x1  }
0xae: {  	[sflag:s5] =	ssyncadd.s32 @p0 $0xFFFFFFFF  }
0xaf: {  	s6 =	sshll.u32 @!p0 s1, $0xE  }
0xb0: {  	s6 =	sor.u32 @!p0 $0x4000, s6;
	s5 =	simm.s32 @!p0 $0x1B8D  }
0xb1: {  	s4 =	sshll.u32 @!p0 s4, $0x11;
	s6 =	sadd.s32 @!p0 $0x11B8D, s6;
	_ =	swait.eq @!p0 [sflag:s5], $0x1  }
0xb2: {  	s4 =	sor.u32 @!p0 s4, s6;
	[sflag:s5] =	ssyncadd.s32 @!p0 $0xFFFFFFFF  }
0xb3: {  	s25 =	simm.s32 $0x1B8E;
	s24 =	sld [smem:$0x3FFE];
	[sflag:s4] =	ssyncadd.remote.s32 @!p0 $0x1  }
0xb4: {  	s26 =	simm.s32 $execute0_lowered;
	[smem:$0x3FD2] =	sst s25  }
0xb5: {  	s5 =	sshll.u32 s26, $0x1;
	_ =	strace $0x8000004C;
	[dreg:$0x1] =	wrdreg $0xFFFFFFFF  }
0xb6: {  	s28 =	simm.s32 $_size_execute0_lowered;
	s3 =	sadd.s32 s3, s5;
	[dreg:$0x0] =	wrdreg $0x0  }
0xb7: {  	s5 =	sshll.u32 s28, $0x1;
	[dreg:$0x2] =	wrdreg s3  }
0xb8: {  	[dreg:$0x3] =	wrdreg s5  }
0xb9: {  	[dreg:$0x4] =	wrdreg $0xC0  }
0xba: {  	_ =	task [dreg:s22], $0x5FFFF  }
0xbb: {  	[dreg:$0x1] =	wrdreg $0xFFFFFFFF  }
0xbc: {  	[dreg:$0x0] =	wrdreg $0x60  }
0xbd: {  	[dreg:$0x2] =	wrdreg s24  }
0xbe: {  	[dreg:$0x3] =	wrdreg $0xB  }
0xbf: {  	_ =	task.clear_ibuf [dreg:s22], $0x4FFFF;
	_ =	strace $0x9000004C  }
0xc0: {  	s29 =	simm.s32 $0xB;
	_ =	strace $0x8000004E  }
0xc1: {  	_ =	swait.ge [sflag:s29], $0x1  }
0xc2: {  	[sflag:s29] =	ssyncadd.s32 $0xFFFFFFFF  }
0xc3: {  	_ =	strace $0x9000004E  }
0xc4: {  	_ =	sfence  }
0xc5: {  	s30 =	sld [smem:$0x0];
	_ =	sdelay $0x2  }
0xc6: {  	s31 =	sshll.u32 s1, $0xD;
	s1 =	sshrl.u32 s1, $0x2  }
0xc7: {  	s4 =	sand.u32 $0x4000, s31;
	s1 =	sadd.s32 s1, s30  }
0xc8: {  	s0 =	sor.u32 s4, s0;
	s1 =	sshll.u32 s1, $0x11  }
0xc9: {  	s0 =	sor.u32 s1, s0  }
0xca: {  	s0 =	sadd.s32 $0x8F2B, s0  }
0xcb: {  	[sflag:s0] =	ssyncadd.remote.s32 $0x1  }
0xcc: {  	_ =	sfence.sel $0xFFFF  }
0xcd: {  	[dreg:$0x0] =	wrdreg $0xFFFFFFFF;
	(pc) =	sbr.abs _section_cstart, $3  }
0xce: {  	[dreg:$0x1] =	wrdreg $0xFFFFFFFF  }
0xcf: {  	_ =	task.clear_ibuf [dreg:s22], $0x2FFFF;
	_ =	strace $0x9FFFFFFF  }
0xd0: {  	(tm) =	ssettm $0x7FFFFFFF  }
0xd1: {  	_ =	shalt  }
tec
execute0_lowered:
.L_overlay_start_1:
0x0: {  	(tag) =	ssettag $0x1  }
0x1: {  	s1 =	srdreg.scid;
	s0 =	stileid.u32  }
0x2: {  	s30 =	sand.u32 $0x1, s1;
	s25 =	sshll.u32 s0, $0x1  }
0x3: {  	s11 =	sor.u32 s30, s25  }
0x4: {  	s3 =	smul.u32 $0x500, s11;
	_ =	sdelay $0x1  }
0x5: {  	s9 =	rddreg [dreg:$0x0];
	s3 =	sshrl.u32 s3, $0x3  }
0x6: {  	s2 =	simm.s32 $0x0;
	s3 =	sadd.s32 s9, s3  }
0x7: {  	[smem:$0x7FF] =	sst s2;
	s3 =	sadd.s32 $0x18B600, s3  }
0x8: {  	_ =	strace $0x8000004D;
	[dreg:$0x2] =	wrdreg s3  }
0x9: {  	s3 =	simm.s32 $0x5;
	s4 =	rddreg [dreg:$0x2]  }
0xa: {  	[tilespmem:s2], [sflag:$0x5] =	stream.linear.gather [hbm4b:s4+s2], $0x500, $0x38;
	[tilespmem:$0x8500] =	vst v63  }
0xb: {  	_ =	swait.ge [sflag:s3], $0x500  }
0xc: {  	s5 =	simm.s32 $0x80;
	[sflag:s3] =	ssyncset.done $0x0  }
0xd: {  	s6 =	simm.s32 $0x500;
	s4 =	sadd.s32 $0x2400, s9;
	[sflag:s3] =	ssyncadd.s32 $0xFFFFFB00  }
0xe: {  	[tilespmem:s6], [sflag:$0x1] =	stream.indirect.gather [hbm4b:s4+s5], $0x80, s2, s5, $0xb8;
	[tilespmem:$0x8500] =	vst v63  }
0xf: {  	s7 =	simm.s32 $0x4500;
	s8 =	simm.s32 $0x1;
	s10 =	smul.u32 $0x28000, s11  }
0x10: {  	[tilespmem:s7], [sflag:$0x2] =	stream.indirect.gather [hbm4b:s4+s5], $0x80, s5, s5, $0xb8;
	[tilespmem:$0x8500] =	vst v63  }
0x11: {  	_ =	swait.ge [sflag:s8], $0x4000  }
0x12: {  	s13 =	sadd.s32 $0x22F200, s9;
	s26 =	sshrl.u32 s10, $0x3;
	[sflag:s8] =	ssyncset.done $0x0  }
0x13: {  	s10 =	simm.s32 $0x3;
	s9 =	sadd.s32 s13, s26;
	[sflag:s8] =	ssyncadd.s32 $0xFFFFC000  }
0x14: {  	[hbm4b:s9+s2] =	stream.linear.scatter [tilespmem:s6], [sflag:$0x3], $0x4000, $0x38;
	[tilespmem:$0x8500] =	vst v63  }
0x15: {  	_ =	swait.ge [sflag:s10], $0x4000  }
0x16: {  	s12 =	simm.s32 $0x2;
	[sflag:s10] =	ssyncset.done $0x0  }
0x17: {  	s14 =	smul.u32 $0x5000, s11;
	s11 =	simm.s32 $0x100;
	[sflag:s10] =	ssyncadd.s32 $0xFFFFC000  }
0x18: {  	[tilespmem:s6], [sflag:$0x1] =	stream.indirect.gather [hbm4b:s4+s5], $0x80, s11, s5, $0xb8;
	[tilespmem:$0x8500] =	vst v63  }
0x19: {  	_ =	swait.ge [sflag:s12], $0x4000  }
0x1a: {  	s31 =	sadd.s32 s13, s14;
	[sflag:s12] =	ssyncset.done $0x0  }
0x1b: {  	s14 =	sadd.s32 $0x800, s31;
	s13 =	simm.s32 $0x4;
	[sflag:s12] =	ssyncadd.s32 $0xFFFFC000  }
0x1c: {  	[hbm4b:s14+s2] =	stream.linear.scatter [tilespmem:s7], [sflag:$0x4], $0x4000, $0x38;
	[tilespmem:$0x8500] =	vst v63  }
0x1d: {  	_ =	swait.ge [sflag:s13], $0x4000  }
0x1e: {  	[sflag:s13] =	ssyncset.done $0x0  }
0x1f: {  	s15 =	simm.s32 $0x180;
	[sflag:s13] =	ssyncadd.s32 $0xFFFFC000  }
0x20: {  	[tilespmem:s7], [sflag:$0x2] =	stream.indirect.gather [hbm4b:s4+s5], $0x80, s15, s5, $0xb8;
	[tilespmem:$0x8500] =	vst v63  }
0x21: {  	_ =	swait.ge [sflag:s8], $0x4000  }
0x22: {  	[sflag:s8] =	ssyncset.done $0x0  }
0x23: {  	s16 =	sadd.s32 $0x1000, s9;
	[sflag:s8] =	ssyncadd.s32 $0xFFFFC000  }
0x24: {  	[hbm4b:s16+s2] =	stream.linear.scatter [tilespmem:s6], [sflag:$0x3], $0x4000, $0x38;
	[tilespmem:$0x8500] =	vst v63  }
0x25: {  	_ =	swait.ge [sflag:s10], $0x4000  }
0x26: {  	[sflag:s10] =	ssyncset.done $0x0  }
0x27: {  	s17 =	simm.s32 $0x200;
	[sflag:s10] =	ssyncadd.s32 $0xFFFFC000  }
0x28: {  	[tilespmem:s6], [sflag:$0x1] =	stream.indirect.gather [hbm4b:s4+s5], $0x80, s17, s5, $0xb8;
	[tilespmem:$0x8500] =	vst v63  }
0x29: {  	_ =	swait.ge [sflag:s12], $0x4000  }
0x2a: {  	[sflag:s12] =	ssyncset.done $0x0  }
0x2b: {  	s18 =	sadd.s32 $0x1800, s31;
	[sflag:s12] =	ssyncadd.s32 $0xFFFFC000  }
0x2c: {  	[hbm4b:s18+s2] =	stream.linear.scatter [tilespmem:s7], [sflag:$0x4], $0x4000, $0x38;
	[tilespmem:$0x8500] =	vst v63  }
0x2d: {  	_ =	swait.ge [sflag:s13], $0x4000  }
0x2e: {  	[sflag:s13] =	ssyncset.done $0x0  }
0x2f: {  	s19 =	simm.s32 $0x280;
	[sflag:s13] =	ssyncadd.s32 $0xFFFFC000  }
0x30: {  	[tilespmem:s7], [sflag:$0x2] =	stream.indirect.gather [hbm4b:s4+s5], $0x80, s19, s5, $0xb8;
	[tilespmem:$0x8500] =	vst v63  }
0x31: {  	_ =	swait.ge [sflag:s8], $0x4000  }
0x32: {  	[sflag:s8] =	ssyncset.done $0x0  }
0x33: {  	s20 =	sadd.s32 $0x2000, s9;
	[sflag:s8] =	ssyncadd.s32 $0xFFFFC000  }
0x34: {  	[hbm4b:s20+s2] =	stream.linear.scatter [tilespmem:s6], [sflag:$0x3], $0x4000, $0x38;
	[tilespmem:$0x8500] =	vst v63  }
0x35: {  	_ =	swait.ge [sflag:s10], $0x4000  }
0x36: {  	[sflag:s10] =	ssyncset.done $0x0  }
0x37: {  	s21 =	simm.s32 $0x300;
	[sflag:s10] =	ssyncadd.s32 $0xFFFFC000  }
0x38: {  	[tilespmem:s6], [sflag:$0x1] =	stream.indirect.gather [hbm4b:s4+s5], $0x80, s21, s5, $0xb8;
	[tilespmem:$0x8500] =	vst v63  }
0x39: {  	_ =	swait.ge [sflag:s12], $0x4000  }
0x3a: {  	[sflag:s12] =	ssyncset.done $0x0  }
0x3b: {  	s22 =	sadd.s32 $0x2800, s31;
	[sflag:s12] =	ssyncadd.s32 $0xFFFFC000  }
0x3c: {  	[hbm4b:s22+s2] =	stream.linear.scatter [tilespmem:s7], [sflag:$0x4], $0x4000, $0x38;
	[tilespmem:$0x8500] =	vst v63  }
0x3d: {  	_ =	swait.ge [sflag:s13], $0x4000  }
0x3e: {  	[sflag:s13] =	ssyncset.done $0x0  }
0x3f: {  	s23 =	simm.s32 $0x380;
	[sflag:s13] =	ssyncadd.s32 $0xFFFFC000  }
0x40: {  	[tilespmem:s7], [sflag:$0x2] =	stream.indirect.gather [hbm4b:s4+s5], $0x80, s23, s5, $0xb8;
	[tilespmem:$0x8500] =	vst v63  }
0x41: {  	_ =	swait.ge [sflag:s8], $0x4000  }
0x42: {  	[sflag:s8] =	ssyncset.done $0x0  }
0x43: {  	s24 =	sadd.s32 $0x3000, s9;
	[sflag:s8] =	ssyncadd.s32 $0xFFFFC000  }
0x44: {  	[hbm4b:s24+s2] =	stream.linear.scatter [tilespmem:s6], [sflag:$0x3], $0x4000, $0x38;
	[tilespmem:$0x8500] =	vst v63  }
0x45: {  	_ =	swait.ge [sflag:s10], $0x4000  }
0x46: {  	[sflag:s10] =	ssyncset.done $0x0  }
0x47: {  	s25 =	simm.s32 $0x400;
	[sflag:s10] =	ssyncadd.s32 $0xFFFFC000  }
0x48: {  	[tilespmem:s6], [sflag:$0x1] =	stream.indirect.gather [hbm4b:s4+s5], $0x80, s25, s5, $0xb8;
	[tilespmem:$0x8500] =	vst v63  }
0x49: {  	_ =	swait.ge [sflag:s12], $0x4000  }
0x4a: {  	[sflag:s12] =	ssyncset.done $0x0  }
0x4b: {  	s26 =	sadd.s32 $0x3800, s31;
	[sflag:s12] =	ssyncadd.s32 $0xFFFFC000  }
0x4c: {  	[hbm4b:s26+s2] =	stream.linear.scatter [tilespmem:s7], [sflag:$0x4], $0x4000, $0x38;
	[tilespmem:$0x8500] =	vst v63  }
0x4d: {  	_ =	swait.ge [sflag:s13], $0x4000  }
0x4e: {  	[sflag:s13] =	ssyncset.done $0x0  }
0x4f: {  	s28 =	simm.s32 $0x480;
	[sflag:s13] =	ssyncadd.s32 $0xFFFFC000  }
0x50: {  	[tilespmem:s7], [sflag:$0x2] =	stream.indirect.gather [hbm4b:s4+s5], $0x80, s28, s5, $0xb8;
	[tilespmem:$0x8500] =	vst v63  }
0x51: {  	_ =	swait.ge [sflag:s8], $0x4000  }
0x52: {  	s1 =	ssub.s32 $0x2, s30;
	s30 =	sadd.s32 $0x4800, s31;
	[sflag:s8] =	ssyncset.done $0x0  }
0x53: {  	s31 =	sshrl.u32 s1, $0x1;
	s29 =	sadd.s32 $0x4000, s9;
	[sflag:s8] =	ssyncadd.s32 $0xFFFFC000  }
0x54: {  	[hbm4b:s29+s2] =	stream.linear.scatter [tilespmem:s6], [sflag:$0x3], $0x4000, $0x38;
	[tilespmem:$0x8500] =	vst v63  }
0x55: {  	s1 =	ssub.s32 s1, s31;
	_ =	swait.ge [sflag:s12], $0x4000  }
0x56: {  	s1 =	smax.u32 s1, $0x1;
	[sflag:s12] =	ssyncset.done $0x0  }
0x57: {  	p0 =	sne.s32 s1, $0x1;
	[sflag:s12] =	ssyncadd.s32 $0xFFFFC000  }
0x58: {  	[hbm4b:s30+s2] =	stream.linear.scatter [tilespmem:s7], [sflag:$0x4], $0x4000, $0x38;
	[tilespmem:$0x8500] =	vst v63  }
.Ltmp0:
0x59: {  	_ =	swait.ge [sflag:s10], $0x4000;
	(pc) =	sbr.rel @!p0 .LBB2_2-.Ltmp0, $4  }
0x5a: {  	[sflag:s10] =	ssyncset.done $0x0  }
0x5b: {  	[sflag:s10] =	ssyncadd.s32 $0xFFFFC000  }
0x5c: {  	_ =	swait.ge [sflag:s13], $0x4000  }
0x5d: {  	s31 =	sadd.s32 $0xFFFFFFFF, s1;
	[sflag:s13] =	ssyncset.done $0x0  }
.LBB2_1:
0x5e: {  	s1 =	rddreg [dreg:$0x2];
	[sflag:s13] =	ssyncadd.s32 $0xFFFFC000  }
0x5f: {  	[tilespmem:s2], [sflag:$0x5] =	stream.linear.gather [hbm4b:s1+s2], $0x500, $0x38;
	[tilespmem:$0x8500] =	vst v63  }
0x60: {  	_ =	swait.ge [sflag:s3], $0x500  }
0x61: {  	[sflag:s3] =	ssyncset.done $0x0  }
0x62: {  	[sflag:s3] =	ssyncadd.s32 $0xFFFFFB00  }
0x63: {  	[tilespmem:s6], [sflag:$0x1] =	stream.indirect.gather [hbm4b:s4+s5], $0x80, s2, s5, $0xb8;
	[tilespmem:$0x8500] =	vst v63  }
0x64: {  	_ = 	snop  }
0x65: {  	[tilespmem:s7], [sflag:$0x2] =	stream.indirect.gather [hbm4b:s4+s5], $0x80, s5, s5, $0xb8;
	[tilespmem:$0x8500] =	vst v63  }
0x66: {  	_ =	swait.ge [sflag:s8], $0x4000  }
0x67: {  	[sflag:s8] =	ssyncset.done $0x0  }
0x68: {  	[sflag:s8] =	ssyncadd.s32 $0xFFFFC000  }
0x69: {  	[hbm4b:s9+s2] =	stream.linear.scatter [tilespmem:s6], [sflag:$0x3], $0x4000, $0x38;
	[tilespmem:$0x8500] =	vst v63  }
0x6a: {  	_ =	swait.ge [sflag:s10], $0x4000  }
0x6b: {  	[sflag:s10] =	ssyncset.done $0x0  }
0x6c: {  	[sflag:s10] =	ssyncadd.s32 $0xFFFFC000  }
0x6d: {  	[tilespmem:s6], [sflag:$0x1] =	stream.indirect.gather [hbm4b:s4+s5], $0x80, s11, s5, $0xb8;
	[tilespmem:$0x8500] =	vst v63  }
0x6e: {  	_ =	swait.ge [sflag:s12], $0x4000  }
0x6f: {  	[sflag:s12] =	ssyncset.done $0x0  }
0x70: {  	[sflag:s12] =	ssyncadd.s32 $0xFFFFC000  }
0x71: {  	[hbm4b:s14+s2] =	stream.linear.scatter [tilespmem:s7], [sflag:$0x4], $0x4000, $0x38;
	[tilespmem:$0x8500] =	vst v63  }
0x72: {  	_ =	swait.ge [sflag:s13], $0x4000  }
0x73: {  	[sflag:s13] =	ssyncset.done $0x0  }
0x74: {  	[sflag:s13] =	ssyncadd.s32 $0xFFFFC000  }
0x75: {  	[tilespmem:s7], [sflag:$0x2] =	stream.indirect.gather [hbm4b:s4+s5], $0x80, s15, s5, $0xb8;
	[tilespmem:$0x8500] =	vst v63  }
0x76: {  	_ =	swait.ge [sflag:s8], $0x4000  }
0x77: {  	[sflag:s8] =	ssyncset.done $0x0  }
0x78: {  	[sflag:s8] =	ssyncadd.s32 $0xFFFFC000  }
0x79: {  	[hbm4b:s16+s2] =	stream.linear.scatter [tilespmem:s6], [sflag:$0x3], $0x4000, $0x38;
	[tilespmem:$0x8500] =	vst v63  }
0x7a: {  	_ =	swait.ge [sflag:s10], $0x4000  }
0x7b: {  	[sflag:s10] =	ssyncset.done $0x0  }
0x7c: {  	[sflag:s10] =	ssyncadd.s32 $0xFFFFC000  }
0x7d: {  	[tilespmem:s6], [sflag:$0x1] =	stream.indirect.gather [hbm4b:s4+s5], $0x80, s17, s5, $0xb8;
	[tilespmem:$0x8500] =	vst v63  }
0x7e: {  	_ =	swait.ge [sflag:s12], $0x4000  }
0x7f: {  	[sflag:s12] =	ssyncset.done $0x0  }
0x80: {  	[sflag:s12] =	ssyncadd.s32 $0xFFFFC000  }
0x81: {  	[hbm4b:s18+s2] =	stream.linear.scatter [tilespmem:s7], [sflag:$0x4], $0x4000, $0x38;
	[tilespmem:$0x8500] =	vst v63  }
0x82: {  	_ =	swait.ge [sflag:s13], $0x4000  }
0x83: {  	[sflag:s13] =	ssyncset.done $0x0  }
0x84: {  	[sflag:s13] =	ssyncadd.s32 $0xFFFFC000  }
0x85: {  	[tilespmem:s7], [sflag:$0x2] =	stream.indirect.gather [hbm4b:s4+s5], $0x80, s19, s5, $0xb8;
	[tilespmem:$0x8500] =	vst v63  }
0x86: {  	_ =	swait.ge [sflag:s8], $0x4000  }
0x87: {  	[sflag:s8] =	ssyncset.done $0x0  }
0x88: {  	[sflag:s8] =	ssyncadd.s32 $0xFFFFC000  }
0x89: {  	[hbm4b:s20+s2] =	stream.linear.scatter [tilespmem:s6], [sflag:$0x3], $0x4000, $0x38;
	[tilespmem:$0x8500] =	vst v63  }
0x8a: {  	_ =	swait.ge [sflag:s10], $0x4000  }
0x8b: {  	[sflag:s10] =	ssyncset.done $0x0  }
0x8c: {  	[sflag:s10] =	ssyncadd.s32 $0xFFFFC000  }
0x8d: {  	[tilespmem:s6], [sflag:$0x1] =	stream.indirect.gather [hbm4b:s4+s5], $0x80, s21, s5, $0xb8;
	[tilespmem:$0x8500] =	vst v63  }
0x8e: {  	_ =	swait.ge [sflag:s12], $0x4000  }
0x8f: {  	[sflag:s12] =	ssyncset.done $0x0  }
0x90: {  	[sflag:s12] =	ssyncadd.s32 $0xFFFFC000  }
0x91: {  	[hbm4b:s22+s2] =	stream.linear.scatter [tilespmem:s7], [sflag:$0x4], $0x4000, $0x38;
	[tilespmem:$0x8500] =	vst v63  }
0x92: {  	_ =	swait.ge [sflag:s13], $0x4000  }
0x93: {  	[sflag:s13] =	ssyncset.done $0x0  }
0x94: {  	[sflag:s13] =	ssyncadd.s32 $0xFFFFC000  }
0x95: {  	[tilespmem:s7], [sflag:$0x2] =	stream.indirect.gather [hbm4b:s4+s5], $0x80, s23, s5, $0xb8;
	[tilespmem:$0x8500] =	vst v63  }
0x96: {  	_ =	swait.ge [sflag:s8], $0x4000  }
0x97: {  	[sflag:s8] =	ssyncset.done $0x0  }
0x98: {  	[sflag:s8] =	ssyncadd.s32 $0xFFFFC000  }
0x99: {  	[hbm4b:s24+s2] =	stream.linear.scatter [tilespmem:s6], [sflag:$0x3], $0x4000, $0x38;
	[tilespmem:$0x8500] =	vst v63  }
0x9a: {  	_ =	swait.ge [sflag:s10], $0x4000  }
0x9b: {  	[sflag:s10] =	ssyncset.done $0x0  }
0x9c: {  	[sflag:s10] =	ssyncadd.s32 $0xFFFFC000  }
0x9d: {  	[tilespmem:s6], [sflag:$0x1] =	stream.indirect.gather [hbm4b:s4+s5], $0x80, s25, s5, $0xb8;
	[tilespmem:$0x8500] =	vst v63  }
0x9e: {  	_ =	swait.ge [sflag:s12], $0x4000  }
0x9f: {  	[sflag:s12] =	ssyncset.done $0x0  }
0xa0: {  	[sflag:s12] =	ssyncadd.s32 $0xFFFFC000  }
0xa1: {  	[hbm4b:s26+s2] =	stream.linear.scatter [tilespmem:s7], [sflag:$0x4], $0x4000, $0x38;
	[tilespmem:$0x8500] =	vst v63  }
0xa2: {  	_ =	swait.ge [sflag:s13], $0x4000  }
0xa3: {  	[sflag:s13] =	ssyncset.done $0x0  }
0xa4: {  	[sflag:s13] =	ssyncadd.s32 $0xFFFFC000  }
0xa5: {  	[tilespmem:s7], [sflag:$0x2] =	stream.indirect.gather [hbm4b:s4+s5], $0x80, s28, s5, $0xb8;
	[tilespmem:$0x8500] =	vst v63  }
0xa6: {  	_ =	swait.ge [sflag:s8], $0x4000  }
0xa7: {  	[sflag:s8] =	ssyncset.done $0x0  }
0xa8: {  	[sflag:s8] =	ssyncadd.s32 $0xFFFFC000  }
0xa9: {  	[hbm4b:s29+s2] =	stream.linear.scatter [tilespmem:s6], [sflag:$0x3], $0x4000, $0x38;
	[tilespmem:$0x8500] =	vst v63  }
0xaa: {  	_ =	swait.ge [sflag:s12], $0x4000  }
0xab: {  	[sflag:s12] =	ssyncset.done $0x0  }
0xac: {  	p0 =	sne.s32 s31, $0x1;
	[sflag:s12] =	ssyncadd.s32 $0xFFFFC000  }
0xad: {  	[hbm4b:s30+s2] =	stream.linear.scatter [tilespmem:s7], [sflag:$0x4], $0x4000, $0x38;
	[tilespmem:$0x8500] =	vst v63  }
.Ltmp1:
0xae: {  	_ =	swait.ge [sflag:s10], $0x4000;
	(pc) =	sbr.rel @p0 .LBB2_1-.Ltmp1, $4  }
0xaf: {  	[sflag:s10] =	ssyncset.done $0x0  }
0xb0: {  	[sflag:s10] =	ssyncadd.s32 $0xFFFFC000  }
0xb1: {  	_ =	swait.ge [sflag:s13], $0x4000  }
0xb2: {  	s31 =	sadd.s32 $0xFFFFFFFF, s31;
	[sflag:s13] =	ssyncset.done $0x0  }
.LBB2_2:
0xb3: {  	[sflag:s13] =	ssyncadd.s32 $0xFFFFC000  }
0xb4: {  	_ =	sfence.sel $0x180000  }
0xb5: {  	[bflag:$0x0] =	sbarrier.arrive $0xFFFF  }
0xb6: {  	_ =	strace $0x9000004D  }
0xb7: {  	[bflag:$0x2] =	sbarrier.arrive $0xFFFF  }
0xb8: {  	p0 =	sne.s32 s0, $0x0;
	s0 =	rddreg [dreg:$0x1]  }
0xb9: {  	s0 =	sadd.s32 @!p0 $0x100000, s0  }
0xba: {  	[sflag:s0] =	ssyncadd.tile.s32 @!p0 $0x1;
	_ =	shalt  }
.Lfunc_end2:
_tile_overlayer_lowered:
.L_overlay_start_2:
0xbb: {  	(tag) =	ssettag $0x2  }
0xbc: {  	s0 =	rddreg [dreg:$0x0];
	s2 =	stileid.u32  }
0xbd: {  	s1 =	rddreg [dreg:$0x1];
	p0 =	sne.s32 s2, $0x0  }
0xbe: {  	s3 =	rddreg [dreg:$0x2];
	[bflag:$0x3] =	sbarrier.arrive $0xFFFF;
	s2 =	simm.s32 @!p0 $0x1C05  }
0xbf: {  	[timem:s3], [sflag:s2] =	dma.local @!p0 [hbm:s0], s1  }
0xc0: {  	s0 =	simm.s32 @!p0 $0x5  }
0xc1: {  	_ =	swait.ge @!p0 [sflag:s0], s1  }
0xc2: {  	s1 =	ssub.s32 @!p0 $0x0, s1;
	[sflag:s0] =	ssyncset.done @!p0 $0x0  }
0xc3: {  	[sflag:s0] =	ssyncadd.s32 @!p0 s1  }
0xc4: {  	[bflag:$0x3] =	sbarrier.arrive $0xFFFF  }
0xc5: {  	_ =	shalt  }

// kernel: kernel.22.cloned.1.call-start
scs
__scs_entry_jumppad:
0x0: {  	(pc) =	sbr.rel $0x88, $3  }
0x1: {  	(tag) =	ssettag $0x0;
	lr =	simm.s32 $0x1  }
0x2: {  	[smem:$0x3F9D] =	sst lr;
	_ =	strace $0xD0000000  }
0x3: {  	_ = 	snop  }
0x4: {  	_ = 	snop  }
0x5: {  	_ = 	snop  }
0x6: {  	_ = 	snop  }
0x7: {  	_ = 	snop  }
__scs_overlays_trampoline_lowered:
0x8: {  	[smem:$0x3FAC] =	sst s0  }
0x9: {  	[smem:$0x3FAD] =	sst s1  }
0xa: {  	[smem:$0x3FAE] =	sst s2  }
0xb: {  	[smem:$0x3FAF] =	sst s3  }
0xc: {  	[smem:$0x3FB0] =	sst s4  }
0xd: {  	[smem:$0x3FB1] =	sst s5  }
0xe: {  	[smem:$0x3FB2] =	sst s6  }
0xf: {  	[smem:$0x3FB3] =	sst s7  }
0x10: {  	[smem:$0x3FB4] =	sst s8  }
0x11: {  	[smem:$0x3FB5] =	sst s9;
	s0 =	simm.s32 @!p0 $0x0  }
0x12: {  	s1 =	sld [smem:$0x3F9B];
	s0 =	simm.s32 @p0 $0x1  }
0x13: {  	[smem:$0x3FB6] =	sst s0;
	s0 =	simm.s32 @!p1 $0x0  }
0x14: {  	s2 =	sld [smem:$0x3F9A];
	s0 =	simm.s32 @p1 $0x1  }
0x15: {  	[smem:$0x3FB7] =	sst s0;
	s0 =	simm.s32 @!p2 $0x0  }
0x16: {  	s3 =	sld [smem:$0x3FDB];
	s0 =	simm.s32 @p2 $0x1  }
0x17: {  	s4 =	simm.s32 $0x1BF5;
	[smem:$0x3FB9] =	sst s0  }
0x18: {  	s0 =	sld [smem:$0x3F9C];
	_ =	swait.ge [sflag:s4], $0x0  }
0x19: {  	s7 =	sld [smem:$0x3F9D]  }
0x1a: {  	s8 =	sadd.s32 $0xFFFFE003, lr  }
0x1b: {  	s9 =	sadd.s32 $0xFFFFFEF7, lr;
	s5 =	simm.s32 $0xFFFFFFFF;
	p2 =	slt.u32 s8, $0xFFFFF086  }
0x1c: {  	p1 =	slt.u32 s9, $0xF7A;
	s5 =	simm.s32 @!p2 $0x0  }
0x1d: {  	s5 =	simm.s32 @p1 $0x1;
	p0 =	seq.s32 s7, s2  }
0x1e: {  	s7 =	smul.u32 @!p0 $0xF7A, s2;
	p2 =	seq.s32 @!p0 s5, $0x0  }
0x1f: {  	s9 =	smul.u32 $0xF7A, s1;
	s8 =	simm.s32 @!p0 $0x1BF5;
	p2 =	por !p2, p0  }
0x20: {  	[sflag:s8] =	ssyncset.s32 @!p0 $0xFFFFF086;
	s6 =	sadd.s32 @!p0 s3, s7;
	s7 =	simm.s32 @!p0 $0x108  }
0x21: {  	s3 =	sadd.s32 s3, s9;
	s6 =	sadd.s32 @!p0 $0x88, s6;
	s7 =	simm.s32 @p2 $0x1082  }
0x22: {  	[simem:s7], [sflag:s8] =	dma.local @!p0 [hbm:s6], $0xF7A  }
0x23: {  	s9 =	sor.u32 $0xD0000000, s2;
	s6 =	simm.s32 $0x108;
	_ =	swait.ge @!p0 [sflag:s8], $0x0  }
0x24: {  	s3 =	sadd.s32 $0x88, s3;
	s6 =	simm.s32 @!p1 $0x1082;
	[sflag:s4] =	ssyncset.s32 $0xFFFFF086  }
0x25: {  	[simem:s6], [sflag:s4] =	dma.local [hbm:s3], $0xF7A  }
0x26: {  	[smem:$0x3F9D] =	sst s1;
	(tag) =	ssettag s2;
	_ =	strace s9  }
0x27: {  	s1 =	sld [smem:$0x3FAD]  }
0x28: {  	s2 =	sld [smem:$0x3FAE]  }
0x29: {  	s4 =	sld [smem:$0x3FB0]  }
0x2a: {  	p0 =	seq.s32 s5, $0x0;
	s5 =	sld [smem:$0x3FB1]  }
0x2b: {  	s6 =	sld [smem:$0x3FB2]  }
0x2c: {  	s7 =	sld [smem:$0x3FB3]  }
0x2d: {  	s3 =	simm.s32 $0x108;
	s8 =	sld [smem:$0x3FB4]  }
0x2e: {  	s3 =	simm.s32 @!p0 $0x1082;
	s9 =	sld [smem:$0x3FB5]  }
0x2f: {  	lr =	sadd.s32 s0, s3;
	s0 =	sld [smem:$0x3FAC]  }
0x30: {  	s3 =	sld [smem:$0x3FAF]  }
0x31: {  	[smem:$0x3FB8] =	sst s10  }
0x32: {  	s10 =	sld [smem:$0x3FB6];
	_ =	sdelay $0x3  }
0x33: {  	p0 =	seq.s32 s10, $0x1;
	s10 =	sld [smem:$0x3FB8];
	_ =	sdelay $0x3  }
0x34: {  	[smem:$0x3FB8] =	sst s10  }
0x35: {  	s10 =	sld [smem:$0x3FB7];
	_ =	sdelay $0x3  }
0x36: {  	p1 =	seq.s32 s10, $0x1;
	s10 =	sld [smem:$0x3FB8];
	_ =	sdelay $0x3  }
0x37: {  	[smem:$0x3FB8] =	sst s10  }
0x38: {  	s10 =	sld [smem:$0x3FB9]  }
0x39: {  	_ = 	snop;
	(pc) =	sbr.ind lr, $3  }
0x3a: {  	_ = 	snop  }
0x3b: {  	_ = 	snop  }
0x3c: {  	p2 =	seq.s32 s10, $0x1;
	s10 =	sld [smem:$0x3FB8]  }
0x3d: {  	_ =	shalt  }
0x3e: {  	_ =	shalt  }
0x3f: {  	_ =	shalt  }
0x40: {  	_ =	shalt  }
0x41: {  	_ =	shalt  }
0x42: {  	_ =	shalt  }
0x43: {  	_ =	shalt  }
0x44: {  	_ =	shalt  }
0x45: {  	_ =	shalt  }
0x46: {  	_ =	shalt  }
0x47: {  	_ =	shalt  }
0x48: {  	_ =	shalt  }
0x49: {  	_ =	shalt  }
0x4a: {  	_ =	shalt  }
0x4b: {  	_ =	shalt  }
0x4c: {  	_ =	shalt  }
0x4d: {  	_ =	shalt  }
0x4e: {  	_ =	shalt  }
0x4f: {  	_ =	shalt  }
0x50: {  	_ =	shalt  }
0x51: {  	_ =	shalt  }
0x52: {  	_ =	shalt  }
0x53: {  	_ =	shalt  }
0x54: {  	_ =	shalt  }
0x55: {  	_ =	shalt  }
0x56: {  	_ =	shalt  }
0x57: {  	_ =	shalt  }
0x58: {  	_ =	shalt  }
0x59: {  	_ =	shalt  }
0x5a: {  	_ =	shalt  }
0x5b: {  	_ =	shalt  }
0x5c: {  	_ =	shalt  }
0x5d: {  	_ =	shalt  }
0x5e: {  	_ =	shalt  }
0x5f: {  	_ =	shalt  }
0x60: {  	_ =	shalt  }
0x61: {  	_ =	shalt  }
0x62: {  	_ =	shalt  }
0x63: {  	_ =	shalt  }
0x64: {  	_ =	shalt  }
0x65: {  	_ =	shalt  }
0x66: {  	_ =	shalt  }
0x67: {  	_ =	shalt  }
0x68: {  	_ =	shalt  }
0x69: {  	_ =	shalt  }
0x6a: {  	_ =	shalt  }
0x6b: {  	_ =	shalt  }
0x6c: {  	_ =	shalt  }
0x6d: {  	_ =	shalt  }
0x6e: {  	_ =	shalt  }
0x6f: {  	_ =	shalt  }
0x70: {  	_ =	shalt  }
0x71: {  	_ =	shalt  }
0x72: {  	_ =	shalt  }
0x73: {  	_ =	shalt  }
0x74: {  	_ =	shalt  }
0x75: {  	_ =	shalt  }
0x76: {  	_ =	shalt  }
0x77: {  	_ =	shalt  }
0x78: {  	_ =	shalt  }
0x79: {  	_ =	shalt  }
0x7a: {  	_ =	shalt  }
0x7b: {  	_ =	shalt  }
0x7c: {  	_ =	shalt  }
0x7d: {  	_ =	shalt  }
0x7e: {  	_ =	shalt  }
0x7f: {  	_ =	shalt  }
0x80: {  	_ =	shalt  }
0x81: {  	_ =	shalt  }
0x82: {  	_ =	shalt  }
0x83: {  	_ =	shalt  }
0x84: {  	_ =	shalt  }
0x85: {  	_ =	shalt  }
0x86: {  	_ =	shalt  }
0x87: {  	_ =	shalt  }
.Lfunc_end0:
.L_simem_size_0:
called_computation.3_lowered:
.L_overlay_start_0:
0x88: {  	s2 =	sld [smem:$0x3FD9]  }
0x89: {  	s3 =	sld [smem:$0x3FFE];
	_ =	sdelay $0x1  }
0x8a: {  	s1 =	srdreg.scid  }
0x8b: {  	s0 =	sand.u32 $0x1, s1  }
0x8c: {  	s17 =	sshll.u32 s0, $0xA;
	s2 =	sadd.s32 s3, s2  }
0x8d: {  	s2 =	sadd.s32 s2, s17  }
0x8e: {  	[smem:$0x3FC4] =	sst s2  }
0x8f: {  	_ = 	snop  }
0x90: {  	(tm) =	ssettm $0x1  }
0x91: {  	s18 =	sld [smem:$0x3FFB];
	_ =	sdelay $0x3  }
0x92: {  	_ =	strace s18  }
0x93: {  	s2 =	sld [smem:$0x3FFC];
	_ =	sdelay $0x3  }
0x94: {  	_ =	strace s2  }
0x95: {  	s2 =	sld [smem:$0x3FFD];
	_ =	sdelay $0x3  }
0x96: {  	_ =	strace s2  }
0x97: {  	_ =	strace $0x8FFFFFFF  }
0x98: {  	s19 =	sld [smem:$0x3FDB];
	_ =	sdelay $0x1  }
0x99: {  	s20 =	simm.s32 $_scs_section_size  }
0x9a: {  	s4 =	simm.s32 $_size__tile_overlayer_lowered;
	s5 =	simm.s32 $_tile_overlayer_lowered  }
0x9b: {  	s6 =	simm.s32 $0x1BFF;
	s21 =	sshll.u32 s5, $0x1;
	s3 =	sadd.s32 s20, s19  }
0x9c: {  	s22 =	simm.s32 $0x0;
	s4 =	sshll.u32 s4, $0x1;
	s5 =	sadd.s32 s21, s3  }
0x9d: {  	[timem:s22], [sflag:s6] =	dma.local [hbm:s5], s4  }
0x9e: {  	_ =	swait.ge [sflag:s6], s4  }
0x9f: {  	s4 =	ssub.s32 $0x0, s4;
	[sflag:s6] =	ssyncset.done $0x0  }
0xa0: {  	[sflag:s6] =	ssyncadd.s32 s4;
	_ =	sdelay $0x1  }
0xa1: {  	s23 =	simm.s32 $0x1B8B  }
0xa2: {  	_ =	swait.ge [sflag:s23], $0x1  }
0xa3: {  	[sflag:s23] =	ssyncset.done $0x0  }
0xa4: {  	[sflag:s23] =	ssyncadd.s32 $0xFFFFFFFF  }
0xa5: {  	s4 =	sld [smem:$0x0]  }
0xa6: {  	s5 =	sand.u32 $0xFFFFFFFE, s1  }
0xa7: {  	p0 =	sne.s32 s1, s5  }
0xa8: {  	s5 =	sshll.u32 @p0 s5, $0xE  }
0xa9: {  	s5 =	sadd.s32 @p0 $0x11B8D, s5;
	s6 =	sshll.u32 @p0 s4, $0x11  }
0xaa: {  	s5 =	sor.u32 @p0 s6, s5  }
0xab: {  	[sflag:s5] =	ssyncadd.remote.s32 @p0 $0x1;
	_ =	sdelay $0x1  }
0xac: {  	s5 =	simm.s32 @p0 $0x1B8D  }
0xad: {  	_ =	swait.eq @p0 [sflag:s5], $0x1  }
0xae: {  	[sflag:s5] =	ssyncadd.s32 @p0 $0xFFFFFFFF  }
0xaf: {  	s6 =	sshll.u32 @!p0 s1, $0xE  }
0xb0: {  	s6 =	sor.u32 @!p0 $0x4000, s6;
	s5 =	simm.s32 @!p0 $0x1B8D  }
0xb1: {  	s4 =	sshll.u32 @!p0 s4, $0x11;
	s6 =	sadd.s32 @!p0 $0x11B8D, s6;
	_ =	swait.eq @!p0 [sflag:s5], $0x1  }
0xb2: {  	s4 =	sor.u32 @!p0 s4, s6;
	[sflag:s5] =	ssyncadd.s32 @!p0 $0xFFFFFFFF  }
0xb3: {  	s25 =	simm.s32 $0x1B8E;
	s24 =	sld [smem:$0x3FFE];
	[sflag:s4] =	ssyncadd.remote.s32 @!p0 $0x1  }
0xb4: {  	s26 =	simm.s32 $execute0_lowered;
	[smem:$0x3FD2] =	sst s25  }
0xb5: {  	s5 =	sshll.u32 s26, $0x1;
	_ =	strace $0x8000004F;
	[dreg:$0x1] =	wrdreg $0xFFFFFFFF  }
0xb6: {  	s28 =	simm.s32 $_size_execute0_lowered;
	s3 =	sadd.s32 s3, s5;
	[dreg:$0x0] =	wrdreg $0x0  }
0xb7: {  	s5 =	sshll.u32 s28, $0x1;
	[dreg:$0x2] =	wrdreg s3  }
0xb8: {  	[dreg:$0x3] =	wrdreg s5  }
0xb9: {  	[dreg:$0x4] =	wrdreg $0xC0  }
0xba: {  	_ =	task [dreg:s22], $0x5FFFF  }
0xbb: {  	[dreg:$0x1] =	wrdreg $0xFFFFFFFF  }
0xbc: {  	[dreg:$0x0] =	wrdreg $0x60  }
0xbd: {  	[dreg:$0x2] =	wrdreg s24  }
0xbe: {  	[dreg:$0x3] =	wrdreg $0xC  }
0xbf: {  	_ =	task.clear_ibuf [dreg:s22], $0x4FFFF;
	_ =	strace $0x9000004F  }
0xc0: {  	s29 =	simm.s32 $0xC;
	_ =	strace $0x80000051  }
0xc1: {  	_ =	swait.ge [sflag:s29], $0x1  }
0xc2: {  	[sflag:s29] =	ssyncadd.s32 $0xFFFFFFFF  }
0xc3: {  	_ =	strace $0x90000051  }
0xc4: {  	_ =	sfence  }
0xc5: {  	s30 =	sld [smem:$0x0];
	_ =	sdelay $0x2  }
0xc6: {  	s31 =	sshll.u32 s1, $0xD;
	s1 =	sshrl.u32 s1, $0x2  }
0xc7: {  	s4 =	sand.u32 $0x4000, s31;
	s1 =	sadd.s32 s1, s30  }
0xc8: {  	s0 =	sor.u32 s4, s0;
	s1 =	sshll.u32 s1, $0x11  }
0xc9: {  	s0 =	sor.u32 s1, s0  }
0xca: {  	s0 =	sadd.s32 $0x8F2B, s0  }
0xcb: {  	[sflag:s0] =	ssyncadd.remote.s32 $0x1  }
0xcc: {  	_ =	sfence.sel $0xFFFF  }
0xcd: {  	[dreg:$0x0] =	wrdreg $0xFFFFFFFF;
	(pc) =	sbr.abs _section_cstart, $3  }
0xce: {  	[dreg:$0x1] =	wrdreg $0xFFFFFFFF  }
0xcf: {  	_ =	task.clear_ibuf [dreg:s22], $0x2FFFF;
	_ =	strace $0x9FFFFFFF  }
0xd0: {  	(tm) =	ssettm $0x7FFFFFFF  }
0xd1: {  	_ =	shalt  }
tec
execute0_lowered:
.L_overlay_start_1:
0x0: {  	(tag) =	ssettag $0x1  }
0x1: {  	s1 =	srdreg.scid;
	s0 =	stileid.u32  }
0x2: {  	s30 =	sand.u32 $0x1, s1;
	s25 =	sshll.u32 s0, $0x1  }
0x3: {  	s11 =	sor.u32 s30, s25  }
0x4: {  	s3 =	smul.u32 $0x500, s11;
	_ =	sdelay $0x1  }
0x5: {  	s9 =	rddreg [dreg:$0x0];
	s3 =	sshrl.u32 s3, $0x3  }
0x6: {  	s2 =	simm.s32 $0x0;
	s3 =	sadd.s32 s9, s3  }
0x7: {  	[smem:$0x7FF] =	sst s2;
	s3 =	sadd.s32 $0x18CA00, s3  }
0x8: {  	_ =	strace $0x80000050;
	[dreg:$0x2] =	wrdreg s3  }
0x9: {  	s3 =	simm.s32 $0x5;
	s4 =	rddreg [dreg:$0x2]  }
0xa: {  	[tilespmem:s2], [sflag:$0x5] =	stream.linear.gather [hbm4b:s4+s2], $0x500, $0x38;
	[tilespmem:$0x8500] =	vst v63  }
0xb: {  	_ =	swait.ge [sflag:s3], $0x500  }
0xc: {  	s5 =	simm.s32 $0x80;
	[sflag:s3] =	ssyncset.done $0x0  }
0xd: {  	s6 =	simm.s32 $0x500;
	s4 =	sadd.s32 $0x2400, s9;
	[sflag:s3] =	ssyncadd.s32 $0xFFFFFB00  }
0xe: {  	[tilespmem:s6], [sflag:$0x1] =	stream.indirect.gather [hbm4b:s4+s5], $0x80, s2, s5, $0xb8;
	[tilespmem:$0x8500] =	vst v63  }
0xf: {  	s7 =	simm.s32 $0x4500;
	s8 =	simm.s32 $0x1;
	s10 =	smul.u32 $0x28000, s11  }
0x10: {  	[tilespmem:s7], [sflag:$0x2] =	stream.indirect.gather [hbm4b:s4+s5], $0x80, s5, s5, $0xb8;
	[tilespmem:$0x8500] =	vst v63  }
0x11: {  	_ =	swait.ge [sflag:s8], $0x4000  }
0x12: {  	s13 =	sadd.s32 $0x2CF200, s9;
	s26 =	sshrl.u32 s10, $0x3;
	[sflag:s8] =	ssyncset.done $0x0  }
0x13: {  	s10 =	simm.s32 $0x3;
	s9 =	sadd.s32 s13, s26;
	[sflag:s8] =	ssyncadd.s32 $0xFFFFC000  }
0x14: {  	[hbm4b:s9+s2] =	stream.linear.scatter [tilespmem:s6], [sflag:$0x3], $0x4000, $0x38;
	[tilespmem:$0x8500] =	vst v63  }
0x15: {  	_ =	swait.ge [sflag:s10], $0x4000  }
0x16: {  	s12 =	simm.s32 $0x2;
	[sflag:s10] =	ssyncset.done $0x0  }
0x17: {  	s14 =	smul.u32 $0x5000, s11;
	s11 =	simm.s32 $0x100;
	[sflag:s10] =	ssyncadd.s32 $0xFFFFC000  }
0x18: {  	[tilespmem:s6], [sflag:$0x1] =	stream.indirect.gather [hbm4b:s4+s5], $0x80, s11, s5, $0xb8;
	[tilespmem:$0x8500] =	vst v63  }
0x19: {  	_ =	swait.ge [sflag:s12], $0x4000  }
0x1a: {  	s31 =	sadd.s32 s13, s14;
	[sflag:s12] =	ssyncset.done $0x0  }
0x1b: {  	s14 =	sadd.s32 $0x800, s31;
	s13 =	simm.s32 $0x4;
	[sflag:s12] =	ssyncadd.s32 $0xFFFFC000  }
0x1c: {  	[hbm4b:s14+s2] =	stream.linear.scatter [tilespmem:s7], [sflag:$0x4], $0x4000, $0x38;
	[tilespmem:$0x8500] =	vst v63  }
0x1d: {  	_ =	swait.ge [sflag:s13], $0x4000  }
0x1e: {  	[sflag:s13] =	ssyncset.done $0x0  }
0x1f: {  	s15 =	simm.s32 $0x180;
	[sflag:s13] =	ssyncadd.s32 $0xFFFFC000  }
0x20: {  	[tilespmem:s7], [sflag:$0x2] =	stream.indirect.gather [hbm4b:s4+s5], $0x80, s15, s5, $0xb8;
	[tilespmem:$0x8500] =	vst v63  }
0x21: {  	_ =	swait.ge [sflag:s8], $0x4000  }
0x22: {  	[sflag:s8] =	ssyncset.done $0x0  }
0x23: {  	s16 =	sadd.s32 $0x1000, s9;
	[sflag:s8] =	ssyncadd.s32 $0xFFFFC000  }
0x24: {  	[hbm4b:s16+s2] =	stream.linear.scatter [tilespmem:s6], [sflag:$0x3], $0x4000, $0x38;
	[tilespmem:$0x8500] =	vst v63  }
0x25: {  	_ =	swait.ge [sflag:s10], $0x4000  }
0x26: {  	[sflag:s10] =	ssyncset.done $0x0  }
0x27: {  	s17 =	simm.s32 $0x200;
	[sflag:s10] =	ssyncadd.s32 $0xFFFFC000  }
0x28: {  	[tilespmem:s6], [sflag:$0x1] =	stream.indirect.gather [hbm4b:s4+s5], $0x80, s17, s5, $0xb8;
	[tilespmem:$0x8500] =	vst v63  }
0x29: {  	_ =	swait.ge [sflag:s12], $0x4000  }
0x2a: {  	[sflag:s12] =	ssyncset.done $0x0  }
0x2b: {  	s18 =	sadd.s32 $0x1800, s31;
	[sflag:s12] =	ssyncadd.s32 $0xFFFFC000  }
0x2c: {  	[hbm4b:s18+s2] =	stream.linear.scatter [tilespmem:s7], [sflag:$0x4], $0x4000, $0x38;
	[tilespmem:$0x8500] =	vst v63  }
0x2d: {  	_ =	swait.ge [sflag:s13], $0x4000  }
0x2e: {  	[sflag:s13] =	ssyncset.done $0x0  }
0x2f: {  	s19 =	simm.s32 $0x280;
	[sflag:s13] =	ssyncadd.s32 $0xFFFFC000  }
0x30: {  	[tilespmem:s7], [sflag:$0x2] =	stream.indirect.gather [hbm4b:s4+s5], $0x80, s19, s5, $0xb8;
	[tilespmem:$0x8500] =	vst v63  }
0x31: {  	_ =	swait.ge [sflag:s8], $0x4000  }
0x32: {  	[sflag:s8] =	ssyncset.done $0x0  }
0x33: {  	s20 =	sadd.s32 $0x2000, s9;
	[sflag:s8] =	ssyncadd.s32 $0xFFFFC000  }
0x34: {  	[hbm4b:s20+s2] =	stream.linear.scatter [tilespmem:s6], [sflag:$0x3], $0x4000, $0x38;
	[tilespmem:$0x8500] =	vst v63  }
0x35: {  	_ =	swait.ge [sflag:s10], $0x4000  }
0x36: {  	[sflag:s10] =	ssyncset.done $0x0  }
0x37: {  	s21 =	simm.s32 $0x300;
	[sflag:s10] =	ssyncadd.s32 $0xFFFFC000  }
0x38: {  	[tilespmem:s6], [sflag:$0x1] =	stream.indirect.gather [hbm4b:s4+s5], $0x80, s21, s5, $0xb8;
	[tilespmem:$0x8500] =	vst v63  }
0x39: {  	_ =	swait.ge [sflag:s12], $0x4000  }
0x3a: {  	[sflag:s12] =	ssyncset.done $0x0  }
0x3b: {  	s22 =	sadd.s32 $0x2800, s31;
	[sflag:s12] =	ssyncadd.s32 $0xFFFFC000  }
0x3c: {  	[hbm4b:s22+s2] =	stream.linear.scatter [tilespmem:s7], [sflag:$0x4], $0x4000, $0x38;
	[tilespmem:$0x8500] =	vst v63  }
0x3d: {  	_ =	swait.ge [sflag:s13], $0x4000  }
0x3e: {  	[sflag:s13] =	ssyncset.done $0x0  }
0x3f: {  	s23 =	simm.s32 $0x380;
	[sflag:s13] =	ssyncadd.s32 $0xFFFFC000  }
0x40: {  	[tilespmem:s7], [sflag:$0x2] =	stream.indirect.gather [hbm4b:s4+s5], $0x80, s23, s5, $0xb8;
	[tilespmem:$0x8500] =	vst v63  }
0x41: {  	_ =	swait.ge [sflag:s8], $0x4000  }
0x42: {  	[sflag:s8] =	ssyncset.done $0x0  }
0x43: {  	s24 =	sadd.s32 $0x3000, s9;
	[sflag:s8] =	ssyncadd.s32 $0xFFFFC000  }
0x44: {  	[hbm4b:s24+s2] =	stream.linear.scatter [tilespmem:s6], [sflag:$0x3], $0x4000, $0x38;
	[tilespmem:$0x8500] =	vst v63  }
0x45: {  	_ =	swait.ge [sflag:s10], $0x4000  }
0x46: {  	[sflag:s10] =	ssyncset.done $0x0  }
0x47: {  	s25 =	simm.s32 $0x400;
	[sflag:s10] =	ssyncadd.s32 $0xFFFFC000  }
0x48: {  	[tilespmem:s6], [sflag:$0x1] =	stream.indirect.gather [hbm4b:s4+s5], $0x80, s25, s5, $0xb8;
	[tilespmem:$0x8500] =	vst v63  }
0x49: {  	_ =	swait.ge [sflag:s12], $0x4000  }
0x4a: {  	[sflag:s12] =	ssyncset.done $0x0  }
0x4b: {  	s26 =	sadd.s32 $0x3800, s31;
	[sflag:s12] =	ssyncadd.s32 $0xFFFFC000  }
0x4c: {  	[hbm4b:s26+s2] =	stream.linear.scatter [tilespmem:s7], [sflag:$0x4], $0x4000, $0x38;
	[tilespmem:$0x8500] =	vst v63  }
0x4d: {  	_ =	swait.ge [sflag:s13], $0x4000  }
0x4e: {  	[sflag:s13] =	ssyncset.done $0x0  }
0x4f: {  	s28 =	simm.s32 $0x480;
	[sflag:s13] =	ssyncadd.s32 $0xFFFFC000  }
0x50: {  	[tilespmem:s7], [sflag:$0x2] =	stream.indirect.gather [hbm4b:s4+s5], $0x80, s28, s5, $0xb8;
	[tilespmem:$0x8500] =	vst v63  }
0x51: {  	_ =	swait.ge [sflag:s8], $0x4000  }
0x52: {  	s1 =	ssub.s32 $0x2, s30;
	s30 =	sadd.s32 $0x4800, s31;
	[sflag:s8] =	ssyncset.done $0x0  }
0x53: {  	s31 =	sshrl.u32 s1, $0x1;
	s29 =	sadd.s32 $0x4000, s9;
	[sflag:s8] =	ssyncadd.s32 $0xFFFFC000  }
0x54: {  	[hbm4b:s29+s2] =	stream.linear.scatter [tilespmem:s6], [sflag:$0x3], $0x4000, $0x38;
	[tilespmem:$0x8500] =	vst v63  }
0x55: {  	s1 =	ssub.s32 s1, s31;
	_ =	swait.ge [sflag:s12], $0x4000  }
0x56: {  	s1 =	smax.u32 s1, $0x1;
	[sflag:s12] =	ssyncset.done $0x0  }
0x57: {  	p0 =	sne.s32 s1, $0x1;
	[sflag:s12] =	ssyncadd.s32 $0xFFFFC000  }
0x58: {  	[hbm4b:s30+s2] =	stream.linear.scatter [tilespmem:s7], [sflag:$0x4], $0x4000, $0x38;
	[tilespmem:$0x8500] =	vst v63  }
.Ltmp0:
0x59: {  	_ =	swait.ge [sflag:s10], $0x4000;
	(pc) =	sbr.rel @!p0 .LBB2_2-.Ltmp0, $4  }
0x5a: {  	[sflag:s10] =	ssyncset.done $0x0  }
0x5b: {  	[sflag:s10] =	ssyncadd.s32 $0xFFFFC000  }
0x5c: {  	_ =	swait.ge [sflag:s13], $0x4000  }
0x5d: {  	s31 =	sadd.s32 $0xFFFFFFFF, s1;
	[sflag:s13] =	ssyncset.done $0x0  }
.LBB2_1:
0x5e: {  	s1 =	rddreg [dreg:$0x2];
	[sflag:s13] =	ssyncadd.s32 $0xFFFFC000  }
0x5f: {  	[tilespmem:s2], [sflag:$0x5] =	stream.linear.gather [hbm4b:s1+s2], $0x500, $0x38;
	[tilespmem:$0x8500] =	vst v63  }
0x60: {  	_ =	swait.ge [sflag:s3], $0x500  }
0x61: {  	[sflag:s3] =	ssyncset.done $0x0  }
0x62: {  	[sflag:s3] =	ssyncadd.s32 $0xFFFFFB00  }
0x63: {  	[tilespmem:s6], [sflag:$0x1] =	stream.indirect.gather [hbm4b:s4+s5], $0x80, s2, s5, $0xb8;
	[tilespmem:$0x8500] =	vst v63  }
0x64: {  	_ = 	snop  }
0x65: {  	[tilespmem:s7], [sflag:$0x2] =	stream.indirect.gather [hbm4b:s4+s5], $0x80, s5, s5, $0xb8;
	[tilespmem:$0x8500] =	vst v63  }
0x66: {  	_ =	swait.ge [sflag:s8], $0x4000  }
0x67: {  	[sflag:s8] =	ssyncset.done $0x0  }
0x68: {  	[sflag:s8] =	ssyncadd.s32 $0xFFFFC000  }
0x69: {  	[hbm4b:s9+s2] =	stream.linear.scatter [tilespmem:s6], [sflag:$0x3], $0x4000, $0x38;
	[tilespmem:$0x8500] =	vst v63  }
0x6a: {  	_ =	swait.ge [sflag:s10], $0x4000  }
0x6b: {  	[sflag:s10] =	ssyncset.done $0x0  }
0x6c: {  	[sflag:s10] =	ssyncadd.s32 $0xFFFFC000  }
0x6d: {  	[tilespmem:s6], [sflag:$0x1] =	stream.indirect.gather [hbm4b:s4+s5], $0x80, s11, s5, $0xb8;
	[tilespmem:$0x8500] =	vst v63  }
0x6e: {  	_ =	swait.ge [sflag:s12], $0x4000  }
0x6f: {  	[sflag:s12] =	ssyncset.done $0x0  }
0x70: {  	[sflag:s12] =	ssyncadd.s32 $0xFFFFC000  }
0x71: {  	[hbm4b:s14+s2] =	stream.linear.scatter [tilespmem:s7], [sflag:$0x4], $0x4000, $0x38;
	[tilespmem:$0x8500] =	vst v63  }
0x72: {  	_ =	swait.ge [sflag:s13], $0x4000  }
0x73: {  	[sflag:s13] =	ssyncset.done $0x0  }
0x74: {  	[sflag:s13] =	ssyncadd.s32 $0xFFFFC000  }
0x75: {  	[tilespmem:s7], [sflag:$0x2] =	stream.indirect.gather [hbm4b:s4+s5], $0x80, s15, s5, $0xb8;
	[tilespmem:$0x8500] =	vst v63  }
0x76: {  	_ =	swait.ge [sflag:s8], $0x4000  }
0x77: {  	[sflag:s8] =	ssyncset.done $0x0  }
0x78: {  	[sflag:s8] =	ssyncadd.s32 $0xFFFFC000  }
0x79: {  	[hbm4b:s16+s2] =	stream.linear.scatter [tilespmem:s6], [sflag:$0x3], $0x4000, $0x38;
	[tilespmem:$0x8500] =	vst v63  }
0x7a: {  	_ =	swait.ge [sflag:s10], $0x4000  }
0x7b: {  	[sflag:s10] =	ssyncset.done $0x0  }
0x7c: {  	[sflag:s10] =	ssyncadd.s32 $0xFFFFC000  }
0x7d: {  	[tilespmem:s6], [sflag:$0x1] =	stream.indirect.gather [hbm4b:s4+s5], $0x80, s17, s5, $0xb8;
	[tilespmem:$0x8500] =	vst v63  }
0x7e: {  	_ =	swait.ge [sflag:s12], $0x4000  }
0x7f: {  	[sflag:s12] =	ssyncset.done $0x0  }
0x80: {  	[sflag:s12] =	ssyncadd.s32 $0xFFFFC000  }
0x81: {  	[hbm4b:s18+s2] =	stream.linear.scatter [tilespmem:s7], [sflag:$0x4], $0x4000, $0x38;
	[tilespmem:$0x8500] =	vst v63  }
0x82: {  	_ =	swait.ge [sflag:s13], $0x4000  }
0x83: {  	[sflag:s13] =	ssyncset.done $0x0  }
0x84: {  	[sflag:s13] =	ssyncadd.s32 $0xFFFFC000  }
0x85: {  	[tilespmem:s7], [sflag:$0x2] =	stream.indirect.gather [hbm4b:s4+s5], $0x80, s19, s5, $0xb8;
	[tilespmem:$0x8500] =	vst v63  }
0x86: {  	_ =	swait.ge [sflag:s8], $0x4000  }
0x87: {  	[sflag:s8] =	ssyncset.done $0x0  }
0x88: {  	[sflag:s8] =	ssyncadd.s32 $0xFFFFC000  }
0x89: {  	[hbm4b:s20+s2] =	stream.linear.scatter [tilespmem:s6], [sflag:$0x3], $0x4000, $0x38;
	[tilespmem:$0x8500] =	vst v63  }
0x8a: {  	_ =	swait.ge [sflag:s10], $0x4000  }
0x8b: {  	[sflag:s10] =	ssyncset.done $0x0  }
0x8c: {  	[sflag:s10] =	ssyncadd.s32 $0xFFFFC000  }
0x8d: {  	[tilespmem:s6], [sflag:$0x1] =	stream.indirect.gather [hbm4b:s4+s5], $0x80, s21, s5, $0xb8;
	[tilespmem:$0x8500] =	vst v63  }
0x8e: {  	_ =	swait.ge [sflag:s12], $0x4000  }
0x8f: {  	[sflag:s12] =	ssyncset.done $0x0  }
0x90: {  	[sflag:s12] =	ssyncadd.s32 $0xFFFFC000  }
0x91: {  	[hbm4b:s22+s2] =	stream.linear.scatter [tilespmem:s7], [sflag:$0x4], $0x4000, $0x38;
	[tilespmem:$0x8500] =	vst v63  }
0x92: {  	_ =	swait.ge [sflag:s13], $0x4000  }
0x93: {  	[sflag:s13] =	ssyncset.done $0x0  }
0x94: {  	[sflag:s13] =	ssyncadd.s32 $0xFFFFC000  }
0x95: {  	[tilespmem:s7], [sflag:$0x2] =	stream.indirect.gather [hbm4b:s4+s5], $0x80, s23, s5, $0xb8;
	[tilespmem:$0x8500] =	vst v63  }
0x96: {  	_ =	swait.ge [sflag:s8], $0x4000  }
0x97: {  	[sflag:s8] =	ssyncset.done $0x0  }
0x98: {  	[sflag:s8] =	ssyncadd.s32 $0xFFFFC000  }
0x99: {  	[hbm4b:s24+s2] =	stream.linear.scatter [tilespmem:s6], [sflag:$0x3], $0x4000, $0x38;
	[tilespmem:$0x8500] =	vst v63  }
0x9a: {  	_ =	swait.ge [sflag:s10], $0x4000  }
0x9b: {  	[sflag:s10] =	ssyncset.done $0x0  }
0x9c: {  	[sflag:s10] =	ssyncadd.s32 $0xFFFFC000  }
0x9d: {  	[tilespmem:s6], [sflag:$0x1] =	stream.indirect.gather [hbm4b:s4+s5], $0x80, s25, s5, $0xb8;
	[tilespmem:$0x8500] =	vst v63  }
0x9e: {  	_ =	swait.ge [sflag:s12], $0x4000  }
0x9f: {  	[sflag:s12] =	ssyncset.done $0x0  }
0xa0: {  	[sflag:s12] =	ssyncadd.s32 $0xFFFFC000  }
0xa1: {  	[hbm4b:s26+s2] =	stream.linear.scatter [tilespmem:s7], [sflag:$0x4], $0x4000, $0x38;
	[tilespmem:$0x8500] =	vst v63  }
0xa2: {  	_ =	swait.ge [sflag:s13], $0x4000  }
0xa3: {  	[sflag:s13] =	ssyncset.done $0x0  }
0xa4: {  	[sflag:s13] =	ssyncadd.s32 $0xFFFFC000  }
0xa5: {  	[tilespmem:s7], [sflag:$0x2] =	stream.indirect.gather [hbm4b:s4+s5], $0x80, s28, s5, $0xb8;
	[tilespmem:$0x8500] =	vst v63  }
0xa6: {  	_ =	swait.ge [sflag:s8], $0x4000  }
0xa7: {  	[sflag:s8] =	ssyncset.done $0x0  }
0xa8: {  	[sflag:s8] =	ssyncadd.s32 $0xFFFFC000  }
0xa9: {  	[hbm4b:s29+s2] =	stream.linear.scatter [tilespmem:s6], [sflag:$0x3], $0x4000, $0x38;
	[tilespmem:$0x8500] =	vst v63  }
0xaa: {  	_ =	swait.ge [sflag:s12], $0x4000  }
0xab: {  	[sflag:s12] =	ssyncset.done $0x0  }
0xac: {  	p0 =	sne.s32 s31, $0x1;
	[sflag:s12] =	ssyncadd.s32 $0xFFFFC000  }
0xad: {  	[hbm4b:s30+s2] =	stream.linear.scatter [tilespmem:s7], [sflag:$0x4], $0x4000, $0x38;
	[tilespmem:$0x8500] =	vst v63  }
.Ltmp1:
0xae: {  	_ =	swait.ge [sflag:s10], $0x4000;
	(pc) =	sbr.rel @p0 .LBB2_1-.Ltmp1, $4  }
0xaf: {  	[sflag:s10] =	ssyncset.done $0x0  }
0xb0: {  	[sflag:s10] =	ssyncadd.s32 $0xFFFFC000  }
0xb1: {  	_ =	swait.ge [sflag:s13], $0x4000  }
0xb2: {  	s31 =	sadd.s32 $0xFFFFFFFF, s31;
	[sflag:s13] =	ssyncset.done $0x0  }
.LBB2_2:
0xb3: {  	[sflag:s13] =	ssyncadd.s32 $0xFFFFC000  }
0xb4: {  	_ =	sfence.sel $0x180000  }
0xb5: {  	[bflag:$0x0] =	sbarrier.arrive $0xFFFF  }
0xb6: {  	_ =	strace $0x90000050  }
0xb7: {  	[bflag:$0x2] =	sbarrier.arrive $0xFFFF  }
0xb8: {  	p0 =	sne.s32 s0, $0x0;
	s0 =	rddreg [dreg:$0x1]  }
0xb9: {  	s0 =	sadd.s32 @!p0 $0x100000, s0  }
0xba: {  	[sflag:s0] =	ssyncadd.tile.s32 @!p0 $0x1;
	_ =	shalt  }
.Lfunc_end2:
_tile_overlayer_lowered:
.L_overlay_start_2:
0xbb: {  	(tag) =	ssettag $0x2  }
0xbc: {  	s0 =	rddreg [dreg:$0x0];
	s2 =	stileid.u32  }
0xbd: {  	s1 =	rddreg [dreg:$0x1];
	p0 =	sne.s32 s2, $0x0  }
0xbe: {  	s3 =	rddreg [dreg:$0x2];
	[bflag:$0x3] =	sbarrier.arrive $0xFFFF;
	s2 =	simm.s32 @!p0 $0x1C05  }
0xbf: {  	[timem:s3], [sflag:s2] =	dma.local @!p0 [hbm:s0], s1  }
0xc0: {  	s0 =	simm.s32 @!p0 $0x5  }
0xc1: {  	_ =	swait.ge @!p0 [sflag:s0], s1  }
0xc2: {  	s1 =	ssub.s32 @!p0 $0x0, s1;
	[sflag:s0] =	ssyncset.done @!p0 $0x0  }
0xc3: {  	[sflag:s0] =	ssyncadd.s32 @!p0 s1  }
0xc4: {  	[bflag:$0x3] =	sbarrier.arrive $0xFFFF  }
0xc5: {  	_ =	shalt  }

// kernel: kernel.25.cloned.1.call-start
scs
__scs_entry_jumppad:
0x0: {  	(pc) =	sbr.rel $0x88, $3  }
0x1: {  	(tag) =	ssettag $0x0;
	lr =	simm.s32 $0x1  }
0x2: {  	[smem:$0x3F9D] =	sst lr;
	_ =	strace $0xD0000000  }
0x3: {  	_ = 	snop  }
0x4: {  	_ = 	snop  }
0x5: {  	_ = 	snop  }
0x6: {  	_ = 	snop  }
0x7: {  	_ = 	snop  }
__scs_overlays_trampoline_lowered:
0x8: {  	[smem:$0x3FAC] =	sst s0  }
0x9: {  	[smem:$0x3FAD] =	sst s1  }
0xa: {  	[smem:$0x3FAE] =	sst s2  }
0xb: {  	[smem:$0x3FAF] =	sst s3  }
0xc: {  	[smem:$0x3FB0] =	sst s4  }
0xd: {  	[smem:$0x3FB1] =	sst s5  }
0xe: {  	[smem:$0x3FB2] =	sst s6  }
0xf: {  	[smem:$0x3FB3] =	sst s7  }
0x10: {  	[smem:$0x3FB4] =	sst s8  }
0x11: {  	[smem:$0x3FB5] =	sst s9;
	s0 =	simm.s32 @!p0 $0x0  }
0x12: {  	s1 =	sld [smem:$0x3F9B];
	s0 =	simm.s32 @p0 $0x1  }
0x13: {  	[smem:$0x3FB6] =	sst s0;
	s0 =	simm.s32 @!p1 $0x0  }
0x14: {  	s2 =	sld [smem:$0x3F9A];
	s0 =	simm.s32 @p1 $0x1  }
0x15: {  	[smem:$0x3FB7] =	sst s0;
	s0 =	simm.s32 @!p2 $0x0  }
0x16: {  	s3 =	sld [smem:$0x3FDB];
	s0 =	simm.s32 @p2 $0x1  }
0x17: {  	s4 =	simm.s32 $0x1BF5;
	[smem:$0x3FB9] =	sst s0  }
0x18: {  	s0 =	sld [smem:$0x3F9C];
	_ =	swait.ge [sflag:s4], $0x0  }
0x19: {  	s7 =	sld [smem:$0x3F9D]  }
0x1a: {  	s8 =	sadd.s32 $0xFFFFE003, lr  }
0x1b: {  	s9 =	sadd.s32 $0xFFFFFEF7, lr;
	s5 =	simm.s32 $0xFFFFFFFF;
	p2 =	slt.u32 s8, $0xFFFFF086  }
0x1c: {  	p1 =	slt.u32 s9, $0xF7A;
	s5 =	simm.s32 @!p2 $0x0  }
0x1d: {  	s5 =	simm.s32 @p1 $0x1;
	p0 =	seq.s32 s7, s2  }
0x1e: {  	s7 =	smul.u32 @!p0 $0xF7A, s2;
	p2 =	seq.s32 @!p0 s5, $0x0  }
0x1f: {  	s9 =	smul.u32 $0xF7A, s1;
	s8 =	simm.s32 @!p0 $0x1BF5;
	p2 =	por !p2, p0  }
0x20: {  	[sflag:s8] =	ssyncset.s32 @!p0 $0xFFFFF086;
	s6 =	sadd.s32 @!p0 s3, s7;
	s7 =	simm.s32 @!p0 $0x108  }
0x21: {  	s3 =	sadd.s32 s3, s9;
	s6 =	sadd.s32 @!p0 $0x88, s6;
	s7 =	simm.s32 @p2 $0x1082  }
0x22: {  	[simem:s7], [sflag:s8] =	dma.local @!p0 [hbm:s6], $0xF7A  }
0x23: {  	s9 =	sor.u32 $0xD0000000, s2;
	s6 =	simm.s32 $0x108;
	_ =	swait.ge @!p0 [sflag:s8], $0x0  }
0x24: {  	s3 =	sadd.s32 $0x88, s3;
	s6 =	simm.s32 @!p1 $0x1082;
	[sflag:s4] =	ssyncset.s32 $0xFFFFF086  }
0x25: {  	[simem:s6], [sflag:s4] =	dma.local [hbm:s3], $0xF7A  }
0x26: {  	[smem:$0x3F9D] =	sst s1;
	(tag) =	ssettag s2;
	_ =	strace s9  }
0x27: {  	s1 =	sld [smem:$0x3FAD]  }
0x28: {  	s2 =	sld [smem:$0x3FAE]  }
0x29: {  	s4 =	sld [smem:$0x3FB0]  }
0x2a: {  	p0 =	seq.s32 s5, $0x0;
	s5 =	sld [smem:$0x3FB1]  }
0x2b: {  	s6 =	sld [smem:$0x3FB2]  }
0x2c: {  	s7 =	sld [smem:$0x3FB3]  }
0x2d: {  	s3 =	simm.s32 $0x108;
	s8 =	sld [smem:$0x3FB4]  }
0x2e: {  	s3 =	simm.s32 @!p0 $0x1082;
	s9 =	sld [smem:$0x3FB5]  }
0x2f: {  	lr =	sadd.s32 s0, s3;
	s0 =	sld [smem:$0x3FAC]  }
0x30: {  	s3 =	sld [smem:$0x3FAF]  }
0x31: {  	[smem:$0x3FB8] =	sst s10  }
0x32: {  	s10 =	sld [smem:$0x3FB6];
	_ =	sdelay $0x3  }
0x33: {  	p0 =	seq.s32 s10, $0x1;
	s10 =	sld [smem:$0x3FB8];
	_ =	sdelay $0x3  }
0x34: {  	[smem:$0x3FB8] =	sst s10  }
0x35: {  	s10 =	sld [smem:$0x3FB7];
	_ =	sdelay $0x3  }
0x36: {  	p1 =	seq.s32 s10, $0x1;
	s10 =	sld [smem:$0x3FB8];
	_ =	sdelay $0x3  }
0x37: {  	[smem:$0x3FB8] =	sst s10  }
0x38: {  	s10 =	sld [smem:$0x3FB9]  }
0x39: {  	_ = 	snop;
	(pc) =	sbr.ind lr, $3  }
0x3a: {  	_ = 	snop  }
0x3b: {  	_ = 	snop  }
0x3c: {  	p2 =	seq.s32 s10, $0x1;
	s10 =	sld [smem:$0x3FB8]  }
0x3d: {  	_ =	shalt  }
0x3e: {  	_ =	shalt  }
0x3f: {  	_ =	shalt  }
0x40: {  	_ =	shalt  }
0x41: {  	_ =	shalt  }
0x42: {  	_ =	shalt  }
0x43: {  	_ =	shalt  }
0x44: {  	_ =	shalt  }
0x45: {  	_ =	shalt  }
0x46: {  	_ =	shalt  }
0x47: {  	_ =	shalt  }
0x48: {  	_ =	shalt  }
0x49: {  	_ =	shalt  }
0x4a: {  	_ =	shalt  }
0x4b: {  	_ =	shalt  }
0x4c: {  	_ =	shalt  }
0x4d: {  	_ =	shalt  }
0x4e: {  	_ =	shalt  }
0x4f: {  	_ =	shalt  }
0x50: {  	_ =	shalt  }
0x51: {  	_ =	shalt  }
0x52: {  	_ =	shalt  }
0x53: {  	_ =	shalt  }
0x54: {  	_ =	shalt  }
0x55: {  	_ =	shalt  }
0x56: {  	_ =	shalt  }
0x57: {  	_ =	shalt  }
0x58: {  	_ =	shalt  }
0x59: {  	_ =	shalt  }
0x5a: {  	_ =	shalt  }
0x5b: {  	_ =	shalt  }
0x5c: {  	_ =	shalt  }
0x5d: {  	_ =	shalt  }
0x5e: {  	_ =	shalt  }
0x5f: {  	_ =	shalt  }
0x60: {  	_ =	shalt  }
0x61: {  	_ =	shalt  }
0x62: {  	_ =	shalt  }
0x63: {  	_ =	shalt  }
0x64: {  	_ =	shalt  }
0x65: {  	_ =	shalt  }
0x66: {  	_ =	shalt  }
0x67: {  	_ =	shalt  }
0x68: {  	_ =	shalt  }
0x69: {  	_ =	shalt  }
0x6a: {  	_ =	shalt  }
0x6b: {  	_ =	shalt  }
0x6c: {  	_ =	shalt  }
0x6d: {  	_ =	shalt  }
0x6e: {  	_ =	shalt  }
0x6f: {  	_ =	shalt  }
0x70: {  	_ =	shalt  }
0x71: {  	_ =	shalt  }
0x72: {  	_ =	shalt  }
0x73: {  	_ =	shalt  }
0x74: {  	_ =	shalt  }
0x75: {  	_ =	shalt  }
0x76: {  	_ =	shalt  }
0x77: {  	_ =	shalt  }
0x78: {  	_ =	shalt  }
0x79: {  	_ =	shalt  }
0x7a: {  	_ =	shalt  }
0x7b: {  	_ =	shalt  }
0x7c: {  	_ =	shalt  }
0x7d: {  	_ =	shalt  }
0x7e: {  	_ =	shalt  }
0x7f: {  	_ =	shalt  }
0x80: {  	_ =	shalt  }
0x81: {  	_ =	shalt  }
0x82: {  	_ =	shalt  }
0x83: {  	_ =	shalt  }
0x84: {  	_ =	shalt  }
0x85: {  	_ =	shalt  }
0x86: {  	_ =	shalt  }
0x87: {  	_ =	shalt  }
.Lfunc_end0:
.L_simem_size_0:
called_computation.4_lowered:
.L_overlay_start_0:
0x88: {  	s2 =	sld [smem:$0x3FD9]  }
0x89: {  	s3 =	sld [smem:$0x3FFE];
	_ =	sdelay $0x1  }
0x8a: {  	s1 =	srdreg.scid  }
0x8b: {  	s0 =	sand.u32 $0x1, s1  }
0x8c: {  	s17 =	sshll.u32 s0, $0xA;
	s2 =	sadd.s32 s3, s2  }
0x8d: {  	s2 =	sadd.s32 s2, s17  }
0x8e: {  	[smem:$0x3FC4] =	sst s2  }
0x8f: {  	_ = 	snop  }
0x90: {  	(tm) =	ssettm $0x1  }
0x91: {  	s18 =	sld [smem:$0x3FFB];
	_ =	sdelay $0x3  }
0x92: {  	_ =	strace s18  }
0x93: {  	s2 =	sld [smem:$0x3FFC];
	_ =	sdelay $0x3  }
0x94: {  	_ =	strace s2  }
0x95: {  	s2 =	sld [smem:$0x3FFD];
	_ =	sdelay $0x3  }
0x96: {  	_ =	strace s2  }
0x97: {  	_ =	strace $0x8FFFFFFF  }
0x98: {  	s19 =	sld [smem:$0x3FDB];
	_ =	sdelay $0x1  }
0x99: {  	s20 =	simm.s32 $_scs_section_size  }
0x9a: {  	s4 =	simm.s32 $_size__tile_overlayer_lowered;
	s5 =	simm.s32 $_tile_overlayer_lowered  }
0x9b: {  	s6 =	simm.s32 $0x1BFF;
	s21 =	sshll.u32 s5, $0x1;
	s3 =	sadd.s32 s20, s19  }
0x9c: {  	s22 =	simm.s32 $0x0;
	s4 =	sshll.u32 s4, $0x1;
	s5 =	sadd.s32 s21, s3  }
0x9d: {  	[timem:s22], [sflag:s6] =	dma.local [hbm:s5], s4  }
0x9e: {  	_ =	swait.ge [sflag:s6], s4  }
0x9f: {  	s4 =	ssub.s32 $0x0, s4;
	[sflag:s6] =	ssyncset.done $0x0  }
0xa0: {  	[sflag:s6] =	ssyncadd.s32 s4;
	_ =	sdelay $0x1  }
0xa1: {  	s23 =	simm.s32 $0x1B8B  }
0xa2: {  	_ =	swait.ge [sflag:s23], $0x1  }
0xa3: {  	[sflag:s23] =	ssyncset.done $0x0  }
0xa4: {  	[sflag:s23] =	ssyncadd.s32 $0xFFFFFFFF  }
0xa5: {  	s4 =	sld [smem:$0x0]  }
0xa6: {  	s5 =	sand.u32 $0xFFFFFFFE, s1  }
0xa7: {  	p0 =	sne.s32 s1, s5  }
0xa8: {  	s5 =	sshll.u32 @p0 s5, $0xE  }
0xa9: {  	s5 =	sadd.s32 @p0 $0x11B8D, s5;
	s6 =	sshll.u32 @p0 s4, $0x11  }
0xaa: {  	s5 =	sor.u32 @p0 s6, s5  }
0xab: {  	[sflag:s5] =	ssyncadd.remote.s32 @p0 $0x1;
	_ =	sdelay $0x1  }
0xac: {  	s5 =	simm.s32 @p0 $0x1B8D  }
0xad: {  	_ =	swait.eq @p0 [sflag:s5], $0x1  }
0xae: {  	[sflag:s5] =	ssyncadd.s32 @p0 $0xFFFFFFFF  }
0xaf: {  	s6 =	sshll.u32 @!p0 s1, $0xE  }
0xb0: {  	s6 =	sor.u32 @!p0 $0x4000, s6;
	s5 =	simm.s32 @!p0 $0x1B8D  }
0xb1: {  	s4 =	sshll.u32 @!p0 s4, $0x11;
	s6 =	sadd.s32 @!p0 $0x11B8D, s6;
	_ =	swait.eq @!p0 [sflag:s5], $0x1  }
0xb2: {  	s4 =	sor.u32 @!p0 s4, s6;
	[sflag:s5] =	ssyncadd.s32 @!p0 $0xFFFFFFFF  }
0xb3: {  	s25 =	simm.s32 $0x1B8E;
	s24 =	sld [smem:$0x3FFE];
	[sflag:s4] =	ssyncadd.remote.s32 @!p0 $0x1  }
0xb4: {  	s26 =	simm.s32 $execute0_lowered;
	[smem:$0x3FD2] =	sst s25  }
0xb5: {  	s5 =	sshll.u32 s26, $0x1;
	_ =	strace $0x80000052;
	[dreg:$0x1] =	wrdreg $0xFFFFFFFF  }
0xb6: {  	s28 =	simm.s32 $_size_execute0_lowered;
	s3 =	sadd.s32 s3, s5;
	[dreg:$0x0] =	wrdreg $0x0  }
0xb7: {  	s5 =	sshll.u32 s28, $0x1;
	[dreg:$0x2] =	wrdreg s3  }
0xb8: {  	[dreg:$0x3] =	wrdreg s5  }
0xb9: {  	[dreg:$0x4] =	wrdreg $0xC0  }
0xba: {  	_ =	task [dreg:s22], $0x5FFFF  }
0xbb: {  	[dreg:$0x1] =	wrdreg $0xFFFFFFFF  }
0xbc: {  	[dreg:$0x0] =	wrdreg $0x60  }
0xbd: {  	[dreg:$0x2] =	wrdreg s24  }
0xbe: {  	[dreg:$0x3] =	wrdreg $0xD  }
0xbf: {  	_ =	task.clear_ibuf [dreg:s22], $0x4FFFF;
	_ =	strace $0x90000052  }
0xc0: {  	s29 =	simm.s32 $0xD;
	_ =	strace $0x80000054  }
0xc1: {  	_ =	swait.ge [sflag:s29], $0x1  }
0xc2: {  	[sflag:s29] =	ssyncadd.s32 $0xFFFFFFFF  }
0xc3: {  	_ =	strace $0x90000054  }
0xc4: {  	_ =	sfence  }
0xc5: {  	s30 =	sld [smem:$0x0];
	_ =	sdelay $0x2  }
0xc6: {  	s31 =	sshll.u32 s1, $0xD;
	s1 =	sshrl.u32 s1, $0x2  }
0xc7: {  	s4 =	sand.u32 $0x4000, s31;
	s1 =	sadd.s32 s1, s30  }
0xc8: {  	s0 =	sor.u32 s4, s0;
	s1 =	sshll.u32 s1, $0x11  }
0xc9: {  	s0 =	sor.u32 s1, s0  }
0xca: {  	s0 =	sadd.s32 $0x8F2B, s0  }
0xcb: {  	[sflag:s0] =	ssyncadd.remote.s32 $0x1  }
0xcc: {  	_ =	sfence.sel $0xFFFF  }
0xcd: {  	[dreg:$0x0] =	wrdreg $0xFFFFFFFF;
	(pc) =	sbr.abs _section_cstart, $3  }
0xce: {  	[dreg:$0x1] =	wrdreg $0xFFFFFFFF  }
0xcf: {  	_ =	task.clear_ibuf [dreg:s22], $0x2FFFF;
	_ =	strace $0x9FFFFFFF  }
0xd0: {  	(tm) =	ssettm $0x7FFFFFFF  }
0xd1: {  	_ =	shalt  }
tec
execute0_lowered:
.L_overlay_start_1:
0x0: {  	(tag) =	ssettag $0x1  }
0x1: {  	s1 =	srdreg.scid;
	s0 =	stileid.u32  }
0x2: {  	s30 =	sand.u32 $0x1, s1;
	s25 =	sshll.u32 s0, $0x1  }
0x3: {  	s11 =	sor.u32 s30, s25  }
0x4: {  	s3 =	smul.u32 $0x500, s11;
	_ =	sdelay $0x1  }
0x5: {  	s9 =	rddreg [dreg:$0x0];
	s3 =	sshrl.u32 s3, $0x3  }
0x6: {  	s2 =	simm.s32 $0x0;
	s3 =	sadd.s32 s9, s3  }
0x7: {  	[smem:$0x7FF] =	sst s2;
	s3 =	sadd.s32 $0x18DE00, s3  }
0x8: {  	_ =	strace $0x80000053;
	[dreg:$0x2] =	wrdreg s3  }
0x9: {  	s3 =	simm.s32 $0x5;
	s4 =	rddreg [dreg:$0x2]  }
0xa: {  	[tilespmem:s2], [sflag:$0x5] =	stream.linear.gather [hbm4b:s4+s2], $0x500, $0x38;
	[tilespmem:$0x8500] =	vst v63  }
0xb: {  	_ =	swait.ge [sflag:s3], $0x500  }
0xc: {  	s5 =	simm.s32 $0x80;
	[sflag:s3] =	ssyncset.done $0x0  }
0xd: {  	s6 =	simm.s32 $0x500;
	s4 =	sadd.s32 $0x2400, s9;
	[sflag:s3] =	ssyncadd.s32 $0xFFFFFB00  }
0xe: {  	[tilespmem:s6], [sflag:$0x1] =	stream.indirect.gather [hbm4b:s4+s5], $0x80, s2, s5, $0xb8;
	[tilespmem:$0x8500] =	vst v63  }
0xf: {  	s7 =	simm.s32 $0x4500;
	s8 =	simm.s32 $0x1;
	s10 =	smul.u32 $0x28000, s11  }
0x10: {  	[tilespmem:s7], [sflag:$0x2] =	stream.indirect.gather [hbm4b:s4+s5], $0x80, s5, s5, $0xb8;
	[tilespmem:$0x8500] =	vst v63  }
0x11: {  	_ =	swait.ge [sflag:s8], $0x4000  }
0x12: {  	s13 =	sadd.s32 $0x36F200, s9;
	s26 =	sshrl.u32 s10, $0x3;
	[sflag:s8] =	ssyncset.done $0x0  }
0x13: {  	s10 =	simm.s32 $0x3;
	s9 =	sadd.s32 s13, s26;
	[sflag:s8] =	ssyncadd.s32 $0xFFFFC000  }
0x14: {  	[hbm4b:s9+s2] =	stream.linear.scatter [tilespmem:s6], [sflag:$0x3], $0x4000, $0x38;
	[tilespmem:$0x8500] =	vst v63  }
0x15: {  	_ =	swait.ge [sflag:s10], $0x4000  }
0x16: {  	s12 =	simm.s32 $0x2;
	[sflag:s10] =	ssyncset.done $0x0  }
0x17: {  	s14 =	smul.u32 $0x5000, s11;
	s11 =	simm.s32 $0x100;
	[sflag:s10] =	ssyncadd.s32 $0xFFFFC000  }
0x18: {  	[tilespmem:s6], [sflag:$0x1] =	stream.indirect.gather [hbm4b:s4+s5], $0x80, s11, s5, $0xb8;
	[tilespmem:$0x8500] =	vst v63  }
0x19: {  	_ =	swait.ge [sflag:s12], $0x4000  }
0x1a: {  	s31 =	sadd.s32 s13, s14;
	[sflag:s12] =	ssyncset.done $0x0  }
0x1b: {  	s14 =	sadd.s32 $0x800, s31;
	s13 =	simm.s32 $0x4;
	[sflag:s12] =	ssyncadd.s32 $0xFFFFC000  }
0x1c: {  	[hbm4b:s14+s2] =	stream.linear.scatter [tilespmem:s7], [sflag:$0x4], $0x4000, $0x38;
	[tilespmem:$0x8500] =	vst v63  }
0x1d: {  	_ =	swait.ge [sflag:s13], $0x4000  }
0x1e: {  	[sflag:s13] =	ssyncset.done $0x0  }
0x1f: {  	s15 =	simm.s32 $0x180;
	[sflag:s13] =	ssyncadd.s32 $0xFFFFC000  }
0x20: {  	[tilespmem:s7], [sflag:$0x2] =	stream.indirect.gather [hbm4b:s4+s5], $0x80, s15, s5, $0xb8;
	[tilespmem:$0x8500] =	vst v63  }
0x21: {  	_ =	swait.ge [sflag:s8], $0x4000  }
0x22: {  	[sflag:s8] =	ssyncset.done $0x0  }
0x23: {  	s16 =	sadd.s32 $0x1000, s9;
	[sflag:s8] =	ssyncadd.s32 $0xFFFFC000  }
0x24: {  	[hbm4b:s16+s2] =	stream.linear.scatter [tilespmem:s6], [sflag:$0x3], $0x4000, $0x38;
	[tilespmem:$0x8500] =	vst v63  }
0x25: {  	_ =	swait.ge [sflag:s10], $0x4000  }
0x26: {  	[sflag:s10] =	ssyncset.done $0x0  }
0x27: {  	s17 =	simm.s32 $0x200;
	[sflag:s10] =	ssyncadd.s32 $0xFFFFC000  }
0x28: {  	[tilespmem:s6], [sflag:$0x1] =	stream.indirect.gather [hbm4b:s4+s5], $0x80, s17, s5, $0xb8;
	[tilespmem:$0x8500] =	vst v63  }
0x29: {  	_ =	swait.ge [sflag:s12], $0x4000  }
0x2a: {  	[sflag:s12] =	ssyncset.done $0x0  }
0x2b: {  	s18 =	sadd.s32 $0x1800, s31;
	[sflag:s12] =	ssyncadd.s32 $0xFFFFC000  }
0x2c: {  	[hbm4b:s18+s2] =	stream.linear.scatter [tilespmem:s7], [sflag:$0x4], $0x4000, $0x38;
	[tilespmem:$0x8500] =	vst v63  }
0x2d: {  	_ =	swait.ge [sflag:s13], $0x4000  }
0x2e: {  	[sflag:s13] =	ssyncset.done $0x0  }
0x2f: {  	s19 =	simm.s32 $0x280;
	[sflag:s13] =	ssyncadd.s32 $0xFFFFC000  }
0x30: {  	[tilespmem:s7], [sflag:$0x2] =	stream.indirect.gather [hbm4b:s4+s5], $0x80, s19, s5, $0xb8;
	[tilespmem:$0x8500] =	vst v63  }
0x31: {  	_ =	swait.ge [sflag:s8], $0x4000  }
0x32: {  	[sflag:s8] =	ssyncset.done $0x0  }
0x33: {  	s20 =	sadd.s32 $0x2000, s9;
	[sflag:s8] =	ssyncadd.s32 $0xFFFFC000  }
0x34: {  	[hbm4b:s20+s2] =	stream.linear.scatter [tilespmem:s6], [sflag:$0x3], $0x4000, $0x38;
	[tilespmem:$0x8500] =	vst v63  }
0x35: {  	_ =	swait.ge [sflag:s10], $0x4000  }
0x36: {  	[sflag:s10] =	ssyncset.done $0x0  }
0x37: {  	s21 =	simm.s32 $0x300;
	[sflag:s10] =	ssyncadd.s32 $0xFFFFC000  }
0x38: {  	[tilespmem:s6], [sflag:$0x1] =	stream.indirect.gather [hbm4b:s4+s5], $0x80, s21, s5, $0xb8;
	[tilespmem:$0x8500] =	vst v63  }
0x39: {  	_ =	swait.ge [sflag:s12], $0x4000  }
0x3a: {  	[sflag:s12] =	ssyncset.done $0x0  }
0x3b: {  	s22 =	sadd.s32 $0x2800, s31;
	[sflag:s12] =	ssyncadd.s32 $0xFFFFC000  }
0x3c: {  	[hbm4b:s22+s2] =	stream.linear.scatter [tilespmem:s7], [sflag:$0x4], $0x4000, $0x38;
	[tilespmem:$0x8500] =	vst v63  }
0x3d: {  	_ =	swait.ge [sflag:s13], $0x4000  }
0x3e: {  	[sflag:s13] =	ssyncset.done $0x0  }
0x3f: {  	s23 =	simm.s32 $0x380;
	[sflag:s13] =	ssyncadd.s32 $0xFFFFC000  }
0x40: {  	[tilespmem:s7], [sflag:$0x2] =	stream.indirect.gather [hbm4b:s4+s5], $0x80, s23, s5, $0xb8;
	[tilespmem:$0x8500] =	vst v63  }
0x41: {  	_ =	swait.ge [sflag:s8], $0x4000  }
0x42: {  	[sflag:s8] =	ssyncset.done $0x0  }
0x43: {  	s24 =	sadd.s32 $0x3000, s9;
	[sflag:s8] =	ssyncadd.s32 $0xFFFFC000  }
0x44: {  	[hbm4b:s24+s2] =	stream.linear.scatter [tilespmem:s6], [sflag:$0x3], $0x4000, $0x38;
	[tilespmem:$0x8500] =	vst v63  }
0x45: {  	_ =	swait.ge [sflag:s10], $0x4000  }
0x46: {  	[sflag:s10] =	ssyncset.done $0x0  }
0x47: {  	s25 =	simm.s32 $0x400;
	[sflag:s10] =	ssyncadd.s32 $0xFFFFC000  }
0x48: {  	[tilespmem:s6], [sflag:$0x1] =	stream.indirect.gather [hbm4b:s4+s5], $0x80, s25, s5, $0xb8;
	[tilespmem:$0x8500] =	vst v63  }
0x49: {  	_ =	swait.ge [sflag:s12], $0x4000  }
0x4a: {  	[sflag:s12] =	ssyncset.done $0x0  }
0x4b: {  	s26 =	sadd.s32 $0x3800, s31;
	[sflag:s12] =	ssyncadd.s32 $0xFFFFC000  }
0x4c: {  	[hbm4b:s26+s2] =	stream.linear.scatter [tilespmem:s7], [sflag:$0x4], $0x4000, $0x38;
	[tilespmem:$0x8500] =	vst v63  }
0x4d: {  	_ =	swait.ge [sflag:s13], $0x4000  }
0x4e: {  	[sflag:s13] =	ssyncset.done $0x0  }
0x4f: {  	s28 =	simm.s32 $0x480;
	[sflag:s13] =	ssyncadd.s32 $0xFFFFC000  }
0x50: {  	[tilespmem:s7], [sflag:$0x2] =	stream.indirect.gather [hbm4b:s4+s5], $0x80, s28, s5, $0xb8;
	[tilespmem:$0x8500] =	vst v63  }
0x51: {  	_ =	swait.ge [sflag:s8], $0x4000  }
0x52: {  	s1 =	ssub.s32 $0x2, s30;
	s30 =	sadd.s32 $0x4800, s31;
	[sflag:s8] =	ssyncset.done $0x0  }
0x53: {  	s31 =	sshrl.u32 s1, $0x1;
	s29 =	sadd.s32 $0x4000, s9;
	[sflag:s8] =	ssyncadd.s32 $0xFFFFC000  }
0x54: {  	[hbm4b:s29+s2] =	stream.linear.scatter [tilespmem:s6], [sflag:$0x3], $0x4000, $0x38;
	[tilespmem:$0x8500] =	vst v63  }
0x55: {  	s1 =	ssub.s32 s1, s31;
	_ =	swait.ge [sflag:s12], $0x4000  }
0x56: {  	s1 =	smax.u32 s1, $0x1;
	[sflag:s12] =	ssyncset.done $0x0  }
0x57: {  	p0 =	sne.s32 s1, $0x1;
	[sflag:s12] =	ssyncadd.s32 $0xFFFFC000  }
0x58: {  	[hbm4b:s30+s2] =	stream.linear.scatter [tilespmem:s7], [sflag:$0x4], $0x4000, $0x38;
	[tilespmem:$0x8500] =	vst v63  }
.Ltmp0:
0x59: {  	_ =	swait.ge [sflag:s10], $0x4000;
	(pc) =	sbr.rel @!p0 .LBB2_2-.Ltmp0, $4  }
0x5a: {  	[sflag:s10] =	ssyncset.done $0x0  }
0x5b: {  	[sflag:s10] =	ssyncadd.s32 $0xFFFFC000  }
0x5c: {  	_ =	swait.ge [sflag:s13], $0x4000  }
0x5d: {  	s31 =	sadd.s32 $0xFFFFFFFF, s1;
	[sflag:s13] =	ssyncset.done $0x0  }
.LBB2_1:
0x5e: {  	s1 =	rddreg [dreg:$0x2];
	[sflag:s13] =	ssyncadd.s32 $0xFFFFC000  }
0x5f: {  	[tilespmem:s2], [sflag:$0x5] =	stream.linear.gather [hbm4b:s1+s2], $0x500, $0x38;
	[tilespmem:$0x8500] =	vst v63  }
0x60: {  	_ =	swait.ge [sflag:s3], $0x500  }
0x61: {  	[sflag:s3] =	ssyncset.done $0x0  }
0x62: {  	[sflag:s3] =	ssyncadd.s32 $0xFFFFFB00  }
0x63: {  	[tilespmem:s6], [sflag:$0x1] =	stream.indirect.gather [hbm4b:s4+s5], $0x80, s2, s5, $0xb8;
	[tilespmem:$0x8500] =	vst v63  }
0x64: {  	_ = 	snop  }
0x65: {  	[tilespmem:s7], [sflag:$0x2] =	stream.indirect.gather [hbm4b:s4+s5], $0x80, s5, s5, $0xb8;
	[tilespmem:$0x8500] =	vst v63  }
0x66: {  	_ =	swait.ge [sflag:s8], $0x4000  }
0x67: {  	[sflag:s8] =	ssyncset.done $0x0  }
0x68: {  	[sflag:s8] =	ssyncadd.s32 $0xFFFFC000  }
0x69: {  	[hbm4b:s9+s2] =	stream.linear.scatter [tilespmem:s6], [sflag:$0x3], $0x4000, $0x38;
	[tilespmem:$0x8500] =	vst v63  }
0x6a: {  	_ =	swait.ge [sflag:s10], $0x4000  }
0x6b: {  	[sflag:s10] =	ssyncset.done $0x0  }
0x6c: {  	[sflag:s10] =	ssyncadd.s32 $0xFFFFC000  }
0x6d: {  	[tilespmem:s6], [sflag:$0x1] =	stream.indirect.gather [hbm4b:s4+s5], $0x80, s11, s5, $0xb8;
	[tilespmem:$0x8500] =	vst v63  }
0x6e: {  	_ =	swait.ge [sflag:s12], $0x4000  }
0x6f: {  	[sflag:s12] =	ssyncset.done $0x0  }
0x70: {  	[sflag:s12] =	ssyncadd.s32 $0xFFFFC000  }
0x71: {  	[hbm4b:s14+s2] =	stream.linear.scatter [tilespmem:s7], [sflag:$0x4], $0x4000, $0x38;
	[tilespmem:$0x8500] =	vst v63  }
0x72: {  	_ =	swait.ge [sflag:s13], $0x4000  }
0x73: {  	[sflag:s13] =	ssyncset.done $0x0  }
0x74: {  	[sflag:s13] =	ssyncadd.s32 $0xFFFFC000  }
0x75: {  	[tilespmem:s7], [sflag:$0x2] =	stream.indirect.gather [hbm4b:s4+s5], $0x80, s15, s5, $0xb8;
	[tilespmem:$0x8500] =	vst v63  }
0x76: {  	_ =	swait.ge [sflag:s8], $0x4000  }
0x77: {  	[sflag:s8] =	ssyncset.done $0x0  }
0x78: {  	[sflag:s8] =	ssyncadd.s32 $0xFFFFC000  }
0x79: {  	[hbm4b:s16+s2] =	stream.linear.scatter [tilespmem:s6], [sflag:$0x3], $0x4000, $0x38;
	[tilespmem:$0x8500] =	vst v63  }
0x7a: {  	_ =	swait.ge [sflag:s10], $0x4000  }
0x7b: {  	[sflag:s10] =	ssyncset.done $0x0  }
0x7c: {  	[sflag:s10] =	ssyncadd.s32 $0xFFFFC000  }
0x7d: {  	[tilespmem:s6], [sflag:$0x1] =	stream.indirect.gather [hbm4b:s4+s5], $0x80, s17, s5, $0xb8;
	[tilespmem:$0x8500] =	vst v63  }
0x7e: {  	_ =	swait.ge [sflag:s12], $0x4000  }
0x7f: {  	[sflag:s12] =	ssyncset.done $0x0  }
0x80: {  	[sflag:s12] =	ssyncadd.s32 $0xFFFFC000  }
0x81: {  	[hbm4b:s18+s2] =	stream.linear.scatter [tilespmem:s7], [sflag:$0x4], $0x4000, $0x38;
	[tilespmem:$0x8500] =	vst v63  }
0x82: {  	_ =	swait.ge [sflag:s13], $0x4000  }
0x83: {  	[sflag:s13] =	ssyncset.done $0x0  }
0x84: {  	[sflag:s13] =	ssyncadd.s32 $0xFFFFC000  }
0x85: {  	[tilespmem:s7], [sflag:$0x2] =	stream.indirect.gather [hbm4b:s4+s5], $0x80, s19, s5, $0xb8;
	[tilespmem:$0x8500] =	vst v63  }
0x86: {  	_ =	swait.ge [sflag:s8], $0x4000  }
0x87: {  	[sflag:s8] =	ssyncset.done $0x0  }
0x88: {  	[sflag:s8] =	ssyncadd.s32 $0xFFFFC000  }
0x89: {  	[hbm4b:s20+s2] =	stream.linear.scatter [tilespmem:s6], [sflag:$0x3], $0x4000, $0x38;
	[tilespmem:$0x8500] =	vst v63  }
0x8a: {  	_ =	swait.ge [sflag:s10], $0x4000  }
0x8b: {  	[sflag:s10] =	ssyncset.done $0x0  }
0x8c: {  	[sflag:s10] =	ssyncadd.s32 $0xFFFFC000  }
0x8d: {  	[tilespmem:s6], [sflag:$0x1] =	stream.indirect.gather [hbm4b:s4+s5], $0x80, s21, s5, $0xb8;
	[tilespmem:$0x8500] =	vst v63  }
0x8e: {  	_ =	swait.ge [sflag:s12], $0x4000  }
0x8f: {  	[sflag:s12] =	ssyncset.done $0x0  }
0x90: {  	[sflag:s12] =	ssyncadd.s32 $0xFFFFC000  }
0x91: {  	[hbm4b:s22+s2] =	stream.linear.scatter [tilespmem:s7], [sflag:$0x4], $0x4000, $0x38;
	[tilespmem:$0x8500] =	vst v63  }
0x92: {  	_ =	swait.ge [sflag:s13], $0x4000  }
0x93: {  	[sflag:s13] =	ssyncset.done $0x0  }
0x94: {  	[sflag:s13] =	ssyncadd.s32 $0xFFFFC000  }
0x95: {  	[tilespmem:s7], [sflag:$0x2] =	stream.indirect.gather [hbm4b:s4+s5], $0x80, s23, s5, $0xb8;
	[tilespmem:$0x8500] =	vst v63  }
0x96: {  	_ =	swait.ge [sflag:s8], $0x4000  }
0x97: {  	[sflag:s8] =	ssyncset.done $0x0  }
0x98: {  	[sflag:s8] =	ssyncadd.s32 $0xFFFFC000  }
0x99: {  	[hbm4b:s24+s2] =	stream.linear.scatter [tilespmem:s6], [sflag:$0x3], $0x4000, $0x38;
	[tilespmem:$0x8500] =	vst v63  }
0x9a: {  	_ =	swait.ge [sflag:s10], $0x4000  }
0x9b: {  	[sflag:s10] =	ssyncset.done $0x0  }
0x9c: {  	[sflag:s10] =	ssyncadd.s32 $0xFFFFC000  }
0x9d: {  	[tilespmem:s6], [sflag:$0x1] =	stream.indirect.gather [hbm4b:s4+s5], $0x80, s25, s5, $0xb8;
	[tilespmem:$0x8500] =	vst v63  }
0x9e: {  	_ =	swait.ge [sflag:s12], $0x4000  }
0x9f: {  	[sflag:s12] =	ssyncset.done $0x0  }
0xa0: {  	[sflag:s12] =	ssyncadd.s32 $0xFFFFC000  }
0xa1: {  	[hbm4b:s26+s2] =	stream.linear.scatter [tilespmem:s7], [sflag:$0x4], $0x4000, $0x38;
	[tilespmem:$0x8500] =	vst v63  }
0xa2: {  	_ =	swait.ge [sflag:s13], $0x4000  }
0xa3: {  	[sflag:s13] =	ssyncset.done $0x0  }
0xa4: {  	[sflag:s13] =	ssyncadd.s32 $0xFFFFC000  }
0xa5: {  	[tilespmem:s7], [sflag:$0x2] =	stream.indirect.gather [hbm4b:s4+s5], $0x80, s28, s5, $0xb8;
	[tilespmem:$0x8500] =	vst v63  }
0xa6: {  	_ =	swait.ge [sflag:s8], $0x4000  }
0xa7: {  	[sflag:s8] =	ssyncset.done $0x0  }
0xa8: {  	[sflag:s8] =	ssyncadd.s32 $0xFFFFC000  }
0xa9: {  	[hbm4b:s29+s2] =	stream.linear.scatter [tilespmem:s6], [sflag:$0x3], $0x4000, $0x38;
	[tilespmem:$0x8500] =	vst v63  }
0xaa: {  	_ =	swait.ge [sflag:s12], $0x4000  }
0xab: {  	[sflag:s12] =	ssyncset.done $0x0  }
0xac: {  	p0 =	sne.s32 s31, $0x1;
	[sflag:s12] =	ssyncadd.s32 $0xFFFFC000  }
0xad: {  	[hbm4b:s30+s2] =	stream.linear.scatter [tilespmem:s7], [sflag:$0x4], $0x4000, $0x38;
	[tilespmem:$0x8500] =	vst v63  }
.Ltmp1:
0xae: {  	_ =	swait.ge [sflag:s10], $0x4000;
	(pc) =	sbr.rel @p0 .LBB2_1-.Ltmp1, $4  }
0xaf: {  	[sflag:s10] =	ssyncset.done $0x0  }
0xb0: {  	[sflag:s10] =	ssyncadd.s32 $0xFFFFC000  }
0xb1: {  	_ =	swait.ge [sflag:s13], $0x4000  }
0xb2: {  	s31 =	sadd.s32 $0xFFFFFFFF, s31;
	[sflag:s13] =	ssyncset.done $0x0  }
.LBB2_2:
0xb3: {  	[sflag:s13] =	ssyncadd.s32 $0xFFFFC000  }
0xb4: {  	_ =	sfence.sel $0x180000  }
0xb5: {  	[bflag:$0x0] =	sbarrier.arrive $0xFFFF  }
0xb6: {  	_ =	strace $0x90000053  }
0xb7: {  	[bflag:$0x2] =	sbarrier.arrive $0xFFFF  }
0xb8: {  	p0 =	sne.s32 s0, $0x0;
	s0 =	rddreg [dreg:$0x1]  }
0xb9: {  	s0 =	sadd.s32 @!p0 $0x100000, s0  }
0xba: {  	[sflag:s0] =	ssyncadd.tile.s32 @!p0 $0x1;
	_ =	shalt  }
.Lfunc_end2:
_tile_overlayer_lowered:
.L_overlay_start_2:
0xbb: {  	(tag) =	ssettag $0x2  }
0xbc: {  	s0 =	rddreg [dreg:$0x0];
	s2 =	stileid.u32  }
0xbd: {  	s1 =	rddreg [dreg:$0x1];
	p0 =	sne.s32 s2, $0x0  }
0xbe: {  	s3 =	rddreg [dreg:$0x2];
	[bflag:$0x3] =	sbarrier.arrive $0xFFFF;
	s2 =	simm.s32 @!p0 $0x1C05  }
0xbf: {  	[timem:s3], [sflag:s2] =	dma.local @!p0 [hbm:s0], s1  }
0xc0: {  	s0 =	simm.s32 @!p0 $0x5  }
0xc1: {  	_ =	swait.ge @!p0 [sflag:s0], s1  }
0xc2: {  	s1 =	ssub.s32 @!p0 $0x0, s1;
	[sflag:s0] =	ssyncset.done @!p0 $0x0  }
0xc3: {  	[sflag:s0] =	ssyncadd.s32 @!p0 s1  }
0xc4: {  	[bflag:$0x3] =	sbarrier.arrive $0xFFFF  }
0xc5: {  	_ =	shalt  }

</sc_bundles>
